<compile_context>
chip_gen: v7x
topology: tpu7x:2x2x1
jax: 0.10.2.dev20260603
libtpu: 0.0.44.dev20260713+nightly
codegen_flags: <defaults>
</compile_context>

<pallas_src>
import functools

import jax
import jax.numpy as jnp
from jax import lax
from jax.experimental import pallas as pl
from jax.experimental.pallas import tpu as pltpu
from jax.experimental.pallas import tpu_sc as plsc

D = 128
K = 25
N = 500 * 50
NC = 2
NS = 16
GSZ = 112
NBATCH = 224
PAIRB = NBATCH // NS
CORE0_BATCHES = 7
NACC = 4
NIDX = 2


def _worker_pipeline(ng, bstart, table_hbm, idx_hbm, out_hbm,
                     idx_t, accs, asems, osems, isems):

    def off_rows(i):
        off = (bstart + i) * GSZ
        return jnp.where(off > N - GSZ, N - GSZ, off)

    def stage(i):
        t = i % NIDX
        off = off_rows(i)

        def per_k(k, _):
            pltpu.async_copy(idx_hbm.at[pl.ds(k * NPADK + off, GSZ)],
                             idx_t[t].at[pl.ds(k * GSZ, GSZ)], isems[t])
            return 0

        lax.fori_loop(0, K, per_k, 0)

    def drain_stage(i):
        t = i % NIDX
        pltpu.make_async_copy(idx_hbm.at[pl.ds(0, K * GSZ)], idx_t[t],
                              isems[t]).wait()

    def k0(i):
        b = i % NACC
        pltpu.async_copy(
            table_hbm.at[idx_t[i % NIDX].at[pl.ds(0, GSZ)]],
            accs[b], asems[b])

    def wait_k0(i):
        b = i % NACC
        pltpu.make_async_copy(
            table_hbm.at[idx_t[i % NIDX].at[pl.ds(0, GSZ)]],
            accs[b], asems[b]).wait()

    def adds(i):
        b = i % NACC
        t = i % NIDX

        def per_k(k, _):
            pltpu.async_copy(
                table_hbm.at[idx_t[t].at[pl.ds(k * GSZ, GSZ)]],
                accs[b], asems[b], add=True)
            return 0

        lax.fori_loop(1, K, per_k, 0)

    def drain_adds(i):
        b = i % NACC

        def per_k(k, _):
            pltpu.make_async_copy(
                table_hbm.at[idx_t[i % NIDX].at[pl.ds(0, GSZ)]],
                accs[b], asems[b]).wait()
            return 0

        lax.fori_loop(1, K, per_k, 0)

    def flush(i):
        b = i % NACC
        pltpu.async_copy(accs[b], out_hbm.at[pl.ds(off_rows(i), GSZ)],
                         osems[b])

    def drain_flush(i):
        b = i % NACC
        pltpu.make_async_copy(accs[b], out_hbm.at[pl.ds(off_rows(i), GSZ)],
                              osems[b]).wait()

    stage(0)
    drain_stage(0)
    k0(0)

    for i in range(ng):
        wait_k0(i)
        adds(i)
        if i >= 1:
            drain_adds(i - 1)
            flush(i - 1)
        if i + 1 < ng:
            stage(i + 1)
            drain_stage(i + 1)
            if i + 1 >= NACC:
                drain_flush(i + 1 - NACC)
            k0(i + 1)

    drain_adds(ng - 1)
    flush(ng - 1)
    for j in range(max(0, ng - NACC + 1), ng):
        drain_flush(j)


def _sc_body(table_hbm, idx_hbm, out_hbm, idx_t0, idx_t1,
             acc0, acc1, acc2, acc3, as0, as1, as2, as3,
             os0, os1, os2, os3, is0, is1):
    c = lax.axis_index("c")
    s = lax.axis_index("s")
    idx_t = (idx_t0, idx_t1)
    accs = (acc0, acc1, acc2, acc3)
    asems = (as0, as1, as2, as3)
    osems = (os0, os1, os2, os3)
    isems = (is0, is1)

    a = CORE0_BATCHES
    b = PAIRB - a

    @pl.when(c == 0)
    def _():
        _worker_pipeline(a, s * a, table_hbm, idx_hbm, out_hbm,
                         idx_t, accs, asems, osems, isems)

    @pl.when(c == 1)
    def _():
        _worker_pipeline(b, NS * a + s * b, table_hbm, idx_hbm, out_hbm,
                         idx_t, accs, asems, osems, isems)


@functools.partial(
    pl.kernel,
    mesh=plsc.VectorSubcoreMesh(core_axis_name="c", subcore_axis_name="s"),
    compiler_params=pltpu.CompilerParams(use_tc_tiling_on_sc=True),
    out_type=jax.ShapeDtypeStruct((N, D), jnp.float32),
    scratch_types=(
        [pltpu.VMEM((K * GSZ,), jnp.int32) for _ in range(NIDX)]
        + [pltpu.VMEM((GSZ, D), jnp.float32) for _ in range(NACC)]
        + [pltpu.SemaphoreType.DMA for _ in range(2 * NACC + NIDX)]
    ),
)
def _sc_gather_sum(table_hbm, idx_hbm, out_hbm, *rest):
    _sc_body(table_hbm, idx_hbm, out_hbm, *rest)


NPADK = 25600


def _tr_body(x_ref, o_ref):
    xt = x_ref[...].transpose(0, 2, 1).reshape(K, N)
    xtp = jnp.concatenate(
        [xt, jnp.zeros((K, NPADK - N), jnp.int32)], axis=1)
    o_ref[...] = xtp.reshape(K, NPADK // D, D)


_tc_transpose = pl.pallas_call(
    _tr_body,
    out_shape=jax.ShapeDtypeStruct((K, NPADK // D, D), jnp.int32),
)


TCB = 1000


def _mm_body(x_ref, w_ref, o_ref):
    o_ref[...] = jnp.maximum(
        jnp.dot(x_ref[...] * (1.0 / K), w_ref[...],
                preferred_element_type=jnp.float32),
        0.0,
    )


_tc_matmul_relu = pl.pallas_call(
    _mm_body,
    grid=(N // TCB,),
    in_specs=[
        pl.BlockSpec((TCB, D), lambda i: (i, 0)),
        pl.BlockSpec((D, D), lambda i: (0, 0)),
    ],
    out_specs=pl.BlockSpec((TCB, D), lambda i: (i, 0)),
    out_shape=jax.ShapeDtypeStruct((N, D), jnp.float32),
)


def kernel(features, sample_res, W):
    B, G, _ = sample_res.shape
    idx = jnp.transpose(sample_res.astype(jnp.int32), (2, 1, 0))
    idx_t = _tc_transpose(idx).reshape(K * NPADK)
    neigh_sum = _sc_gather_sum(features, idx_t)
    out = _tc_matmul_relu(neigh_sum, W)
    return out.reshape(B, G, D)

# --- scband reference (transcript-rebuilt; emitter-appended) ---
"""Pipeline reference for scband-gcnaggregator-60653528154230 (READ-ONLY COPY).

The authoritative reference and input builder live on the scoring server;
editing this copy changes nothing except your own understanding.
"""

import jax, jax.numpy as jnp
import numpy as np


def _glorot(key, shape):
    init_range = np.sqrt(6.0 / (shape[0] + shape[1]))
    return jax.random.uniform(key, shape, minval=-init_range, maxval=init_range, dtype=jnp.float32)


def setup_inputs(seed: int = 0) -> dict:
    key = jax.random.key(seed)
    k1, k2, k3 = jax.random.split(key, 3)
    features = jax.random.normal(k1, (100000, 128), dtype=jnp.float32)
    sample_res = jax.random.randint(k2, (500, 50, 25), 0, 100000, dtype=jnp.int64)
    W = _glorot(k3, (128, 128))
    return {"features": features, "sample_res": sample_res, "W": W}


def reference(features, sample_res, W):
    # tf.nn.embedding_lookup(features, sample_res)
    sampled_data = jnp.take(features, sample_res, axis=0)  # [B, G, K, d]
    # tf.reduce_mean(sampled_data, axis=2)
    neigh_vecs = jnp.mean(sampled_data, axis=2)  # [B, G, d]
    # tf.matmul(neigh_vecs, weights)
    output = jnp.matmul(neigh_vecs, W)  # [B, G, out]
    # act = tf.nn.relu (default); bias=False
    return jax.nn.relu(output)

if __name__ == "__main__":
    import jax
    _d = setup_inputs()
    print(jax.jit(kernel)(*tuple(_d.values())))

</pallas_src>

<mosaic_0001>
#map = affine_map<(d0, d1) -> (0, 0)>
#map1 = affine_map<(d0, d1) -> (0)>
module attributes {stable_mosaic.version = 14 : i64} {
  func.func @_sc_gather_sum(%arg0: i32, %arg1: i32, %arg2: memref<100000x128xf32, #tpu.memory_space<hbm>>, %arg3: memref<640000xi32, #tpu.memory_space<hbm>>, %arg4: memref<25000x128xf32, #tpu.memory_space<hbm>>, %arg5: memref<2800xi32, #tpu.memory_space<vmem>>, %arg6: memref<2800xi32, #tpu.memory_space<vmem>>, %arg7: memref<112x128xf32, #tpu.memory_space<vmem>>, %arg8: memref<112x128xf32, #tpu.memory_space<vmem>>, %arg9: memref<112x128xf32, #tpu.memory_space<vmem>>, %arg10: memref<112x128xf32, #tpu.memory_space<vmem>>, %arg11: memref<!tpu.dma_semaphore, #tpu.memory_space<semaphore_mem>>, %arg12: memref<!tpu.dma_semaphore, #tpu.memory_space<semaphore_mem>>, %arg13: memref<!tpu.dma_semaphore, #tpu.memory_space<semaphore_mem>>, %arg14: memref<!tpu.dma_semaphore, #tpu.memory_space<semaphore_mem>>, %arg15: memref<!tpu.dma_semaphore, #tpu.memory_space<semaphore_mem>>, %arg16: memref<!tpu.dma_semaphore, #tpu.memory_space<semaphore_mem>>, %arg17: memref<!tpu.dma_semaphore, #tpu.memory_space<semaphore_mem>>, %arg18: memref<!tpu.dma_semaphore, #tpu.memory_space<semaphore_mem>>, %arg19: memref<!tpu.dma_semaphore, #tpu.memory_space<semaphore_mem>>, %arg20: memref<!tpu.dma_semaphore, #tpu.memory_space<semaphore_mem>>) attributes {dimension_semantics = [#tpu.dimension_semantics<core_parallel>, #tpu.dimension_semantics<subcore_parallel>], iteration_bounds = array<i64: 2, 16>, scalar_prefetch = 0 : i64, scratch_operands = 16 : i64, tpu.core_type = #tpu.core_type<sc_vector_subcore>, window_params = [{transform_indices = #map}, {transform_indices = #map1}, {transform_indices = #map}]} {
    %eq3A = arith.constant 0 : i32
    %eq3A_0 = arith.cmpi eq, %arg0, %eq3A : i32
    %convert_element_type3A = arith.extui %eq3A_0 : i1 to i32
    %cond3A = arith.constant 0 : i32
    %cond3A_1 = arith.cmpi ne, %convert_element_type3A, %cond3A : i32
    scf.if %cond3A_1 {
      %mul3A = arith.constant 7 : i32
      %mul3A_7 = arith.muli %arg1, %mul3A : i32
      %add3A = arith.constant 0 : i32
      %add3A_8 = arith.addi %mul3A_7, %add3A : i32
      %mul3A_9 = arith.constant 112 : i32
      %mul3A_10 = arith.muli %add3A_8, %mul3A_9 : i32
      %gt3A = arith.constant 24888 : i32
      %gt3A_11 = arith.cmpi sgt, %mul3A_10, %gt3A : i32
      %jit3A = arith.constant 24888 : i32
      %select_n3A = arith.select %gt3A_11, %jit3A, %mul3A_10 : i32
      %scan3A = arith.constant 0 : i32
      %scan3A_12 = arith.constant 0 : i32
      %scan3A_13 = arith.constant 25 : i32
      %scan3A_14 = arith.addi %scan3A_12, %scan3A_13 : i32
      %scan3A_15 = arith.constant 1 : i32
      %scan3A_16 = scf.for %scan3A_458 = %scan3A_12 to %scan3A_14 step %scan3A_15 iter_args(%scan3A_459 = %scan3A) -> (i32)  : i32 {
        %mul3A_460 = arith.constant 25600 : i32
        %mul3A_461 = arith.muli %scan3A_458, %mul3A_460 : i32
        %add3A_462 = arith.addi %mul3A_461, %select_n3A : i32
        %mul3A_463 = arith.constant 112 : i32
        %mul3A_464 = arith.muli %scan3A_458, %mul3A_463 : i32
        %dma_start3A_465 = tpu.memref_slice %arg5[%mul3A_464] : memref<2800xi32, #tpu.memory_space<vmem>> -> memref<112xi32, #tpu.memory_space<vmem>>
        %dma_start3A_466 = tpu.memref_slice %arg3[%add3A_462] : memref<640000xi32, #tpu.memory_space<hbm>> -> memref<112xi32, #tpu.memory_space<hbm>>
        %dma_start3A_467 = tpu.memref_slice %arg5[%mul3A_464] : memref<2800xi32, #tpu.memory_space<vmem>> -> memref<112xi32, #tpu.memory_space<vmem>>
        %dma_start3A_468 = tpu.memref_slice %arg3[%add3A_462] : memref<640000xi32, #tpu.memory_space<hbm>> -> memref<112xi32, #tpu.memory_space<hbm>>
        tpu.enqueue_dma source(%dma_start3A_468 : memref<112xi32, #tpu.memory_space<hbm>>) target(%dma_start3A_467 : memref<112xi32, #tpu.memory_space<vmem>>) target_semaphore(%arg19 : memref<!tpu.dma_semaphore, #tpu.memory_space<semaphore_mem>>)
        %scan3A_469 = arith.constant 0 : i32
        scf.yield %scan3A_469 : i32
      }
      %scan3A_17 = arith.constant 25 : i32
      %dma_wait3A = arith.constant 0 : i32
      %dma_wait3A_18 = tpu.memref_slice %arg3[%dma_wait3A] : memref<640000xi32, #tpu.memory_space<hbm>> -> memref<2800xi32, #tpu.memory_space<hbm>>
      %dma_wait3A_19 = arith.constant 0 : i32
      %dma_wait3A_20 = tpu.memref_slice %arg3[%dma_wait3A_19] : memref<640000xi32, #tpu.memory_space<hbm>> -> memref<2800xi32, #tpu.memory_space<hbm>>
      tpu.wait_dma2 semaphore(%arg19 : memref<!tpu.dma_semaphore, #tpu.memory_space<semaphore_mem>>) src(%dma_wait3A_20 : memref<2800xi32, #tpu.memory_space<hbm>>) dst(%arg5 : memref<2800xi32, #tpu.memory_space<vmem>>)
      %dma_start3A = arith.constant 0 : i32
      %dma_start3A_21 = tpu.memref_slice %arg5[%dma_start3A] : memref<2800xi32, #tpu.memory_space<vmem>> -> memref<112xi32, #tpu.memory_space<vmem>>
      %dma_start3A_22 = arith.constant 0 : i32
      %dma_start3A_23 = arith.constant 0 : i32
      %dma_start3A_24 = tpu.memref_slice %arg2[%dma_start3A_22, %dma_start3A_23] : memref<100000x128xf32, #tpu.memory_space<hbm>> -> memref<100000x128xf32, #tpu.memory_space<hbm>>
      tpu.enqueue_indirect_dma source(%dma_start3A_24 : memref<100000x128xf32, #tpu.memory_space<hbm>>) target(%arg7 : memref<112x128xf32, #tpu.memory_space<vmem>>) offsets(%dma_start3A_21 : memref<112xi32, #tpu.memory_space<vmem>>) semaphore(%arg11 : memref<!tpu.dma_semaphore, #tpu.memory_space<semaphore_mem>>)
      %dma_wait3A_25 = arith.constant 0 : i32
      %dma_wait3A_26 = tpu.memref_slice %arg5[%dma_wait3A_25] : memref<2800xi32, #tpu.memory_space<vmem>> -> memref<112xi32, #tpu.memory_space<vmem>>
      %dma_wait3A_27 = arith.constant 0 : i32
      %dma_wait3A_28 = arith.constant 0 : i32
      %dma_wait3A_29 = tpu.memref_slice %arg2[%dma_wait3A_27, %dma_wait3A_28] : memref<100000x128xf32, #tpu.memory_space<hbm>> -> memref<100000x128xf32, #tpu.memory_space<hbm>>
      tpu.wait_indirect_dma semaphore(%arg11 : memref<!tpu.dma_semaphore, #tpu.memory_space<semaphore_mem>>) src(%dma_wait3A_29 : memref<100000x128xf32, #tpu.memory_space<hbm>>) dst(%arg7 : memref<112x128xf32, #tpu.memory_space<vmem>>)
      %scan3A_30 = arith.constant 0 : i32
      %scan3A_31 = arith.constant 1 : i32
      %scan3A_32 = arith.constant 24 : i32
      %scan3A_33 = arith.addi %scan3A_31, %scan3A_32 : i32
      %scan3A_34 = arith.constant 1 : i32
      %scan3A_35 = scf.for %scan3A_458 = %scan3A_31 to %scan3A_33 step %scan3A_34 iter_args(%scan3A_459 = %scan3A_30) -> (i32)  : i32 {
        %mul3A_460 = arith.constant 112 : i32
        %mul3A_461 = arith.muli %scan3A_458, %mul3A_460 : i32
        %dma_start3A_462 = tpu.memref_slice %arg5[%mul3A_461] : memref<2800xi32, #tpu.memory_space<vmem>> -> memref<112xi32, #tpu.memory_space<vmem>>
        %dma_start3A_463 = arith.constant 0 : i32
        %dma_start3A_464 = arith.constant 0 : i32
        %dma_start3A_465 = tpu.memref_slice %arg2[%dma_start3A_463, %dma_start3A_464] : memref<100000x128xf32, #tpu.memory_space<hbm>> -> memref<100000x128xf32, #tpu.memory_space<hbm>>
        tpu.enqueue_indirect_dma source(%dma_start3A_465 : memref<100000x128xf32, #tpu.memory_space<hbm>>) target(%arg7 : memref<112x128xf32, #tpu.memory_space<vmem>>) offsets(%dma_start3A_462 : memref<112xi32, #tpu.memory_space<vmem>>) semaphore(%arg11 : memref<!tpu.dma_semaphore, #tpu.memory_space<semaphore_mem>>) {add = true}
        %scan3A_466 = arith.constant 0 : i32
        scf.yield %scan3A_466 : i32
      }
      %scan3A_36 = arith.constant 24 : i32
      %add3A_37 = arith.constant 1 : i32
      %add3A_38 = arith.addi %mul3A_7, %add3A_37 : i32
      %mul3A_39 = arith.constant 112 : i32
      %mul3A_40 = arith.muli %add3A_38, %mul3A_39 : i32
      %gt3A_41 = arith.constant 24888 : i32
      %gt3A_42 = arith.cmpi sgt, %mul3A_40, %gt3A_41 : i32
      %jit3A_43 = arith.constant 24888 : i32
      %select_n3A_44 = arith.select %gt3A_42, %jit3A_43, %mul3A_40 : i32
      %scan3A_45 = arith.constant 0 : i32
      %scan3A_46 = arith.constant 0 : i32
      %scan3A_47 = arith.constant 25 : i32
      %scan3A_48 = arith.addi %scan3A_46, %scan3A_47 : i32
      %scan3A_49 = arith.constant 1 : i32
      %scan3A_50 = scf.for %scan3A_458 = %scan3A_46 to %scan3A_48 step %scan3A_49 iter_args(%scan3A_459 = %scan3A_45) -> (i32)  : i32 {
        %mul3A_460 = arith.constant 25600 : i32
        %mul3A_461 = arith.muli %scan3A_458, %mul3A_460 : i32
        %add3A_462 = arith.addi %mul3A_461, %select_n3A_44 : i32
        %mul3A_463 = arith.constant 112 : i32
        %mul3A_464 = arith.muli %scan3A_458, %mul3A_463 : i32
        %dma_start3A_465 = tpu.memref_slice %arg6[%mul3A_464] : memref<2800xi32, #tpu.memory_space<vmem>> -> memref<112xi32, #tpu.memory_space<vmem>>
        %dma_start3A_466 = tpu.memref_slice %arg3[%add3A_462] : memref<640000xi32, #tpu.memory_space<hbm>> -> memref<112xi32, #tpu.memory_space<hbm>>
        %dma_start3A_467 = tpu.memref_slice %arg6[%mul3A_464] : memref<2800xi32, #tpu.memory_space<vmem>> -> memref<112xi32, #tpu.memory_space<vmem>>
        %dma_start3A_468 = tpu.memref_slice %arg3[%add3A_462] : memref<640000xi32, #tpu.memory_space<hbm>> -> memref<112xi32, #tpu.memory_space<hbm>>
        tpu.enqueue_dma source(%dma_start3A_468 : memref<112xi32, #tpu.memory_space<hbm>>) target(%dma_start3A_467 : memref<112xi32, #tpu.memory_space<vmem>>) target_semaphore(%arg20 : memref<!tpu.dma_semaphore, #tpu.memory_space<semaphore_mem>>)
        %scan3A_469 = arith.constant 0 : i32
        scf.yield %scan3A_469 : i32
      }
      %scan3A_51 = arith.constant 25 : i32
      %dma_wait3A_52 = arith.constant 0 : i32
      %dma_wait3A_53 = tpu.memref_slice %arg3[%dma_wait3A_52] : memref<640000xi32, #tpu.memory_space<hbm>> -> memref<2800xi32, #tpu.memory_space<hbm>>
      %dma_wait3A_54 = arith.constant 0 : i32
      %dma_wait3A_55 = tpu.memref_slice %arg3[%dma_wait3A_54] : memref<640000xi32, #tpu.memory_space<hbm>> -> memref<2800xi32, #tpu.memory_space<hbm>>
      tpu.wait_dma2 semaphore(%arg20 : memref<!tpu.dma_semaphore, #tpu.memory_space<semaphore_mem>>) src(%dma_wait3A_55 : memref<2800xi32, #tpu.memory_space<hbm>>) dst(%arg6 : memref<2800xi32, #tpu.memory_space<vmem>>)
      %dma_start3A_56 = arith.constant 0 : i32
      %dma_start3A_57 = tpu.memref_slice %arg6[%dma_start3A_56] : memref<2800xi32, #tpu.memory_space<vmem>> -> memref<112xi32, #tpu.memory_space<vmem>>
      %dma_start3A_58 = arith.constant 0 : i32
      %dma_start3A_59 = arith.constant 0 : i32
      %dma_start3A_60 = tpu.memref_slice %arg2[%dma_start3A_58, %dma_start3A_59] : memref<100000x128xf32, #tpu.memory_space<hbm>> -> memref<100000x128xf32, #tpu.memory_space<hbm>>
      tpu.enqueue_indirect_dma source(%dma_start3A_60 : memref<100000x128xf32, #tpu.memory_space<hbm>>) target(%arg8 : memref<112x128xf32, #tpu.memory_space<vmem>>) offsets(%dma_start3A_57 : memref<112xi32, #tpu.memory_space<vmem>>) semaphore(%arg12 : memref<!tpu.dma_semaphore, #tpu.memory_space<semaphore_mem>>)
      %dma_wait3A_61 = arith.constant 0 : i32
      %dma_wait3A_62 = tpu.memref_slice %arg6[%dma_wait3A_61] : memref<2800xi32, #tpu.memory_space<vmem>> -> memref<112xi32, #tpu.memory_space<vmem>>
      %dma_wait3A_63 = arith.constant 0 : i32
      %dma_wait3A_64 = arith.constant 0 : i32
      %dma_wait3A_65 = tpu.memref_slice %arg2[%dma_wait3A_63, %dma_wait3A_64] : memref<100000x128xf32, #tpu.memory_space<hbm>> -> memref<100000x128xf32, #tpu.memory_space<hbm>>
      tpu.wait_indirect_dma semaphore(%arg12 : memref<!tpu.dma_semaphore, #tpu.memory_space<semaphore_mem>>) src(%dma_wait3A_65 : memref<100000x128xf32, #tpu.memory_space<hbm>>) dst(%arg8 : memref<112x128xf32, #tpu.memory_space<vmem>>)
      %scan3A_66 = arith.constant 0 : i32
      %scan3A_67 = arith.constant 1 : i32
      %scan3A_68 = arith.constant 24 : i32
      %scan3A_69 = arith.addi %scan3A_67, %scan3A_68 : i32
      %scan3A_70 = arith.constant 1 : i32
      %scan3A_71 = scf.for %scan3A_458 = %scan3A_67 to %scan3A_69 step %scan3A_70 iter_args(%scan3A_459 = %scan3A_66) -> (i32)  : i32 {
        %mul3A_460 = arith.constant 112 : i32
        %mul3A_461 = arith.muli %scan3A_458, %mul3A_460 : i32
        %dma_start3A_462 = tpu.memref_slice %arg6[%mul3A_461] : memref<2800xi32, #tpu.memory_space<vmem>> -> memref<112xi32, #tpu.memory_space<vmem>>
        %dma_start3A_463 = arith.constant 0 : i32
        %dma_start3A_464 = arith.constant 0 : i32
        %dma_start3A_465 = tpu.memref_slice %arg2[%dma_start3A_463, %dma_start3A_464] : memref<100000x128xf32, #tpu.memory_space<hbm>> -> memref<100000x128xf32, #tpu.memory_space<hbm>>
        tpu.enqueue_indirect_dma source(%dma_start3A_465 : memref<100000x128xf32, #tpu.memory_space<hbm>>) target(%arg8 : memref<112x128xf32, #tpu.memory_space<vmem>>) offsets(%dma_start3A_462 : memref<112xi32, #tpu.memory_space<vmem>>) semaphore(%arg12 : memref<!tpu.dma_semaphore, #tpu.memory_space<semaphore_mem>>) {add = true}
        %scan3A_466 = arith.constant 0 : i32
        scf.yield %scan3A_466 : i32
      }
      %scan3A_72 = arith.constant 24 : i32
      %scan3A_73 = arith.constant 0 : i32
      %scan3A_74 = arith.constant 1 : i32
      %scan3A_75 = arith.constant 24 : i32
      %scan3A_76 = arith.addi %scan3A_74, %scan3A_75 : i32
      %scan3A_77 = arith.constant 1 : i32
      %scan3A_78 = scf.for %scan3A_458 = %scan3A_74 to %scan3A_76 step %scan3A_77 iter_args(%scan3A_459 = %scan3A_73) -> (i32)  : i32 {
        %dma_wait3A_460 = arith.constant 0 : i32
        %dma_wait3A_461 = tpu.memref_slice %arg5[%dma_wait3A_460] : memref<2800xi32, #tpu.memory_space<vmem>> -> memref<112xi32, #tpu.memory_space<vmem>>
        %dma_wait3A_462 = arith.constant 0 : i32
        %dma_wait3A_463 = arith.constant 0 : i32
        %dma_wait3A_464 = tpu.memref_slice %arg2[%dma_wait3A_462, %dma_wait3A_463] : memref<100000x128xf32, #tpu.memory_space<hbm>> -> memref<100000x128xf32, #tpu.memory_space<hbm>>
        tpu.wait_indirect_dma semaphore(%arg11 : memref<!tpu.dma_semaphore, #tpu.memory_space<semaphore_mem>>) src(%dma_wait3A_464 : memref<100000x128xf32, #tpu.memory_space<hbm>>) dst(%arg7 : memref<112x128xf32, #tpu.memory_space<vmem>>)
        %scan3A_465 = arith.constant 0 : i32
        scf.yield %scan3A_465 : i32
      }
      %scan3A_79 = arith.constant 24 : i32
      %add3A_80 = arith.constant 0 : i32
      %add3A_81 = arith.addi %mul3A_7, %add3A_80 : i32
      %mul3A_82 = arith.constant 112 : i32
      %mul3A_83 = arith.muli %add3A_81, %mul3A_82 : i32
      %gt3A_84 = arith.constant 24888 : i32
      %gt3A_85 = arith.cmpi sgt, %mul3A_83, %gt3A_84 : i32
      %jit3A_86 = arith.constant 24888 : i32
      %select_n3A_87 = arith.select %gt3A_85, %jit3A_86, %mul3A_83 : i32
      %dma_start3A_88 = arith.constant 0 : i32
      %dma_start3A_89 = tpu.memref_slice %arg4[%select_n3A_87, %dma_start3A_88] : memref<25000x128xf32, #tpu.memory_space<hbm>> -> memref<112x128xf32, #tpu.memory_space<hbm>>
      %dma_start3A_90 = arith.constant 0 : i32
      %dma_start3A_91 = tpu.memref_slice %arg4[%select_n3A_87, %dma_start3A_90] : memref<25000x128xf32, #tpu.memory_space<hbm>> -> memref<112x128xf32, #tpu.memory_space<hbm>>
      tpu.enqueue_dma source(%arg7 : memref<112x128xf32, #tpu.memory_space<vmem>>) target(%dma_start3A_91 : memref<112x128xf32, #tpu.memory_space<hbm>>) target_semaphore(%arg15 : memref<!tpu.dma_semaphore, #tpu.memory_space<semaphore_mem>>)
      %add3A_92 = arith.constant 2 : i32
      %add3A_93 = arith.addi %mul3A_7, %add3A_92 : i32
      %mul3A_94 = arith.constant 112 : i32
      %mul3A_95 = arith.muli %add3A_93, %mul3A_94 : i32
      %gt3A_96 = arith.constant 24888 : i32
      %gt3A_97 = arith.cmpi sgt, %mul3A_95, %gt3A_96 : i32
      %jit3A_98 = arith.constant 24888 : i32
      %select_n3A_99 = arith.select %gt3A_97, %jit3A_98, %mul3A_95 : i32
      %scan3A_100 = arith.constant 0 : i32
      %scan3A_101 = arith.constant 0 : i32
      %scan3A_102 = arith.constant 25 : i32
      %scan3A_103 = arith.addi %scan3A_101, %scan3A_102 : i32
      %scan3A_104 = arith.constant 1 : i32
      %scan3A_105 = scf.for %scan3A_458 = %scan3A_101 to %scan3A_103 step %scan3A_104 iter_args(%scan3A_459 = %scan3A_100) -> (i32)  : i32 {
        %mul3A_460 = arith.constant 25600 : i32
        %mul3A_461 = arith.muli %scan3A_458, %mul3A_460 : i32
        %add3A_462 = arith.addi %mul3A_461, %select_n3A_99 : i32
        %mul3A_463 = arith.constant 112 : i32
        %mul3A_464 = arith.muli %scan3A_458, %mul3A_463 : i32
        %dma_start3A_465 = tpu.memref_slice %arg5[%mul3A_464] : memref<2800xi32, #tpu.memory_space<vmem>> -> memref<112xi32, #tpu.memory_space<vmem>>
        %dma_start3A_466 = tpu.memref_slice %arg3[%add3A_462] : memref<640000xi32, #tpu.memory_space<hbm>> -> memref<112xi32, #tpu.memory_space<hbm>>
        %dma_start3A_467 = tpu.memref_slice %arg5[%mul3A_464] : memref<2800xi32, #tpu.memory_space<vmem>> -> memref<112xi32, #tpu.memory_space<vmem>>
        %dma_start3A_468 = tpu.memref_slice %arg3[%add3A_462] : memref<640000xi32, #tpu.memory_space<hbm>> -> memref<112xi32, #tpu.memory_space<hbm>>
        tpu.enqueue_dma source(%dma_start3A_468 : memref<112xi32, #tpu.memory_space<hbm>>) target(%dma_start3A_467 : memref<112xi32, #tpu.memory_space<vmem>>) target_semaphore(%arg19 : memref<!tpu.dma_semaphore, #tpu.memory_space<semaphore_mem>>)
        %scan3A_469 = arith.constant 0 : i32
        scf.yield %scan3A_469 : i32
      }
      %scan3A_106 = arith.constant 25 : i32
      %dma_wait3A_107 = arith.constant 0 : i32
      %dma_wait3A_108 = tpu.memref_slice %arg3[%dma_wait3A_107] : memref<640000xi32, #tpu.memory_space<hbm>> -> memref<2800xi32, #tpu.memory_space<hbm>>
      %dma_wait3A_109 = arith.constant 0 : i32
      %dma_wait3A_110 = tpu.memref_slice %arg3[%dma_wait3A_109] : memref<640000xi32, #tpu.memory_space<hbm>> -> memref<2800xi32, #tpu.memory_space<hbm>>
      tpu.wait_dma2 semaphore(%arg19 : memref<!tpu.dma_semaphore, #tpu.memory_space<semaphore_mem>>) src(%dma_wait3A_110 : memref<2800xi32, #tpu.memory_space<hbm>>) dst(%arg5 : memref<2800xi32, #tpu.memory_space<vmem>>)
      %dma_start3A_111 = arith.constant 0 : i32
      %dma_start3A_112 = tpu.memref_slice %arg5[%dma_start3A_111] : memref<2800xi32, #tpu.memory_space<vmem>> -> memref<112xi32, #tpu.memory_space<vmem>>
      %dma_start3A_113 = arith.constant 0 : i32
      %dma_start3A_114 = arith.constant 0 : i32
      %dma_start3A_115 = tpu.memref_slice %arg2[%dma_start3A_113, %dma_start3A_114] : memref<100000x128xf32, #tpu.memory_space<hbm>> -> memref<100000x128xf32, #tpu.memory_space<hbm>>
      tpu.enqueue_indirect_dma source(%dma_start3A_115 : memref<100000x128xf32, #tpu.memory_space<hbm>>) target(%arg9 : memref<112x128xf32, #tpu.memory_space<vmem>>) offsets(%dma_start3A_112 : memref<112xi32, #tpu.memory_space<vmem>>) semaphore(%arg13 : memref<!tpu.dma_semaphore, #tpu.memory_space<semaphore_mem>>)
      %dma_wait3A_116 = arith.constant 0 : i32
      %dma_wait3A_117 = tpu.memref_slice %arg5[%dma_wait3A_116] : memref<2800xi32, #tpu.memory_space<vmem>> -> memref<112xi32, #tpu.memory_space<vmem>>
      %dma_wait3A_118 = arith.constant 0 : i32
      %dma_wait3A_119 = arith.constant 0 : i32
      %dma_wait3A_120 = tpu.memref_slice %arg2[%dma_wait3A_118, %dma_wait3A_119] : memref<100000x128xf32, #tpu.memory_space<hbm>> -> memref<100000x128xf32, #tpu.memory_space<hbm>>
      tpu.wait_indirect_dma semaphore(%arg13 : memref<!tpu.dma_semaphore, #tpu.memory_space<semaphore_mem>>) src(%dma_wait3A_120 : memref<100000x128xf32, #tpu.memory_space<hbm>>) dst(%arg9 : memref<112x128xf32, #tpu.memory_space<vmem>>)
      %scan3A_121 = arith.constant 0 : i32
      %scan3A_122 = arith.constant 1 : i32
      %scan3A_123 = arith.constant 24 : i32
      %scan3A_124 = arith.addi %scan3A_122, %scan3A_123 : i32
      %scan3A_125 = arith.constant 1 : i32
      %scan3A_126 = scf.for %scan3A_458 = %scan3A_122 to %scan3A_124 step %scan3A_125 iter_args(%scan3A_459 = %scan3A_121) -> (i32)  : i32 {
        %mul3A_460 = arith.constant 112 : i32
        %mul3A_461 = arith.muli %scan3A_458, %mul3A_460 : i32
        %dma_start3A_462 = tpu.memref_slice %arg5[%mul3A_461] : memref<2800xi32, #tpu.memory_space<vmem>> -> memref<112xi32, #tpu.memory_space<vmem>>
        %dma_start3A_463 = arith.constant 0 : i32
        %dma_start3A_464 = arith.constant 0 : i32
        %dma_start3A_465 = tpu.memref_slice %arg2[%dma_start3A_463, %dma_start3A_464] : memref<100000x128xf32, #tpu.memory_space<hbm>> -> memref<100000x128xf32, #tpu.memory_space<hbm>>
        tpu.enqueue_indirect_dma source(%dma_start3A_465 : memref<100000x128xf32, #tpu.memory_space<hbm>>) target(%arg9 : memref<112x128xf32, #tpu.memory_space<vmem>>) offsets(%dma_start3A_462 : memref<112xi32, #tpu.memory_space<vmem>>) semaphore(%arg13 : memref<!tpu.dma_semaphore, #tpu.memory_space<semaphore_mem>>) {add = true}
        %scan3A_466 = arith.constant 0 : i32
        scf.yield %scan3A_466 : i32
      }
      %scan3A_127 = arith.constant 24 : i32
      %scan3A_128 = arith.constant 0 : i32
      %scan3A_129 = arith.constant 1 : i32
      %scan3A_130 = arith.constant 24 : i32
      %scan3A_131 = arith.addi %scan3A_129, %scan3A_130 : i32
      %scan3A_132 = arith.constant 1 : i32
      %scan3A_133 = scf.for %scan3A_458 = %scan3A_129 to %scan3A_131 step %scan3A_132 iter_args(%scan3A_459 = %scan3A_128) -> (i32)  : i32 {
        %dma_wait3A_460 = arith.constant 0 : i32
        %dma_wait3A_461 = tpu.memref_slice %arg6[%dma_wait3A_460] : memref<2800xi32, #tpu.memory_space<vmem>> -> memref<112xi32, #tpu.memory_space<vmem>>
        %dma_wait3A_462 = arith.constant 0 : i32
        %dma_wait3A_463 = arith.constant 0 : i32
        %dma_wait3A_464 = tpu.memref_slice %arg2[%dma_wait3A_462, %dma_wait3A_463] : memref<100000x128xf32, #tpu.memory_space<hbm>> -> memref<100000x128xf32, #tpu.memory_space<hbm>>
        tpu.wait_indirect_dma semaphore(%arg12 : memref<!tpu.dma_semaphore, #tpu.memory_space<semaphore_mem>>) src(%dma_wait3A_464 : memref<100000x128xf32, #tpu.memory_space<hbm>>) dst(%arg8 : memref<112x128xf32, #tpu.memory_space<vmem>>)
        %scan3A_465 = arith.constant 0 : i32
        scf.yield %scan3A_465 : i32
      }
      %scan3A_134 = arith.constant 24 : i32
      %add3A_135 = arith.constant 1 : i32
      %add3A_136 = arith.addi %mul3A_7, %add3A_135 : i32
      %mul3A_137 = arith.constant 112 : i32
      %mul3A_138 = arith.muli %add3A_136, %mul3A_137 : i32
      %gt3A_139 = arith.constant 24888 : i32
      %gt3A_140 = arith.cmpi sgt, %mul3A_138, %gt3A_139 : i32
      %jit3A_141 = arith.constant 24888 : i32
      %select_n3A_142 = arith.select %gt3A_140, %jit3A_141, %mul3A_138 : i32
      %dma_start3A_143 = arith.constant 0 : i32
      %dma_start3A_144 = tpu.memref_slice %arg4[%select_n3A_142, %dma_start3A_143] : memref<25000x128xf32, #tpu.memory_space<hbm>> -> memref<112x128xf32, #tpu.memory_space<hbm>>
      %dma_start3A_145 = arith.constant 0 : i32
      %dma_start3A_146 = tpu.memref_slice %arg4[%select_n3A_142, %dma_start3A_145] : memref<25000x128xf32, #tpu.memory_space<hbm>> -> memref<112x128xf32, #tpu.memory_space<hbm>>
      tpu.enqueue_dma source(%arg8 : memref<112x128xf32, #tpu.memory_space<vmem>>) target(%dma_start3A_146 : memref<112x128xf32, #tpu.memory_space<hbm>>) target_semaphore(%arg16 : memref<!tpu.dma_semaphore, #tpu.memory_space<semaphore_mem>>)
      %add3A_147 = arith.constant 3 : i32
      %add3A_148 = arith.addi %mul3A_7, %add3A_147 : i32
      %mul3A_149 = arith.constant 112 : i32
      %mul3A_150 = arith.muli %add3A_148, %mul3A_149 : i32
      %gt3A_151 = arith.constant 24888 : i32
      %gt3A_152 = arith.cmpi sgt, %mul3A_150, %gt3A_151 : i32
      %jit3A_153 = arith.constant 24888 : i32
      %select_n3A_154 = arith.select %gt3A_152, %jit3A_153, %mul3A_150 : i32
      %scan3A_155 = arith.constant 0 : i32
      %scan3A_156 = arith.constant 0 : i32
      %scan3A_157 = arith.constant 25 : i32
      %scan3A_158 = arith.addi %scan3A_156, %scan3A_157 : i32
      %scan3A_159 = arith.constant 1 : i32
      %scan3A_160 = scf.for %scan3A_458 = %scan3A_156 to %scan3A_158 step %scan3A_159 iter_args(%scan3A_459 = %scan3A_155) -> (i32)  : i32 {
        %mul3A_460 = arith.constant 25600 : i32
        %mul3A_461 = arith.muli %scan3A_458, %mul3A_460 : i32
        %add3A_462 = arith.addi %mul3A_461, %select_n3A_154 : i32
        %mul3A_463 = arith.constant 112 : i32
        %mul3A_464 = arith.muli %scan3A_458, %mul3A_463 : i32
        %dma_start3A_465 = tpu.memref_slice %arg6[%mul3A_464] : memref<2800xi32, #tpu.memory_space<vmem>> -> memref<112xi32, #tpu.memory_space<vmem>>
        %dma_start3A_466 = tpu.memref_slice %arg3[%add3A_462] : memref<640000xi32, #tpu.memory_space<hbm>> -> memref<112xi32, #tpu.memory_space<hbm>>
        %dma_start3A_467 = tpu.memref_slice %arg6[%mul3A_464] : memref<2800xi32, #tpu.memory_space<vmem>> -> memref<112xi32, #tpu.memory_space<vmem>>
        %dma_start3A_468 = tpu.memref_slice %arg3[%add3A_462] : memref<640000xi32, #tpu.memory_space<hbm>> -> memref<112xi32, #tpu.memory_space<hbm>>
        tpu.enqueue_dma source(%dma_start3A_468 : memref<112xi32, #tpu.memory_space<hbm>>) target(%dma_start3A_467 : memref<112xi32, #tpu.memory_space<vmem>>) target_semaphore(%arg20 : memref<!tpu.dma_semaphore, #tpu.memory_space<semaphore_mem>>)
        %scan3A_469 = arith.constant 0 : i32
        scf.yield %scan3A_469 : i32
      }
      %scan3A_161 = arith.constant 25 : i32
      %dma_wait3A_162 = arith.constant 0 : i32
      %dma_wait3A_163 = tpu.memref_slice %arg3[%dma_wait3A_162] : memref<640000xi32, #tpu.memory_space<hbm>> -> memref<2800xi32, #tpu.memory_space<hbm>>
      %dma_wait3A_164 = arith.constant 0 : i32
      %dma_wait3A_165 = tpu.memref_slice %arg3[%dma_wait3A_164] : memref<640000xi32, #tpu.memory_space<hbm>> -> memref<2800xi32, #tpu.memory_space<hbm>>
      tpu.wait_dma2 semaphore(%arg20 : memref<!tpu.dma_semaphore, #tpu.memory_space<semaphore_mem>>) src(%dma_wait3A_165 : memref<2800xi32, #tpu.memory_space<hbm>>) dst(%arg6 : memref<2800xi32, #tpu.memory_space<vmem>>)
      %dma_start3A_166 = arith.constant 0 : i32
      %dma_start3A_167 = tpu.memref_slice %arg6[%dma_start3A_166] : memref<2800xi32, #tpu.memory_space<vmem>> -> memref<112xi32, #tpu.memory_space<vmem>>
      %dma_start3A_168 = arith.constant 0 : i32
      %dma_start3A_169 = arith.constant 0 : i32
      %dma_start3A_170 = tpu.memref_slice %arg2[%dma_start3A_168, %dma_start3A_169] : memref<100000x128xf32, #tpu.memory_space<hbm>> -> memref<100000x128xf32, #tpu.memory_space<hbm>>
      tpu.enqueue_indirect_dma source(%dma_start3A_170 : memref<100000x128xf32, #tpu.memory_space<hbm>>) target(%arg10 : memref<112x128xf32, #tpu.memory_space<vmem>>) offsets(%dma_start3A_167 : memref<112xi32, #tpu.memory_space<vmem>>) semaphore(%arg14 : memref<!tpu.dma_semaphore, #tpu.memory_space<semaphore_mem>>)
      %dma_wait3A_171 = arith.constant 0 : i32
      %dma_wait3A_172 = tpu.memref_slice %arg6[%dma_wait3A_171] : memref<2800xi32, #tpu.memory_space<vmem>> -> memref<112xi32, #tpu.memory_space<vmem>>
      %dma_wait3A_173 = arith.constant 0 : i32
      %dma_wait3A_174 = arith.constant 0 : i32
      %dma_wait3A_175 = tpu.memref_slice %arg2[%dma_wait3A_173, %dma_wait3A_174] : memref<100000x128xf32, #tpu.memory_space<hbm>> -> memref<100000x128xf32, #tpu.memory_space<hbm>>
      tpu.wait_indirect_dma semaphore(%arg14 : memref<!tpu.dma_semaphore, #tpu.memory_space<semaphore_mem>>) src(%dma_wait3A_175 : memref<100000x128xf32, #tpu.memory_space<hbm>>) dst(%arg10 : memref<112x128xf32, #tpu.memory_space<vmem>>)
      %scan3A_176 = arith.constant 0 : i32
      %scan3A_177 = arith.constant 1 : i32
      %scan3A_178 = arith.constant 24 : i32
      %scan3A_179 = arith.addi %scan3A_177, %scan3A_178 : i32
      %scan3A_180 = arith.constant 1 : i32
      %scan3A_181 = scf.for %scan3A_458 = %scan3A_177 to %scan3A_179 step %scan3A_180 iter_args(%scan3A_459 = %scan3A_176) -> (i32)  : i32 {
        %mul3A_460 = arith.constant 112 : i32
        %mul3A_461 = arith.muli %scan3A_458, %mul3A_460 : i32
        %dma_start3A_462 = tpu.memref_slice %arg6[%mul3A_461] : memref<2800xi32, #tpu.memory_space<vmem>> -> memref<112xi32, #tpu.memory_space<vmem>>
        %dma_start3A_463 = arith.constant 0 : i32
        %dma_start3A_464 = arith.constant 0 : i32
        %dma_start3A_465 = tpu.memref_slice %arg2[%dma_start3A_463, %dma_start3A_464] : memref<100000x128xf32, #tpu.memory_space<hbm>> -> memref<100000x128xf32, #tpu.memory_space<hbm>>
        tpu.enqueue_indirect_dma source(%dma_start3A_465 : memref<100000x128xf32, #tpu.memory_space<hbm>>) target(%arg10 : memref<112x128xf32, #tpu.memory_space<vmem>>) offsets(%dma_start3A_462 : memref<112xi32, #tpu.memory_space<vmem>>) semaphore(%arg14 : memref<!tpu.dma_semaphore, #tpu.memory_space<semaphore_mem>>) {add = true}
        %scan3A_466 = arith.constant 0 : i32
        scf.yield %scan3A_466 : i32
      }
      %scan3A_182 = arith.constant 24 : i32
      %scan3A_183 = arith.constant 0 : i32
      %scan3A_184 = arith.constant 1 : i32
      %scan3A_185 = arith.constant 24 : i32
      %scan3A_186 = arith.addi %scan3A_184, %scan3A_185 : i32
      %scan3A_187 = arith.constant 1 : i32
      %scan3A_188 = scf.for %scan3A_458 = %scan3A_184 to %scan3A_186 step %scan3A_187 iter_args(%scan3A_459 = %scan3A_183) -> (i32)  : i32 {
        %dma_wait3A_460 = arith.constant 0 : i32
        %dma_wait3A_461 = tpu.memref_slice %arg5[%dma_wait3A_460] : memref<2800xi32, #tpu.memory_space<vmem>> -> memref<112xi32, #tpu.memory_space<vmem>>
        %dma_wait3A_462 = arith.constant 0 : i32
        %dma_wait3A_463 = arith.constant 0 : i32
        %dma_wait3A_464 = tpu.memref_slice %arg2[%dma_wait3A_462, %dma_wait3A_463] : memref<100000x128xf32, #tpu.memory_space<hbm>> -> memref<100000x128xf32, #tpu.memory_space<hbm>>
        tpu.wait_indirect_dma semaphore(%arg13 : memref<!tpu.dma_semaphore, #tpu.memory_space<semaphore_mem>>) src(%dma_wait3A_464 : memref<100000x128xf32, #tpu.memory_space<hbm>>) dst(%arg9 : memref<112x128xf32, #tpu.memory_space<vmem>>)
        %scan3A_465 = arith.constant 0 : i32
        scf.yield %scan3A_465 : i32
      }
      %scan3A_189 = arith.constant 24 : i32
      %add3A_190 = arith.constant 2 : i32
      %add3A_191 = arith.addi %mul3A_7, %add3A_190 : i32
      %mul3A_192 = arith.constant 112 : i32
      %mul3A_193 = arith.muli %add3A_191, %mul3A_192 : i32
      %gt3A_194 = arith.constant 24888 : i32
      %gt3A_195 = arith.cmpi sgt, %mul3A_193, %gt3A_194 : i32
      %jit3A_196 = arith.constant 24888 : i32
      %select_n3A_197 = arith.select %gt3A_195, %jit3A_196, %mul3A_193 : i32
      %dma_start3A_198 = arith.constant 0 : i32
      %dma_start3A_199 = tpu.memref_slice %arg4[%select_n3A_197, %dma_start3A_198] : memref<25000x128xf32, #tpu.memory_space<hbm>> -> memref<112x128xf32, #tpu.memory_space<hbm>>
      %dma_start3A_200 = arith.constant 0 : i32
      %dma_start3A_201 = tpu.memref_slice %arg4[%select_n3A_197, %dma_start3A_200] : memref<25000x128xf32, #tpu.memory_space<hbm>> -> memref<112x128xf32, #tpu.memory_space<hbm>>
      tpu.enqueue_dma source(%arg9 : memref<112x128xf32, #tpu.memory_space<vmem>>) target(%dma_start3A_201 : memref<112x128xf32, #tpu.memory_space<hbm>>) target_semaphore(%arg17 : memref<!tpu.dma_semaphore, #tpu.memory_space<semaphore_mem>>)
      %add3A_202 = arith.constant 4 : i32
      %add3A_203 = arith.addi %mul3A_7, %add3A_202 : i32
      %mul3A_204 = arith.constant 112 : i32
      %mul3A_205 = arith.muli %add3A_203, %mul3A_204 : i32
      %gt3A_206 = arith.constant 24888 : i32
      %gt3A_207 = arith.cmpi sgt, %mul3A_205, %gt3A_206 : i32
      %jit3A_208 = arith.constant 24888 : i32
      %select_n3A_209 = arith.select %gt3A_207, %jit3A_208, %mul3A_205 : i32
      %scan3A_210 = arith.constant 0 : i32
      %scan3A_211 = arith.constant 0 : i32
      %scan3A_212 = arith.constant 25 : i32
      %scan3A_213 = arith.addi %scan3A_211, %scan3A_212 : i32
      %scan3A_214 = arith.constant 1 : i32
      %scan3A_215 = scf.for %scan3A_458 = %scan3A_211 to %scan3A_213 step %scan3A_214 iter_args(%scan3A_459 = %scan3A_210) -> (i32)  : i32 {
        %mul3A_460 = arith.constant 25600 : i32
        %mul3A_461 = arith.muli %scan3A_458, %mul3A_460 : i32
        %add3A_462 = arith.addi %mul3A_461, %select_n3A_209 : i32
        %mul3A_463 = arith.constant 112 : i32
        %mul3A_464 = arith.muli %scan3A_458, %mul3A_463 : i32
        %dma_start3A_465 = tpu.memref_slice %arg5[%mul3A_464] : memref<2800xi32, #tpu.memory_space<vmem>> -> memref<112xi32, #tpu.memory_space<vmem>>
        %dma_start3A_466 = tpu.memref_slice %arg3[%add3A_462] : memref<640000xi32, #tpu.memory_space<hbm>> -> memref<112xi32, #tpu.memory_space<hbm>>
        %dma_start3A_467 = tpu.memref_slice %arg5[%mul3A_464] : memref<2800xi32, #tpu.memory_space<vmem>> -> memref<112xi32, #tpu.memory_space<vmem>>
        %dma_start3A_468 = tpu.memref_slice %arg3[%add3A_462] : memref<640000xi32, #tpu.memory_space<hbm>> -> memref<112xi32, #tpu.memory_space<hbm>>
        tpu.enqueue_dma source(%dma_start3A_468 : memref<112xi32, #tpu.memory_space<hbm>>) target(%dma_start3A_467 : memref<112xi32, #tpu.memory_space<vmem>>) target_semaphore(%arg19 : memref<!tpu.dma_semaphore, #tpu.memory_space<semaphore_mem>>)
        %scan3A_469 = arith.constant 0 : i32
        scf.yield %scan3A_469 : i32
      }
      %scan3A_216 = arith.constant 25 : i32
      %dma_wait3A_217 = arith.constant 0 : i32
      %dma_wait3A_218 = tpu.memref_slice %arg3[%dma_wait3A_217] : memref<640000xi32, #tpu.memory_space<hbm>> -> memref<2800xi32, #tpu.memory_space<hbm>>
      %dma_wait3A_219 = arith.constant 0 : i32
      %dma_wait3A_220 = tpu.memref_slice %arg3[%dma_wait3A_219] : memref<640000xi32, #tpu.memory_space<hbm>> -> memref<2800xi32, #tpu.memory_space<hbm>>
      tpu.wait_dma2 semaphore(%arg19 : memref<!tpu.dma_semaphore, #tpu.memory_space<semaphore_mem>>) src(%dma_wait3A_220 : memref<2800xi32, #tpu.memory_space<hbm>>) dst(%arg5 : memref<2800xi32, #tpu.memory_space<vmem>>)
      %add3A_221 = arith.constant 0 : i32
      %add3A_222 = arith.addi %mul3A_7, %add3A_221 : i32
      %mul3A_223 = arith.constant 112 : i32
      %mul3A_224 = arith.muli %add3A_222, %mul3A_223 : i32
      %gt3A_225 = arith.constant 24888 : i32
      %gt3A_226 = arith.cmpi sgt, %mul3A_224, %gt3A_225 : i32
      %jit3A_227 = arith.constant 24888 : i32
      %select_n3A_228 = arith.select %gt3A_226, %jit3A_227, %mul3A_224 : i32
      %dma_wait3A_229 = arith.constant 0 : i32
      %dma_wait3A_230 = tpu.memref_slice %arg4[%select_n3A_228, %dma_wait3A_229] : memref<25000x128xf32, #tpu.memory_space<hbm>> -> memref<112x128xf32, #tpu.memory_space<hbm>>
      %dma_wait3A_231 = arith.constant 0 : i32
      %dma_wait3A_232 = tpu.memref_slice %arg4[%select_n3A_228, %dma_wait3A_231] : memref<25000x128xf32, #tpu.memory_space<hbm>> -> memref<112x128xf32, #tpu.memory_space<hbm>>
      tpu.wait_dma2 semaphore(%arg15 : memref<!tpu.dma_semaphore, #tpu.memory_space<semaphore_mem>>) src(%arg7 : memref<112x128xf32, #tpu.memory_space<vmem>>) dst(%dma_wait3A_232 : memref<112x128xf32, #tpu.memory_space<hbm>>)
      %dma_start3A_233 = arith.constant 0 : i32
      %dma_start3A_234 = tpu.memref_slice %arg5[%dma_start3A_233] : memref<2800xi32, #tpu.memory_space<vmem>> -> memref<112xi32, #tpu.memory_space<vmem>>
      %dma_start3A_235 = arith.constant 0 : i32
      %dma_start3A_236 = arith.constant 0 : i32
      %dma_start3A_237 = tpu.memref_slice %arg2[%dma_start3A_235, %dma_start3A_236] : memref<100000x128xf32, #tpu.memory_space<hbm>> -> memref<100000x128xf32, #tpu.memory_space<hbm>>
      tpu.enqueue_indirect_dma source(%dma_start3A_237 : memref<100000x128xf32, #tpu.memory_space<hbm>>) target(%arg7 : memref<112x128xf32, #tpu.memory_space<vmem>>) offsets(%dma_start3A_234 : memref<112xi32, #tpu.memory_space<vmem>>) semaphore(%arg11 : memref<!tpu.dma_semaphore, #tpu.memory_space<semaphore_mem>>)
      %dma_wait3A_238 = arith.constant 0 : i32
      %dma_wait3A_239 = tpu.memref_slice %arg5[%dma_wait3A_238] : memref<2800xi32, #tpu.memory_space<vmem>> -> memref<112xi32, #tpu.memory_space<vmem>>
      %dma_wait3A_240 = arith.constant 0 : i32
      %dma_wait3A_241 = arith.constant 0 : i32
      %dma_wait3A_242 = tpu.memref_slice %arg2[%dma_wait3A_240, %dma_wait3A_241] : memref<100000x128xf32, #tpu.memory_space<hbm>> -> memref<100000x128xf32, #tpu.memory_space<hbm>>
      tpu.wait_indirect_dma semaphore(%arg11 : memref<!tpu.dma_semaphore, #tpu.memory_space<semaphore_mem>>) src(%dma_wait3A_242 : memref<100000x128xf32, #tpu.memory_space<hbm>>) dst(%arg7 : memref<112x128xf32, #tpu.memory_space<vmem>>)
      %scan3A_243 = arith.constant 0 : i32
      %scan3A_244 = arith.constant 1 : i32
      %scan3A_245 = arith.constant 24 : i32
      %scan3A_246 = arith.addi %scan3A_244, %scan3A_245 : i32
      %scan3A_247 = arith.constant 1 : i32
      %scan3A_248 = scf.for %scan3A_458 = %scan3A_244 to %scan3A_246 step %scan3A_247 iter_args(%scan3A_459 = %scan3A_243) -> (i32)  : i32 {
        %mul3A_460 = arith.constant 112 : i32
        %mul3A_461 = arith.muli %scan3A_458, %mul3A_460 : i32
        %dma_start3A_462 = tpu.memref_slice %arg5[%mul3A_461] : memref<2800xi32, #tpu.memory_space<vmem>> -> memref<112xi32, #tpu.memory_space<vmem>>
        %dma_start3A_463 = arith.constant 0 : i32
        %dma_start3A_464 = arith.constant 0 : i32
        %dma_start3A_465 = tpu.memref_slice %arg2[%dma_start3A_463, %dma_start3A_464] : memref<100000x128xf32, #tpu.memory_space<hbm>> -> memref<100000x128xf32, #tpu.memory_space<hbm>>
        tpu.enqueue_indirect_dma source(%dma_start3A_465 : memref<100000x128xf32, #tpu.memory_space<hbm>>) target(%arg7 : memref<112x128xf32, #tpu.memory_space<vmem>>) offsets(%dma_start3A_462 : memref<112xi32, #tpu.memory_space<vmem>>) semaphore(%arg11 : memref<!tpu.dma_semaphore, #tpu.memory_space<semaphore_mem>>) {add = true}
        %scan3A_466 = arith.constant 0 : i32
        scf.yield %scan3A_466 : i32
      }
      %scan3A_249 = arith.constant 24 : i32
      %scan3A_250 = arith.constant 0 : i32
      %scan3A_251 = arith.constant 1 : i32
      %scan3A_252 = arith.constant 24 : i32
      %scan3A_253 = arith.addi %scan3A_251, %scan3A_252 : i32
      %scan3A_254 = arith.constant 1 : i32
      %scan3A_255 = scf.for %scan3A_458 = %scan3A_251 to %scan3A_253 step %scan3A_254 iter_args(%scan3A_459 = %scan3A_250) -> (i32)  : i32 {
        %dma_wait3A_460 = arith.constant 0 : i32
        %dma_wait3A_461 = tpu.memref_slice %arg6[%dma_wait3A_460] : memref<2800xi32, #tpu.memory_space<vmem>> -> memref<112xi32, #tpu.memory_space<vmem>>
        %dma_wait3A_462 = arith.constant 0 : i32
        %dma_wait3A_463 = arith.constant 0 : i32
        %dma_wait3A_464 = tpu.memref_slice %arg2[%dma_wait3A_462, %dma_wait3A_463] : memref<100000x128xf32, #tpu.memory_space<hbm>> -> memref<100000x128xf32, #tpu.memory_space<hbm>>
        tpu.wait_indirect_dma semaphore(%arg14 : memref<!tpu.dma_semaphore, #tpu.memory_space<semaphore_mem>>) src(%dma_wait3A_464 : memref<100000x128xf32, #tpu.memory_space<hbm>>) dst(%arg10 : memref<112x128xf32, #tpu.memory_space<vmem>>)
        %scan3A_465 = arith.constant 0 : i32
        scf.yield %scan3A_465 : i32
      }
      %scan3A_256 = arith.constant 24 : i32
      %add3A_257 = arith.constant 3 : i32
      %add3A_258 = arith.addi %mul3A_7, %add3A_257 : i32
      %mul3A_259 = arith.constant 112 : i32
      %mul3A_260 = arith.muli %add3A_258, %mul3A_259 : i32
      %gt3A_261 = arith.constant 24888 : i32
      %gt3A_262 = arith.cmpi sgt, %mul3A_260, %gt3A_261 : i32
      %jit3A_263 = arith.constant 24888 : i32
      %select_n3A_264 = arith.select %gt3A_262, %jit3A_263, %mul3A_260 : i32
      %dma_start3A_265 = arith.constant 0 : i32
      %dma_start3A_266 = tpu.memref_slice %arg4[%select_n3A_264, %dma_start3A_265] : memref<25000x128xf32, #tpu.memory_space<hbm>> -> memref<112x128xf32, #tpu.memory_space<hbm>>
      %dma_start3A_267 = arith.constant 0 : i32
      %dma_start3A_268 = tpu.memref_slice %arg4[%select_n3A_264, %dma_start3A_267] : memref<25000x128xf32, #tpu.memory_space<hbm>> -> memref<112x128xf32, #tpu.memory_space<hbm>>
      tpu.enqueue_dma source(%arg10 : memref<112x128xf32, #tpu.memory_space<vmem>>) target(%dma_start3A_268 : memref<112x128xf32, #tpu.memory_space<hbm>>) target_semaphore(%arg18 : memref<!tpu.dma_semaphore, #tpu.memory_space<semaphore_mem>>)
      %add3A_269 = arith.constant 5 : i32
      %add3A_270 = arith.addi %mul3A_7, %add3A_269 : i32
      %mul3A_271 = arith.constant 112 : i32
      %mul3A_272 = arith.muli %add3A_270, %mul3A_271 : i32
      %gt3A_273 = arith.constant 24888 : i32
      %gt3A_274 = arith.cmpi sgt, %mul3A_272, %gt3A_273 : i32
      %jit3A_275 = arith.constant 24888 : i32
      %select_n3A_276 = arith.select %gt3A_274, %jit3A_275, %mul3A_272 : i32
      %scan3A_277 = arith.constant 0 : i32
      %scan3A_278 = arith.constant 0 : i32
      %scan3A_279 = arith.constant 25 : i32
      %scan3A_280 = arith.addi %scan3A_278, %scan3A_279 : i32
      %scan3A_281 = arith.constant 1 : i32
      %scan3A_282 = scf.for %scan3A_458 = %scan3A_278 to %scan3A_280 step %scan3A_281 iter_args(%scan3A_459 = %scan3A_277) -> (i32)  : i32 {
        %mul3A_460 = arith.constant 25600 : i32
        %mul3A_461 = arith.muli %scan3A_458, %mul3A_460 : i32
        %add3A_462 = arith.addi %mul3A_461, %select_n3A_276 : i32
        %mul3A_463 = arith.constant 112 : i32
        %mul3A_464 = arith.muli %scan3A_458, %mul3A_463 : i32
        %dma_start3A_465 = tpu.memref_slice %arg6[%mul3A_464] : memref<2800xi32, #tpu.memory_space<vmem>> -> memref<112xi32, #tpu.memory_space<vmem>>
        %dma_start3A_466 = tpu.memref_slice %arg3[%add3A_462] : memref<640000xi32, #tpu.memory_space<hbm>> -> memref<112xi32, #tpu.memory_space<hbm>>
        %dma_start3A_467 = tpu.memref_slice %arg6[%mul3A_464] : memref<2800xi32, #tpu.memory_space<vmem>> -> memref<112xi32, #tpu.memory_space<vmem>>
        %dma_start3A_468 = tpu.memref_slice %arg3[%add3A_462] : memref<640000xi32, #tpu.memory_space<hbm>> -> memref<112xi32, #tpu.memory_space<hbm>>
        tpu.enqueue_dma source(%dma_start3A_468 : memref<112xi32, #tpu.memory_space<hbm>>) target(%dma_start3A_467 : memref<112xi32, #tpu.memory_space<vmem>>) target_semaphore(%arg20 : memref<!tpu.dma_semaphore, #tpu.memory_space<semaphore_mem>>)
        %scan3A_469 = arith.constant 0 : i32
        scf.yield %scan3A_469 : i32
      }
      %scan3A_283 = arith.constant 25 : i32
      %dma_wait3A_284 = arith.constant 0 : i32
      %dma_wait3A_285 = tpu.memref_slice %arg3[%dma_wait3A_284] : memref<640000xi32, #tpu.memory_space<hbm>> -> memref<2800xi32, #tpu.memory_space<hbm>>
      %dma_wait3A_286 = arith.constant 0 : i32
      %dma_wait3A_287 = tpu.memref_slice %arg3[%dma_wait3A_286] : memref<640000xi32, #tpu.memory_space<hbm>> -> memref<2800xi32, #tpu.memory_space<hbm>>
      tpu.wait_dma2 semaphore(%arg20 : memref<!tpu.dma_semaphore, #tpu.memory_space<semaphore_mem>>) src(%dma_wait3A_287 : memref<2800xi32, #tpu.memory_space<hbm>>) dst(%arg6 : memref<2800xi32, #tpu.memory_space<vmem>>)
      %add3A_288 = arith.constant 1 : i32
      %add3A_289 = arith.addi %mul3A_7, %add3A_288 : i32
      %mul3A_290 = arith.constant 112 : i32
      %mul3A_291 = arith.muli %add3A_289, %mul3A_290 : i32
      %gt3A_292 = arith.constant 24888 : i32
      %gt3A_293 = arith.cmpi sgt, %mul3A_291, %gt3A_292 : i32
      %jit3A_294 = arith.constant 24888 : i32
      %select_n3A_295 = arith.select %gt3A_293, %jit3A_294, %mul3A_291 : i32
      %dma_wait3A_296 = arith.constant 0 : i32
      %dma_wait3A_297 = tpu.memref_slice %arg4[%select_n3A_295, %dma_wait3A_296] : memref<25000x128xf32, #tpu.memory_space<hbm>> -> memref<112x128xf32, #tpu.memory_space<hbm>>
      %dma_wait3A_298 = arith.constant 0 : i32
      %dma_wait3A_299 = tpu.memref_slice %arg4[%select_n3A_295, %dma_wait3A_298] : memref<25000x128xf32, #tpu.memory_space<hbm>> -> memref<112x128xf32, #tpu.memory_space<hbm>>
      tpu.wait_dma2 semaphore(%arg16 : memref<!tpu.dma_semaphore, #tpu.memory_space<semaphore_mem>>) src(%arg8 : memref<112x128xf32, #tpu.memory_space<vmem>>) dst(%dma_wait3A_299 : memref<112x128xf32, #tpu.memory_space<hbm>>)
      %dma_start3A_300 = arith.constant 0 : i32
      %dma_start3A_301 = tpu.memref_slice %arg6[%dma_start3A_300] : memref<2800xi32, #tpu.memory_space<vmem>> -> memref<112xi32, #tpu.memory_space<vmem>>
      %dma_start3A_302 = arith.constant 0 : i32
      %dma_start3A_303 = arith.constant 0 : i32
      %dma_start3A_304 = tpu.memref_slice %arg2[%dma_start3A_302, %dma_start3A_303] : memref<100000x128xf32, #tpu.memory_space<hbm>> -> memref<100000x128xf32, #tpu.memory_space<hbm>>
      tpu.enqueue_indirect_dma source(%dma_start3A_304 : memref<100000x128xf32, #tpu.memory_space<hbm>>) target(%arg8 : memref<112x128xf32, #tpu.memory_space<vmem>>) offsets(%dma_start3A_301 : memref<112xi32, #tpu.memory_space<vmem>>) semaphore(%arg12 : memref<!tpu.dma_semaphore, #tpu.memory_space<semaphore_mem>>)
      %dma_wait3A_305 = arith.constant 0 : i32
      %dma_wait3A_306 = tpu.memref_slice %arg6[%dma_wait3A_305] : memref<2800xi32, #tpu.memory_space<vmem>> -> memref<112xi32, #tpu.memory_space<vmem>>
      %dma_wait3A_307 = arith.constant 0 : i32
      %dma_wait3A_308 = arith.constant 0 : i32
      %dma_wait3A_309 = tpu.memref_slice %arg2[%dma_wait3A_307, %dma_wait3A_308] : memref<100000x128xf32, #tpu.memory_space<hbm>> -> memref<100000x128xf32, #tpu.memory_space<hbm>>
      tpu.wait_indirect_dma semaphore(%arg12 : memref<!tpu.dma_semaphore, #tpu.memory_space<semaphore_mem>>) src(%dma_wait3A_309 : memref<100000x128xf32, #tpu.memory_space<hbm>>) dst(%arg8 : memref<112x128xf32, #tpu.memory_space<vmem>>)
      %scan3A_310 = arith.constant 0 : i32
      %scan3A_311 = arith.constant 1 : i32
      %scan3A_312 = arith.constant 24 : i32
      %scan3A_313 = arith.addi %scan3A_311, %scan3A_312 : i32
      %scan3A_314 = arith.constant 1 : i32
      %scan3A_315 = scf.for %scan3A_458 = %scan3A_311 to %scan3A_313 step %scan3A_314 iter_args(%scan3A_459 = %scan3A_310) -> (i32)  : i32 {
        %mul3A_460 = arith.constant 112 : i32
        %mul3A_461 = arith.muli %scan3A_458, %mul3A_460 : i32
        %dma_start3A_462 = tpu.memref_slice %arg6[%mul3A_461] : memref<2800xi32, #tpu.memory_space<vmem>> -> memref<112xi32, #tpu.memory_space<vmem>>
        %dma_start3A_463 = arith.constant 0 : i32
        %dma_start3A_464 = arith.constant 0 : i32
        %dma_start3A_465 = tpu.memref_slice %arg2[%dma_start3A_463, %dma_start3A_464] : memref<100000x128xf32, #tpu.memory_space<hbm>> -> memref<100000x128xf32, #tpu.memory_space<hbm>>
        tpu.enqueue_indirect_dma source(%dma_start3A_465 : memref<100000x128xf32, #tpu.memory_space<hbm>>) target(%arg8 : memref<112x128xf32, #tpu.memory_space<vmem>>) offsets(%dma_start3A_462 : memref<112xi32, #tpu.memory_space<vmem>>) semaphore(%arg12 : memref<!tpu.dma_semaphore, #tpu.memory_space<semaphore_mem>>) {add = true}
        %scan3A_466 = arith.constant 0 : i32
        scf.yield %scan3A_466 : i32
      }
      %scan3A_316 = arith.constant 24 : i32
      %scan3A_317 = arith.constant 0 : i32
      %scan3A_318 = arith.constant 1 : i32
      %scan3A_319 = arith.constant 24 : i32
      %scan3A_320 = arith.addi %scan3A_318, %scan3A_319 : i32
      %scan3A_321 = arith.constant 1 : i32
      %scan3A_322 = scf.for %scan3A_458 = %scan3A_318 to %scan3A_320 step %scan3A_321 iter_args(%scan3A_459 = %scan3A_317) -> (i32)  : i32 {
        %dma_wait3A_460 = arith.constant 0 : i32
        %dma_wait3A_461 = tpu.memref_slice %arg5[%dma_wait3A_460] : memref<2800xi32, #tpu.memory_space<vmem>> -> memref<112xi32, #tpu.memory_space<vmem>>
        %dma_wait3A_462 = arith.constant 0 : i32
        %dma_wait3A_463 = arith.constant 0 : i32
        %dma_wait3A_464 = tpu.memref_slice %arg2[%dma_wait3A_462, %dma_wait3A_463] : memref<100000x128xf32, #tpu.memory_space<hbm>> -> memref<100000x128xf32, #tpu.memory_space<hbm>>
        tpu.wait_indirect_dma semaphore(%arg11 : memref<!tpu.dma_semaphore, #tpu.memory_space<semaphore_mem>>) src(%dma_wait3A_464 : memref<100000x128xf32, #tpu.memory_space<hbm>>) dst(%arg7 : memref<112x128xf32, #tpu.memory_space<vmem>>)
        %scan3A_465 = arith.constant 0 : i32
        scf.yield %scan3A_465 : i32
      }
      %scan3A_323 = arith.constant 24 : i32
      %add3A_324 = arith.constant 4 : i32
      %add3A_325 = arith.addi %mul3A_7, %add3A_324 : i32
      %mul3A_326 = arith.constant 112 : i32
      %mul3A_327 = arith.muli %add3A_325, %mul3A_326 : i32
      %gt3A_328 = arith.constant 24888 : i32
      %gt3A_329 = arith.cmpi sgt, %mul3A_327, %gt3A_328 : i32
      %jit3A_330 = arith.constant 24888 : i32
      %select_n3A_331 = arith.select %gt3A_329, %jit3A_330, %mul3A_327 : i32
      %dma_start3A_332 = arith.constant 0 : i32
      %dma_start3A_333 = tpu.memref_slice %arg4[%select_n3A_331, %dma_start3A_332] : memref<25000x128xf32, #tpu.memory_space<hbm>> -> memref<112x128xf32, #tpu.memory_space<hbm>>
      %dma_start3A_334 = arith.constant 0 : i32
      %dma_start3A_335 = tpu.memref_slice %arg4[%select_n3A_331, %dma_start3A_334] : memref<25000x128xf32, #tpu.memory_space<hbm>> -> memref<112x128xf32, #tpu.memory_space<hbm>>
      tpu.enqueue_dma source(%arg7 : memref<112x128xf32, #tpu.memory_space<vmem>>) target(%dma_start3A_335 : memref<112x128xf32, #tpu.memory_space<hbm>>) target_semaphore(%arg15 : memref<!tpu.dma_semaphore, #tpu.memory_space<semaphore_mem>>)
      %add3A_336 = arith.constant 6 : i32
      %add3A_337 = arith.addi %mul3A_7, %add3A_336 : i32
      %mul3A_338 = arith.constant 112 : i32
      %mul3A_339 = arith.muli %add3A_337, %mul3A_338 : i32
      %gt3A_340 = arith.constant 24888 : i32
      %gt3A_341 = arith.cmpi sgt, %mul3A_339, %gt3A_340 : i32
      %jit3A_342 = arith.constant 24888 : i32
      %select_n3A_343 = arith.select %gt3A_341, %jit3A_342, %mul3A_339 : i32
      %scan3A_344 = arith.constant 0 : i32
      %scan3A_345 = arith.constant 0 : i32
      %scan3A_346 = arith.constant 25 : i32
      %scan3A_347 = arith.addi %scan3A_345, %scan3A_346 : i32
      %scan3A_348 = arith.constant 1 : i32
      %scan3A_349 = scf.for %scan3A_458 = %scan3A_345 to %scan3A_347 step %scan3A_348 iter_args(%scan3A_459 = %scan3A_344) -> (i32)  : i32 {
        %mul3A_460 = arith.constant 25600 : i32
        %mul3A_461 = arith.muli %scan3A_458, %mul3A_460 : i32
        %add3A_462 = arith.addi %mul3A_461, %select_n3A_343 : i32
        %mul3A_463 = arith.constant 112 : i32
        %mul3A_464 = arith.muli %scan3A_458, %mul3A_463 : i32
        %dma_start3A_465 = tpu.memref_slice %arg5[%mul3A_464] : memref<2800xi32, #tpu.memory_space<vmem>> -> memref<112xi32, #tpu.memory_space<vmem>>
        %dma_start3A_466 = tpu.memref_slice %arg3[%add3A_462] : memref<640000xi32, #tpu.memory_space<hbm>> -> memref<112xi32, #tpu.memory_space<hbm>>
        %dma_start3A_467 = tpu.memref_slice %arg5[%mul3A_464] : memref<2800xi32, #tpu.memory_space<vmem>> -> memref<112xi32, #tpu.memory_space<vmem>>
        %dma_start3A_468 = tpu.memref_slice %arg3[%add3A_462] : memref<640000xi32, #tpu.memory_space<hbm>> -> memref<112xi32, #tpu.memory_space<hbm>>
        tpu.enqueue_dma source(%dma_start3A_468 : memref<112xi32, #tpu.memory_space<hbm>>) target(%dma_start3A_467 : memref<112xi32, #tpu.memory_space<vmem>>) target_semaphore(%arg19 : memref<!tpu.dma_semaphore, #tpu.memory_space<semaphore_mem>>)
        %scan3A_469 = arith.constant 0 : i32
        scf.yield %scan3A_469 : i32
      }
      %scan3A_350 = arith.constant 25 : i32
      %dma_wait3A_351 = arith.constant 0 : i32
      %dma_wait3A_352 = tpu.memref_slice %arg3[%dma_wait3A_351] : memref<640000xi32, #tpu.memory_space<hbm>> -> memref<2800xi32, #tpu.memory_space<hbm>>
      %dma_wait3A_353 = arith.constant 0 : i32
      %dma_wait3A_354 = tpu.memref_slice %arg3[%dma_wait3A_353] : memref<640000xi32, #tpu.memory_space<hbm>> -> memref<2800xi32, #tpu.memory_space<hbm>>
      tpu.wait_dma2 semaphore(%arg19 : memref<!tpu.dma_semaphore, #tpu.memory_space<semaphore_mem>>) src(%dma_wait3A_354 : memref<2800xi32, #tpu.memory_space<hbm>>) dst(%arg5 : memref<2800xi32, #tpu.memory_space<vmem>>)
      %add3A_355 = arith.constant 2 : i32
      %add3A_356 = arith.addi %mul3A_7, %add3A_355 : i32
      %mul3A_357 = arith.constant 112 : i32
      %mul3A_358 = arith.muli %add3A_356, %mul3A_357 : i32
      %gt3A_359 = arith.constant 24888 : i32
      %gt3A_360 = arith.cmpi sgt, %mul3A_358, %gt3A_359 : i32
      %jit3A_361 = arith.constant 24888 : i32
      %select_n3A_362 = arith.select %gt3A_360, %jit3A_361, %mul3A_358 : i32
      %dma_wait3A_363 = arith.constant 0 : i32
      %dma_wait3A_364 = tpu.memref_slice %arg4[%select_n3A_362, %dma_wait3A_363] : memref<25000x128xf32, #tpu.memory_space<hbm>> -> memref<112x128xf32, #tpu.memory_space<hbm>>
      %dma_wait3A_365 = arith.constant 0 : i32
      %dma_wait3A_366 = tpu.memref_slice %arg4[%select_n3A_362, %dma_wait3A_365] : memref<25000x128xf32, #tpu.memory_space<hbm>> -> memref<112x128xf32, #tpu.memory_space<hbm>>
      tpu.wait_dma2 semaphore(%arg17 : memref<!tpu.dma_semaphore, #tpu.memory_space<semaphore_mem>>) src(%arg9 : memref<112x128xf32, #tpu.memory_space<vmem>>) dst(%dma_wait3A_366 : memref<112x128xf32, #tpu.memory_space<hbm>>)
      %dma_start3A_367 = arith.constant 0 : i32
      %dma_start3A_368 = tpu.memref_slice %arg5[%dma_start3A_367] : memref<2800xi32, #tpu.memory_space<vmem>> -> memref<112xi32, #tpu.memory_space<vmem>>
      %dma_start3A_369 = arith.constant 0 : i32
      %dma_start3A_370 = arith.constant 0 : i32
      %dma_start3A_371 = tpu.memref_slice %arg2[%dma_start3A_369, %dma_start3A_370] : memref<100000x128xf32, #tpu.memory_space<hbm>> -> memref<100000x128xf32, #tpu.memory_space<hbm>>
      tpu.enqueue_indirect_dma source(%dma_start3A_371 : memref<100000x128xf32, #tpu.memory_space<hbm>>) target(%arg9 : memref<112x128xf32, #tpu.memory_space<vmem>>) offsets(%dma_start3A_368 : memref<112xi32, #tpu.memory_space<vmem>>) semaphore(%arg13 : memref<!tpu.dma_semaphore, #tpu.memory_space<semaphore_mem>>)
      %dma_wait3A_372 = arith.constant 0 : i32
      %dma_wait3A_373 = tpu.memref_slice %arg5[%dma_wait3A_372] : memref<2800xi32, #tpu.memory_space<vmem>> -> memref<112xi32, #tpu.memory_space<vmem>>
      %dma_wait3A_374 = arith.constant 0 : i32
      %dma_wait3A_375 = arith.constant 0 : i32
      %dma_wait3A_376 = tpu.memref_slice %arg2[%dma_wait3A_374, %dma_wait3A_375] : memref<100000x128xf32, #tpu.memory_space<hbm>> -> memref<100000x128xf32, #tpu.memory_space<hbm>>
      tpu.wait_indirect_dma semaphore(%arg13 : memref<!tpu.dma_semaphore, #tpu.memory_space<semaphore_mem>>) src(%dma_wait3A_376 : memref<100000x128xf32, #tpu.memory_space<hbm>>) dst(%arg9 : memref<112x128xf32, #tpu.memory_space<vmem>>)
      %scan3A_377 = arith.constant 0 : i32
      %scan3A_378 = arith.constant 1 : i32
      %scan3A_379 = arith.constant 24 : i32
      %scan3A_380 = arith.addi %scan3A_378, %scan3A_379 : i32
      %scan3A_381 = arith.constant 1 : i32
      %scan3A_382 = scf.for %scan3A_458 = %scan3A_378 to %scan3A_380 step %scan3A_381 iter_args(%scan3A_459 = %scan3A_377) -> (i32)  : i32 {
        %mul3A_460 = arith.constant 112 : i32
        %mul3A_461 = arith.muli %scan3A_458, %mul3A_460 : i32
        %dma_start3A_462 = tpu.memref_slice %arg5[%mul3A_461] : memref<2800xi32, #tpu.memory_space<vmem>> -> memref<112xi32, #tpu.memory_space<vmem>>
        %dma_start3A_463 = arith.constant 0 : i32
        %dma_start3A_464 = arith.constant 0 : i32
        %dma_start3A_465 = tpu.memref_slice %arg2[%dma_start3A_463, %dma_start3A_464] : memref<100000x128xf32, #tpu.memory_space<hbm>> -> memref<100000x128xf32, #tpu.memory_space<hbm>>
        tpu.enqueue_indirect_dma source(%dma_start3A_465 : memref<100000x128xf32, #tpu.memory_space<hbm>>) target(%arg9 : memref<112x128xf32, #tpu.memory_space<vmem>>) offsets(%dma_start3A_462 : memref<112xi32, #tpu.memory_space<vmem>>) semaphore(%arg13 : memref<!tpu.dma_semaphore, #tpu.memory_space<semaphore_mem>>) {add = true}
        %scan3A_466 = arith.constant 0 : i32
        scf.yield %scan3A_466 : i32
      }
      %scan3A_383 = arith.constant 24 : i32
      %scan3A_384 = arith.constant 0 : i32
      %scan3A_385 = arith.constant 1 : i32
      %scan3A_386 = arith.constant 24 : i32
      %scan3A_387 = arith.addi %scan3A_385, %scan3A_386 : i32
      %scan3A_388 = arith.constant 1 : i32
      %scan3A_389 = scf.for %scan3A_458 = %scan3A_385 to %scan3A_387 step %scan3A_388 iter_args(%scan3A_459 = %scan3A_384) -> (i32)  : i32 {
        %dma_wait3A_460 = arith.constant 0 : i32
        %dma_wait3A_461 = tpu.memref_slice %arg6[%dma_wait3A_460] : memref<2800xi32, #tpu.memory_space<vmem>> -> memref<112xi32, #tpu.memory_space<vmem>>
        %dma_wait3A_462 = arith.constant 0 : i32
        %dma_wait3A_463 = arith.constant 0 : i32
        %dma_wait3A_464 = tpu.memref_slice %arg2[%dma_wait3A_462, %dma_wait3A_463] : memref<100000x128xf32, #tpu.memory_space<hbm>> -> memref<100000x128xf32, #tpu.memory_space<hbm>>
        tpu.wait_indirect_dma semaphore(%arg12 : memref<!tpu.dma_semaphore, #tpu.memory_space<semaphore_mem>>) src(%dma_wait3A_464 : memref<100000x128xf32, #tpu.memory_space<hbm>>) dst(%arg8 : memref<112x128xf32, #tpu.memory_space<vmem>>)
        %scan3A_465 = arith.constant 0 : i32
        scf.yield %scan3A_465 : i32
      }
      %scan3A_390 = arith.constant 24 : i32
      %add3A_391 = arith.constant 5 : i32
      %add3A_392 = arith.addi %mul3A_7, %add3A_391 : i32
      %mul3A_393 = arith.constant 112 : i32
      %mul3A_394 = arith.muli %add3A_392, %mul3A_393 : i32
      %gt3A_395 = arith.constant 24888 : i32
      %gt3A_396 = arith.cmpi sgt, %mul3A_394, %gt3A_395 : i32
      %jit3A_397 = arith.constant 24888 : i32
      %select_n3A_398 = arith.select %gt3A_396, %jit3A_397, %mul3A_394 : i32
      %dma_start3A_399 = arith.constant 0 : i32
      %dma_start3A_400 = tpu.memref_slice %arg4[%select_n3A_398, %dma_start3A_399] : memref<25000x128xf32, #tpu.memory_space<hbm>> -> memref<112x128xf32, #tpu.memory_space<hbm>>
      %dma_start3A_401 = arith.constant 0 : i32
      %dma_start3A_402 = tpu.memref_slice %arg4[%select_n3A_398, %dma_start3A_401] : memref<25000x128xf32, #tpu.memory_space<hbm>> -> memref<112x128xf32, #tpu.memory_space<hbm>>
      tpu.enqueue_dma source(%arg8 : memref<112x128xf32, #tpu.memory_space<vmem>>) target(%dma_start3A_402 : memref<112x128xf32, #tpu.memory_space<hbm>>) target_semaphore(%arg16 : memref<!tpu.dma_semaphore, #tpu.memory_space<semaphore_mem>>)
      %scan3A_403 = arith.constant 0 : i32
      %scan3A_404 = arith.constant 1 : i32
      %scan3A_405 = arith.constant 24 : i32
      %scan3A_406 = arith.addi %scan3A_404, %scan3A_405 : i32
      %scan3A_407 = arith.constant 1 : i32
      %scan3A_408 = scf.for %scan3A_458 = %scan3A_404 to %scan3A_406 step %scan3A_407 iter_args(%scan3A_459 = %scan3A_403) -> (i32)  : i32 {
        %dma_wait3A_460 = arith.constant 0 : i32
        %dma_wait3A_461 = tpu.memref_slice %arg5[%dma_wait3A_460] : memref<2800xi32, #tpu.memory_space<vmem>> -> memref<112xi32, #tpu.memory_space<vmem>>
        %dma_wait3A_462 = arith.constant 0 : i32
        %dma_wait3A_463 = arith.constant 0 : i32
        %dma_wait3A_464 = tpu.memref_slice %arg2[%dma_wait3A_462, %dma_wait3A_463] : memref<100000x128xf32, #tpu.memory_space<hbm>> -> memref<100000x128xf32, #tpu.memory_space<hbm>>
        tpu.wait_indirect_dma semaphore(%arg13 : memref<!tpu.dma_semaphore, #tpu.memory_space<semaphore_mem>>) src(%dma_wait3A_464 : memref<100000x128xf32, #tpu.memory_space<hbm>>) dst(%arg9 : memref<112x128xf32, #tpu.memory_space<vmem>>)
        %scan3A_465 = arith.constant 0 : i32
        scf.yield %scan3A_465 : i32
      }
      %scan3A_409 = arith.constant 24 : i32
      %add3A_410 = arith.constant 6 : i32
      %add3A_411 = arith.addi %mul3A_7, %add3A_410 : i32
      %mul3A_412 = arith.constant 112 : i32
      %mul3A_413 = arith.muli %add3A_411, %mul3A_412 : i32
      %gt3A_414 = arith.constant 24888 : i32
      %gt3A_415 = arith.cmpi sgt, %mul3A_413, %gt3A_414 : i32
      %jit3A_416 = arith.constant 24888 : i32
      %select_n3A_417 = arith.select %gt3A_415, %jit3A_416, %mul3A_413 : i32
      %dma_start3A_418 = arith.constant 0 : i32
      %dma_start3A_419 = tpu.memref_slice %arg4[%select_n3A_417, %dma_start3A_418] : memref<25000x128xf32, #tpu.memory_space<hbm>> -> memref<112x128xf32, #tpu.memory_space<hbm>>
      %dma_start3A_420 = arith.constant 0 : i32
      %dma_start3A_421 = tpu.memref_slice %arg4[%select_n3A_417, %dma_start3A_420] : memref<25000x128xf32, #tpu.memory_space<hbm>> -> memref<112x128xf32, #tpu.memory_space<hbm>>
      tpu.enqueue_dma source(%arg9 : memref<112x128xf32, #tpu.memory_space<vmem>>) target(%dma_start3A_421 : memref<112x128xf32, #tpu.memory_space<hbm>>) target_semaphore(%arg17 : memref<!tpu.dma_semaphore, #tpu.memory_space<semaphore_mem>>)
      %add3A_422 = arith.constant 4 : i32
      %add3A_423 = arith.addi %mul3A_7, %add3A_422 : i32
      %mul3A_424 = arith.constant 112 : i32
      %mul3A_425 = arith.muli %add3A_423, %mul3A_424 : i32
      %gt3A_426 = arith.constant 24888 : i32
      %gt3A_427 = arith.cmpi sgt, %mul3A_425, %gt3A_426 : i32
      %jit3A_428 = arith.constant 24888 : i32
      %select_n3A_429 = arith.select %gt3A_427, %jit3A_428, %mul3A_425 : i32
      %dma_wait3A_430 = arith.constant 0 : i32
      %dma_wait3A_431 = tpu.memref_slice %arg4[%select_n3A_429, %dma_wait3A_430] : memref<25000x128xf32, #tpu.memory_space<hbm>> -> memref<112x128xf32, #tpu.memory_space<hbm>>
      %dma_wait3A_432 = arith.constant 0 : i32
      %dma_wait3A_433 = tpu.memref_slice %arg4[%select_n3A_429, %dma_wait3A_432] : memref<25000x128xf32, #tpu.memory_space<hbm>> -> memref<112x128xf32, #tpu.memory_space<hbm>>
      tpu.wait_dma2 semaphore(%arg15 : memref<!tpu.dma_semaphore, #tpu.memory_space<semaphore_mem>>) src(%arg7 : memref<112x128xf32, #tpu.memory_space<vmem>>) dst(%dma_wait3A_433 : memref<112x128xf32, #tpu.memory_space<hbm>>)
      %add3A_434 = arith.constant 5 : i32
      %add3A_435 = arith.addi %mul3A_7, %add3A_434 : i32
      %mul3A_436 = arith.constant 112 : i32
      %mul3A_437 = arith.muli %add3A_435, %mul3A_436 : i32
      %gt3A_438 = arith.constant 24888 : i32
      %gt3A_439 = arith.cmpi sgt, %mul3A_437, %gt3A_438 : i32
      %jit3A_440 = arith.constant 24888 : i32
      %select_n3A_441 = arith.select %gt3A_439, %jit3A_440, %mul3A_437 : i32
      %dma_wait3A_442 = arith.constant 0 : i32
      %dma_wait3A_443 = tpu.memref_slice %arg4[%select_n3A_441, %dma_wait3A_442] : memref<25000x128xf32, #tpu.memory_space<hbm>> -> memref<112x128xf32, #tpu.memory_space<hbm>>
      %dma_wait3A_444 = arith.constant 0 : i32
      %dma_wait3A_445 = tpu.memref_slice %arg4[%select_n3A_441, %dma_wait3A_444] : memref<25000x128xf32, #tpu.memory_space<hbm>> -> memref<112x128xf32, #tpu.memory_space<hbm>>
      tpu.wait_dma2 semaphore(%arg16 : memref<!tpu.dma_semaphore, #tpu.memory_space<semaphore_mem>>) src(%arg8 : memref<112x128xf32, #tpu.memory_space<vmem>>) dst(%dma_wait3A_445 : memref<112x128xf32, #tpu.memory_space<hbm>>)
      %add3A_446 = arith.constant 6 : i32
      %add3A_447 = arith.addi %mul3A_7, %add3A_446 : i32
      %mul3A_448 = arith.constant 112 : i32
      %mul3A_449 = arith.muli %add3A_447, %mul3A_448 : i32
      %gt3A_450 = arith.constant 24888 : i32
      %gt3A_451 = arith.cmpi sgt, %mul3A_449, %gt3A_450 : i32
      %jit3A_452 = arith.constant 24888 : i32
      %select_n3A_453 = arith.select %gt3A_451, %jit3A_452, %mul3A_449 : i32
      %dma_wait3A_454 = arith.constant 0 : i32
      %dma_wait3A_455 = tpu.memref_slice %arg4[%select_n3A_453, %dma_wait3A_454] : memref<25000x128xf32, #tpu.memory_space<hbm>> -> memref<112x128xf32, #tpu.memory_space<hbm>>
      %dma_wait3A_456 = arith.constant 0 : i32
      %dma_wait3A_457 = tpu.memref_slice %arg4[%select_n3A_453, %dma_wait3A_456] : memref<25000x128xf32, #tpu.memory_space<hbm>> -> memref<112x128xf32, #tpu.memory_space<hbm>>
      tpu.wait_dma2 semaphore(%arg17 : memref<!tpu.dma_semaphore, #tpu.memory_space<semaphore_mem>>) src(%arg9 : memref<112x128xf32, #tpu.memory_space<vmem>>) dst(%dma_wait3A_457 : memref<112x128xf32, #tpu.memory_space<hbm>>)
    } else {
    }
    %eq3A_2 = arith.constant 1 : i32
    %eq3A_3 = arith.cmpi eq, %arg0, %eq3A_2 : i32
    %convert_element_type3A_4 = arith.extui %eq3A_3 : i1 to i32
    %cond3A_5 = arith.constant 0 : i32
    %cond3A_6 = arith.cmpi ne, %convert_element_type3A_4, %cond3A_5 : i32
    scf.if %cond3A_6 {
      %mul3A = arith.constant 7 : i32
      %mul3A_7 = arith.muli %arg1, %mul3A : i32
      %add3A = arith.constant 112 : i32
      %add3A_8 = arith.addi %add3A, %mul3A_7 : i32
      %add3A_9 = arith.constant 0 : i32
      %add3A_10 = arith.addi %add3A_8, %add3A_9 : i32
      %mul3A_11 = arith.constant 112 : i32
      %mul3A_12 = arith.muli %add3A_10, %mul3A_11 : i32
      %gt3A = arith.constant 24888 : i32
      %gt3A_13 = arith.cmpi sgt, %mul3A_12, %gt3A : i32
      %jit3A = arith.constant 24888 : i32
      %select_n3A = arith.select %gt3A_13, %jit3A, %mul3A_12 : i32
      %scan3A = arith.constant 0 : i32
      %scan3A_14 = arith.constant 0 : i32
      %scan3A_15 = arith.constant 25 : i32
      %scan3A_16 = arith.addi %scan3A_14, %scan3A_15 : i32
      %scan3A_17 = arith.constant 1 : i32
      %scan3A_18 = scf.for %scan3A_460 = %scan3A_14 to %scan3A_16 step %scan3A_17 iter_args(%scan3A_461 = %scan3A) -> (i32)  : i32 {
        %mul3A_462 = arith.constant 25600 : i32
        %mul3A_463 = arith.muli %scan3A_460, %mul3A_462 : i32
        %add3A_464 = arith.addi %mul3A_463, %select_n3A : i32
        %mul3A_465 = arith.constant 112 : i32
        %mul3A_466 = arith.muli %scan3A_460, %mul3A_465 : i32
        %dma_start3A_467 = tpu.memref_slice %arg5[%mul3A_466] : memref<2800xi32, #tpu.memory_space<vmem>> -> memref<112xi32, #tpu.memory_space<vmem>>
        %dma_start3A_468 = tpu.memref_slice %arg3[%add3A_464] : memref<640000xi32, #tpu.memory_space<hbm>> -> memref<112xi32, #tpu.memory_space<hbm>>
        %dma_start3A_469 = tpu.memref_slice %arg5[%mul3A_466] : memref<2800xi32, #tpu.memory_space<vmem>> -> memref<112xi32, #tpu.memory_space<vmem>>
        %dma_start3A_470 = tpu.memref_slice %arg3[%add3A_464] : memref<640000xi32, #tpu.memory_space<hbm>> -> memref<112xi32, #tpu.memory_space<hbm>>
        tpu.enqueue_dma source(%dma_start3A_470 : memref<112xi32, #tpu.memory_space<hbm>>) target(%dma_start3A_469 : memref<112xi32, #tpu.memory_space<vmem>>) target_semaphore(%arg19 : memref<!tpu.dma_semaphore, #tpu.memory_space<semaphore_mem>>)
        %scan3A_471 = arith.constant 0 : i32
        scf.yield %scan3A_471 : i32
      }
      %scan3A_19 = arith.constant 25 : i32
      %dma_wait3A = arith.constant 0 : i32
      %dma_wait3A_20 = tpu.memref_slice %arg3[%dma_wait3A] : memref<640000xi32, #tpu.memory_space<hbm>> -> memref<2800xi32, #tpu.memory_space<hbm>>
      %dma_wait3A_21 = arith.constant 0 : i32
      %dma_wait3A_22 = tpu.memref_slice %arg3[%dma_wait3A_21] : memref<640000xi32, #tpu.memory_space<hbm>> -> memref<2800xi32, #tpu.memory_space<hbm>>
      tpu.wait_dma2 semaphore(%arg19 : memref<!tpu.dma_semaphore, #tpu.memory_space<semaphore_mem>>) src(%dma_wait3A_22 : memref<2800xi32, #tpu.memory_space<hbm>>) dst(%arg5 : memref<2800xi32, #tpu.memory_space<vmem>>)
      %dma_start3A = arith.constant 0 : i32
      %dma_start3A_23 = tpu.memref_slice %arg5[%dma_start3A] : memref<2800xi32, #tpu.memory_space<vmem>> -> memref<112xi32, #tpu.memory_space<vmem>>
      %dma_start3A_24 = arith.constant 0 : i32
      %dma_start3A_25 = arith.constant 0 : i32
      %dma_start3A_26 = tpu.memref_slice %arg2[%dma_start3A_24, %dma_start3A_25] : memref<100000x128xf32, #tpu.memory_space<hbm>> -> memref<100000x128xf32, #tpu.memory_space<hbm>>
      tpu.enqueue_indirect_dma source(%dma_start3A_26 : memref<100000x128xf32, #tpu.memory_space<hbm>>) target(%arg7 : memref<112x128xf32, #tpu.memory_space<vmem>>) offsets(%dma_start3A_23 : memref<112xi32, #tpu.memory_space<vmem>>) semaphore(%arg11 : memref<!tpu.dma_semaphore, #tpu.memory_space<semaphore_mem>>)
      %dma_wait3A_27 = arith.constant 0 : i32
      %dma_wait3A_28 = tpu.memref_slice %arg5[%dma_wait3A_27] : memref<2800xi32, #tpu.memory_space<vmem>> -> memref<112xi32, #tpu.memory_space<vmem>>
      %dma_wait3A_29 = arith.constant 0 : i32
      %dma_wait3A_30 = arith.constant 0 : i32
      %dma_wait3A_31 = tpu.memref_slice %arg2[%dma_wait3A_29, %dma_wait3A_30] : memref<100000x128xf32, #tpu.memory_space<hbm>> -> memref<100000x128xf32, #tpu.memory_space<hbm>>
      tpu.wait_indirect_dma semaphore(%arg11 : memref<!tpu.dma_semaphore, #tpu.memory_space<semaphore_mem>>) src(%dma_wait3A_31 : memref<100000x128xf32, #tpu.memory_space<hbm>>) dst(%arg7 : memref<112x128xf32, #tpu.memory_space<vmem>>)
      %scan3A_32 = arith.constant 0 : i32
      %scan3A_33 = arith.constant 1 : i32
      %scan3A_34 = arith.constant 24 : i32
      %scan3A_35 = arith.addi %scan3A_33, %scan3A_34 : i32
      %scan3A_36 = arith.constant 1 : i32
      %scan3A_37 = scf.for %scan3A_460 = %scan3A_33 to %scan3A_35 step %scan3A_36 iter_args(%scan3A_461 = %scan3A_32) -> (i32)  : i32 {
        %mul3A_462 = arith.constant 112 : i32
        %mul3A_463 = arith.muli %scan3A_460, %mul3A_462 : i32
        %dma_start3A_464 = tpu.memref_slice %arg5[%mul3A_463] : memref<2800xi32, #tpu.memory_space<vmem>> -> memref<112xi32, #tpu.memory_space<vmem>>
        %dma_start3A_465 = arith.constant 0 : i32
        %dma_start3A_466 = arith.constant 0 : i32
        %dma_start3A_467 = tpu.memref_slice %arg2[%dma_start3A_465, %dma_start3A_466] : memref<100000x128xf32, #tpu.memory_space<hbm>> -> memref<100000x128xf32, #tpu.memory_space<hbm>>
        tpu.enqueue_indirect_dma source(%dma_start3A_467 : memref<100000x128xf32, #tpu.memory_space<hbm>>) target(%arg7 : memref<112x128xf32, #tpu.memory_space<vmem>>) offsets(%dma_start3A_464 : memref<112xi32, #tpu.memory_space<vmem>>) semaphore(%arg11 : memref<!tpu.dma_semaphore, #tpu.memory_space<semaphore_mem>>) {add = true}
        %scan3A_468 = arith.constant 0 : i32
        scf.yield %scan3A_468 : i32
      }
      %scan3A_38 = arith.constant 24 : i32
      %add3A_39 = arith.constant 1 : i32
      %add3A_40 = arith.addi %add3A_8, %add3A_39 : i32
      %mul3A_41 = arith.constant 112 : i32
      %mul3A_42 = arith.muli %add3A_40, %mul3A_41 : i32
      %gt3A_43 = arith.constant 24888 : i32
      %gt3A_44 = arith.cmpi sgt, %mul3A_42, %gt3A_43 : i32
      %jit3A_45 = arith.constant 24888 : i32
      %select_n3A_46 = arith.select %gt3A_44, %jit3A_45, %mul3A_42 : i32
      %scan3A_47 = arith.constant 0 : i32
      %scan3A_48 = arith.constant 0 : i32
      %scan3A_49 = arith.constant 25 : i32
      %scan3A_50 = arith.addi %scan3A_48, %scan3A_49 : i32
      %scan3A_51 = arith.constant 1 : i32
      %scan3A_52 = scf.for %scan3A_460 = %scan3A_48 to %scan3A_50 step %scan3A_51 iter_args(%scan3A_461 = %scan3A_47) -> (i32)  : i32 {
        %mul3A_462 = arith.constant 25600 : i32
        %mul3A_463 = arith.muli %scan3A_460, %mul3A_462 : i32
        %add3A_464 = arith.addi %mul3A_463, %select_n3A_46 : i32
        %mul3A_465 = arith.constant 112 : i32
        %mul3A_466 = arith.muli %scan3A_460, %mul3A_465 : i32
        %dma_start3A_467 = tpu.memref_slice %arg6[%mul3A_466] : memref<2800xi32, #tpu.memory_space<vmem>> -> memref<112xi32, #tpu.memory_space<vmem>>
        %dma_start3A_468 = tpu.memref_slice %arg3[%add3A_464] : memref<640000xi32, #tpu.memory_space<hbm>> -> memref<112xi32, #tpu.memory_space<hbm>>
        %dma_start3A_469 = tpu.memref_slice %arg6[%mul3A_466] : memref<2800xi32, #tpu.memory_space<vmem>> -> memref<112xi32, #tpu.memory_space<vmem>>
        %dma_start3A_470 = tpu.memref_slice %arg3[%add3A_464] : memref<640000xi32, #tpu.memory_space<hbm>> -> memref<112xi32, #tpu.memory_space<hbm>>
        tpu.enqueue_dma source(%dma_start3A_470 : memref<112xi32, #tpu.memory_space<hbm>>) target(%dma_start3A_469 : memref<112xi32, #tpu.memory_space<vmem>>) target_semaphore(%arg20 : memref<!tpu.dma_semaphore, #tpu.memory_space<semaphore_mem>>)
        %scan3A_471 = arith.constant 0 : i32
        scf.yield %scan3A_471 : i32
      }
      %scan3A_53 = arith.constant 25 : i32
      %dma_wait3A_54 = arith.constant 0 : i32
      %dma_wait3A_55 = tpu.memref_slice %arg3[%dma_wait3A_54] : memref<640000xi32, #tpu.memory_space<hbm>> -> memref<2800xi32, #tpu.memory_space<hbm>>
      %dma_wait3A_56 = arith.constant 0 : i32
      %dma_wait3A_57 = tpu.memref_slice %arg3[%dma_wait3A_56] : memref<640000xi32, #tpu.memory_space<hbm>> -> memref<2800xi32, #tpu.memory_space<hbm>>
      tpu.wait_dma2 semaphore(%arg20 : memref<!tpu.dma_semaphore, #tpu.memory_space<semaphore_mem>>) src(%dma_wait3A_57 : memref<2800xi32, #tpu.memory_space<hbm>>) dst(%arg6 : memref<2800xi32, #tpu.memory_space<vmem>>)
      %dma_start3A_58 = arith.constant 0 : i32
      %dma_start3A_59 = tpu.memref_slice %arg6[%dma_start3A_58] : memref<2800xi32, #tpu.memory_space<vmem>> -> memref<112xi32, #tpu.memory_space<vmem>>
      %dma_start3A_60 = arith.constant 0 : i32
      %dma_start3A_61 = arith.constant 0 : i32
      %dma_start3A_62 = tpu.memref_slice %arg2[%dma_start3A_60, %dma_start3A_61] : memref<100000x128xf32, #tpu.memory_space<hbm>> -> memref<100000x128xf32, #tpu.memory_space<hbm>>
      tpu.enqueue_indirect_dma source(%dma_start3A_62 : memref<100000x128xf32, #tpu.memory_space<hbm>>) target(%arg8 : memref<112x128xf32, #tpu.memory_space<vmem>>) offsets(%dma_start3A_59 : memref<112xi32, #tpu.memory_space<vmem>>) semaphore(%arg12 : memref<!tpu.dma_semaphore, #tpu.memory_space<semaphore_mem>>)
      %dma_wait3A_63 = arith.constant 0 : i32
      %dma_wait3A_64 = tpu.memref_slice %arg6[%dma_wait3A_63] : memref<2800xi32, #tpu.memory_space<vmem>> -> memref<112xi32, #tpu.memory_space<vmem>>
      %dma_wait3A_65 = arith.constant 0 : i32
      %dma_wait3A_66 = arith.constant 0 : i32
      %dma_wait3A_67 = tpu.memref_slice %arg2[%dma_wait3A_65, %dma_wait3A_66] : memref<100000x128xf32, #tpu.memory_space<hbm>> -> memref<100000x128xf32, #tpu.memory_space<hbm>>
      tpu.wait_indirect_dma semaphore(%arg12 : memref<!tpu.dma_semaphore, #tpu.memory_space<semaphore_mem>>) src(%dma_wait3A_67 : memref<100000x128xf32, #tpu.memory_space<hbm>>) dst(%arg8 : memref<112x128xf32, #tpu.memory_space<vmem>>)
      %scan3A_68 = arith.constant 0 : i32
      %scan3A_69 = arith.constant 1 : i32
      %scan3A_70 = arith.constant 24 : i32
      %scan3A_71 = arith.addi %scan3A_69, %scan3A_70 : i32
      %scan3A_72 = arith.constant 1 : i32
      %scan3A_73 = scf.for %scan3A_460 = %scan3A_69 to %scan3A_71 step %scan3A_72 iter_args(%scan3A_461 = %scan3A_68) -> (i32)  : i32 {
        %mul3A_462 = arith.constant 112 : i32
        %mul3A_463 = arith.muli %scan3A_460, %mul3A_462 : i32
        %dma_start3A_464 = tpu.memref_slice %arg6[%mul3A_463] : memref<2800xi32, #tpu.memory_space<vmem>> -> memref<112xi32, #tpu.memory_space<vmem>>
        %dma_start3A_465 = arith.constant 0 : i32
        %dma_start3A_466 = arith.constant 0 : i32
        %dma_start3A_467 = tpu.memref_slice %arg2[%dma_start3A_465, %dma_start3A_466] : memref<100000x128xf32, #tpu.memory_space<hbm>> -> memref<100000x128xf32, #tpu.memory_space<hbm>>
        tpu.enqueue_indirect_dma source(%dma_start3A_467 : memref<100000x128xf32, #tpu.memory_space<hbm>>) target(%arg8 : memref<112x128xf32, #tpu.memory_space<vmem>>) offsets(%dma_start3A_464 : memref<112xi32, #tpu.memory_space<vmem>>) semaphore(%arg12 : memref<!tpu.dma_semaphore, #tpu.memory_space<semaphore_mem>>) {add = true}
        %scan3A_468 = arith.constant 0 : i32
        scf.yield %scan3A_468 : i32
      }
      %scan3A_74 = arith.constant 24 : i32
      %scan3A_75 = arith.constant 0 : i32
      %scan3A_76 = arith.constant 1 : i32
      %scan3A_77 = arith.constant 24 : i32
      %scan3A_78 = arith.addi %scan3A_76, %scan3A_77 : i32
      %scan3A_79 = arith.constant 1 : i32
      %scan3A_80 = scf.for %scan3A_460 = %scan3A_76 to %scan3A_78 step %scan3A_79 iter_args(%scan3A_461 = %scan3A_75) -> (i32)  : i32 {
        %dma_wait3A_462 = arith.constant 0 : i32
        %dma_wait3A_463 = tpu.memref_slice %arg5[%dma_wait3A_462] : memref<2800xi32, #tpu.memory_space<vmem>> -> memref<112xi32, #tpu.memory_space<vmem>>
        %dma_wait3A_464 = arith.constant 0 : i32
        %dma_wait3A_465 = arith.constant 0 : i32
        %dma_wait3A_466 = tpu.memref_slice %arg2[%dma_wait3A_464, %dma_wait3A_465] : memref<100000x128xf32, #tpu.memory_space<hbm>> -> memref<100000x128xf32, #tpu.memory_space<hbm>>
        tpu.wait_indirect_dma semaphore(%arg11 : memref<!tpu.dma_semaphore, #tpu.memory_space<semaphore_mem>>) src(%dma_wait3A_466 : memref<100000x128xf32, #tpu.memory_space<hbm>>) dst(%arg7 : memref<112x128xf32, #tpu.memory_space<vmem>>)
        %scan3A_467 = arith.constant 0 : i32
        scf.yield %scan3A_467 : i32
      }
      %scan3A_81 = arith.constant 24 : i32
      %add3A_82 = arith.constant 0 : i32
      %add3A_83 = arith.addi %add3A_8, %add3A_82 : i32
      %mul3A_84 = arith.constant 112 : i32
      %mul3A_85 = arith.muli %add3A_83, %mul3A_84 : i32
      %gt3A_86 = arith.constant 24888 : i32
      %gt3A_87 = arith.cmpi sgt, %mul3A_85, %gt3A_86 : i32
      %jit3A_88 = arith.constant 24888 : i32
      %select_n3A_89 = arith.select %gt3A_87, %jit3A_88, %mul3A_85 : i32
      %dma_start3A_90 = arith.constant 0 : i32
      %dma_start3A_91 = tpu.memref_slice %arg4[%select_n3A_89, %dma_start3A_90] : memref<25000x128xf32, #tpu.memory_space<hbm>> -> memref<112x128xf32, #tpu.memory_space<hbm>>
      %dma_start3A_92 = arith.constant 0 : i32
      %dma_start3A_93 = tpu.memref_slice %arg4[%select_n3A_89, %dma_start3A_92] : memref<25000x128xf32, #tpu.memory_space<hbm>> -> memref<112x128xf32, #tpu.memory_space<hbm>>
      tpu.enqueue_dma source(%arg7 : memref<112x128xf32, #tpu.memory_space<vmem>>) target(%dma_start3A_93 : memref<112x128xf32, #tpu.memory_space<hbm>>) target_semaphore(%arg15 : memref<!tpu.dma_semaphore, #tpu.memory_space<semaphore_mem>>)
      %add3A_94 = arith.constant 2 : i32
      %add3A_95 = arith.addi %add3A_8, %add3A_94 : i32
      %mul3A_96 = arith.constant 112 : i32
      %mul3A_97 = arith.muli %add3A_95, %mul3A_96 : i32
      %gt3A_98 = arith.constant 24888 : i32
      %gt3A_99 = arith.cmpi sgt, %mul3A_97, %gt3A_98 : i32
      %jit3A_100 = arith.constant 24888 : i32
      %select_n3A_101 = arith.select %gt3A_99, %jit3A_100, %mul3A_97 : i32
      %scan3A_102 = arith.constant 0 : i32
      %scan3A_103 = arith.constant 0 : i32
      %scan3A_104 = arith.constant 25 : i32
      %scan3A_105 = arith.addi %scan3A_103, %scan3A_104 : i32
      %scan3A_106 = arith.constant 1 : i32
      %scan3A_107 = scf.for %scan3A_460 = %scan3A_103 to %scan3A_105 step %scan3A_106 iter_args(%scan3A_461 = %scan3A_102) -> (i32)  : i32 {
        %mul3A_462 = arith.constant 25600 : i32
        %mul3A_463 = arith.muli %scan3A_460, %mul3A_462 : i32
        %add3A_464 = arith.addi %mul3A_463, %select_n3A_101 : i32
        %mul3A_465 = arith.constant 112 : i32
        %mul3A_466 = arith.muli %scan3A_460, %mul3A_465 : i32
        %dma_start3A_467 = tpu.memref_slice %arg5[%mul3A_466] : memref<2800xi32, #tpu.memory_space<vmem>> -> memref<112xi32, #tpu.memory_space<vmem>>
        %dma_start3A_468 = tpu.memref_slice %arg3[%add3A_464] : memref<640000xi32, #tpu.memory_space<hbm>> -> memref<112xi32, #tpu.memory_space<hbm>>
        %dma_start3A_469 = tpu.memref_slice %arg5[%mul3A_466] : memref<2800xi32, #tpu.memory_space<vmem>> -> memref<112xi32, #tpu.memory_space<vmem>>
        %dma_start3A_470 = tpu.memref_slice %arg3[%add3A_464] : memref<640000xi32, #tpu.memory_space<hbm>> -> memref<112xi32, #tpu.memory_space<hbm>>
        tpu.enqueue_dma source(%dma_start3A_470 : memref<112xi32, #tpu.memory_space<hbm>>) target(%dma_start3A_469 : memref<112xi32, #tpu.memory_space<vmem>>) target_semaphore(%arg19 : memref<!tpu.dma_semaphore, #tpu.memory_space<semaphore_mem>>)
        %scan3A_471 = arith.constant 0 : i32
        scf.yield %scan3A_471 : i32
      }
      %scan3A_108 = arith.constant 25 : i32
      %dma_wait3A_109 = arith.constant 0 : i32
      %dma_wait3A_110 = tpu.memref_slice %arg3[%dma_wait3A_109] : memref<640000xi32, #tpu.memory_space<hbm>> -> memref<2800xi32, #tpu.memory_space<hbm>>
      %dma_wait3A_111 = arith.constant 0 : i32
      %dma_wait3A_112 = tpu.memref_slice %arg3[%dma_wait3A_111] : memref<640000xi32, #tpu.memory_space<hbm>> -> memref<2800xi32, #tpu.memory_space<hbm>>
      tpu.wait_dma2 semaphore(%arg19 : memref<!tpu.dma_semaphore, #tpu.memory_space<semaphore_mem>>) src(%dma_wait3A_112 : memref<2800xi32, #tpu.memory_space<hbm>>) dst(%arg5 : memref<2800xi32, #tpu.memory_space<vmem>>)
      %dma_start3A_113 = arith.constant 0 : i32
      %dma_start3A_114 = tpu.memref_slice %arg5[%dma_start3A_113] : memref<2800xi32, #tpu.memory_space<vmem>> -> memref<112xi32, #tpu.memory_space<vmem>>
      %dma_start3A_115 = arith.constant 0 : i32
      %dma_start3A_116 = arith.constant 0 : i32
      %dma_start3A_117 = tpu.memref_slice %arg2[%dma_start3A_115, %dma_start3A_116] : memref<100000x128xf32, #tpu.memory_space<hbm>> -> memref<100000x128xf32, #tpu.memory_space<hbm>>
      tpu.enqueue_indirect_dma source(%dma_start3A_117 : memref<100000x128xf32, #tpu.memory_space<hbm>>) target(%arg9 : memref<112x128xf32, #tpu.memory_space<vmem>>) offsets(%dma_start3A_114 : memref<112xi32, #tpu.memory_space<vmem>>) semaphore(%arg13 : memref<!tpu.dma_semaphore, #tpu.memory_space<semaphore_mem>>)
      %dma_wait3A_118 = arith.constant 0 : i32
      %dma_wait3A_119 = tpu.memref_slice %arg5[%dma_wait3A_118] : memref<2800xi32, #tpu.memory_space<vmem>> -> memref<112xi32, #tpu.memory_space<vmem>>
      %dma_wait3A_120 = arith.constant 0 : i32
      %dma_wait3A_121 = arith.constant 0 : i32
      %dma_wait3A_122 = tpu.memref_slice %arg2[%dma_wait3A_120, %dma_wait3A_121] : memref<100000x128xf32, #tpu.memory_space<hbm>> -> memref<100000x128xf32, #tpu.memory_space<hbm>>
      tpu.wait_indirect_dma semaphore(%arg13 : memref<!tpu.dma_semaphore, #tpu.memory_space<semaphore_mem>>) src(%dma_wait3A_122 : memref<100000x128xf32, #tpu.memory_space<hbm>>) dst(%arg9 : memref<112x128xf32, #tpu.memory_space<vmem>>)
      %scan3A_123 = arith.constant 0 : i32
      %scan3A_124 = arith.constant 1 : i32
      %scan3A_125 = arith.constant 24 : i32
      %scan3A_126 = arith.addi %scan3A_124, %scan3A_125 : i32
      %scan3A_127 = arith.constant 1 : i32
      %scan3A_128 = scf.for %scan3A_460 = %scan3A_124 to %scan3A_126 step %scan3A_127 iter_args(%scan3A_461 = %scan3A_123) -> (i32)  : i32 {
        %mul3A_462 = arith.constant 112 : i32
        %mul3A_463 = arith.muli %scan3A_460, %mul3A_462 : i32
        %dma_start3A_464 = tpu.memref_slice %arg5[%mul3A_463] : memref<2800xi32, #tpu.memory_space<vmem>> -> memref<112xi32, #tpu.memory_space<vmem>>
        %dma_start3A_465 = arith.constant 0 : i32
        %dma_start3A_466 = arith.constant 0 : i32
        %dma_start3A_467 = tpu.memref_slice %arg2[%dma_start3A_465, %dma_start3A_466] : memref<100000x128xf32, #tpu.memory_space<hbm>> -> memref<100000x128xf32, #tpu.memory_space<hbm>>
        tpu.enqueue_indirect_dma source(%dma_start3A_467 : memref<100000x128xf32, #tpu.memory_space<hbm>>) target(%arg9 : memref<112x128xf32, #tpu.memory_space<vmem>>) offsets(%dma_start3A_464 : memref<112xi32, #tpu.memory_space<vmem>>) semaphore(%arg13 : memref<!tpu.dma_semaphore, #tpu.memory_space<semaphore_mem>>) {add = true}
        %scan3A_468 = arith.constant 0 : i32
        scf.yield %scan3A_468 : i32
      }
      %scan3A_129 = arith.constant 24 : i32
      %scan3A_130 = arith.constant 0 : i32
      %scan3A_131 = arith.constant 1 : i32
      %scan3A_132 = arith.constant 24 : i32
      %scan3A_133 = arith.addi %scan3A_131, %scan3A_132 : i32
      %scan3A_134 = arith.constant 1 : i32
      %scan3A_135 = scf.for %scan3A_460 = %scan3A_131 to %scan3A_133 step %scan3A_134 iter_args(%scan3A_461 = %scan3A_130) -> (i32)  : i32 {
        %dma_wait3A_462 = arith.constant 0 : i32
        %dma_wait3A_463 = tpu.memref_slice %arg6[%dma_wait3A_462] : memref<2800xi32, #tpu.memory_space<vmem>> -> memref<112xi32, #tpu.memory_space<vmem>>
        %dma_wait3A_464 = arith.constant 0 : i32
        %dma_wait3A_465 = arith.constant 0 : i32
        %dma_wait3A_466 = tpu.memref_slice %arg2[%dma_wait3A_464, %dma_wait3A_465] : memref<100000x128xf32, #tpu.memory_space<hbm>> -> memref<100000x128xf32, #tpu.memory_space<hbm>>
        tpu.wait_indirect_dma semaphore(%arg12 : memref<!tpu.dma_semaphore, #tpu.memory_space<semaphore_mem>>) src(%dma_wait3A_466 : memref<100000x128xf32, #tpu.memory_space<hbm>>) dst(%arg8 : memref<112x128xf32, #tpu.memory_space<vmem>>)
        %scan3A_467 = arith.constant 0 : i32
        scf.yield %scan3A_467 : i32
      }
      %scan3A_136 = arith.constant 24 : i32
      %add3A_137 = arith.constant 1 : i32
      %add3A_138 = arith.addi %add3A_8, %add3A_137 : i32
      %mul3A_139 = arith.constant 112 : i32
      %mul3A_140 = arith.muli %add3A_138, %mul3A_139 : i32
      %gt3A_141 = arith.constant 24888 : i32
      %gt3A_142 = arith.cmpi sgt, %mul3A_140, %gt3A_141 : i32
      %jit3A_143 = arith.constant 24888 : i32
      %select_n3A_144 = arith.select %gt3A_142, %jit3A_143, %mul3A_140 : i32
      %dma_start3A_145 = arith.constant 0 : i32
      %dma_start3A_146 = tpu.memref_slice %arg4[%select_n3A_144, %dma_start3A_145] : memref<25000x128xf32, #tpu.memory_space<hbm>> -> memref<112x128xf32, #tpu.memory_space<hbm>>
      %dma_start3A_147 = arith.constant 0 : i32
      %dma_start3A_148 = tpu.memref_slice %arg4[%select_n3A_144, %dma_start3A_147] : memref<25000x128xf32, #tpu.memory_space<hbm>> -> memref<112x128xf32, #tpu.memory_space<hbm>>
      tpu.enqueue_dma source(%arg8 : memref<112x128xf32, #tpu.memory_space<vmem>>) target(%dma_start3A_148 : memref<112x128xf32, #tpu.memory_space<hbm>>) target_semaphore(%arg16 : memref<!tpu.dma_semaphore, #tpu.memory_space<semaphore_mem>>)
      %add3A_149 = arith.constant 3 : i32
      %add3A_150 = arith.addi %add3A_8, %add3A_149 : i32
      %mul3A_151 = arith.constant 112 : i32
      %mul3A_152 = arith.muli %add3A_150, %mul3A_151 : i32
      %gt3A_153 = arith.constant 24888 : i32
      %gt3A_154 = arith.cmpi sgt, %mul3A_152, %gt3A_153 : i32
      %jit3A_155 = arith.constant 24888 : i32
      %select_n3A_156 = arith.select %gt3A_154, %jit3A_155, %mul3A_152 : i32
      %scan3A_157 = arith.constant 0 : i32
      %scan3A_158 = arith.constant 0 : i32
      %scan3A_159 = arith.constant 25 : i32
      %scan3A_160 = arith.addi %scan3A_158, %scan3A_159 : i32
      %scan3A_161 = arith.constant 1 : i32
      %scan3A_162 = scf.for %scan3A_460 = %scan3A_158 to %scan3A_160 step %scan3A_161 iter_args(%scan3A_461 = %scan3A_157) -> (i32)  : i32 {
        %mul3A_462 = arith.constant 25600 : i32
        %mul3A_463 = arith.muli %scan3A_460, %mul3A_462 : i32
        %add3A_464 = arith.addi %mul3A_463, %select_n3A_156 : i32
        %mul3A_465 = arith.constant 112 : i32
        %mul3A_466 = arith.muli %scan3A_460, %mul3A_465 : i32
        %dma_start3A_467 = tpu.memref_slice %arg6[%mul3A_466] : memref<2800xi32, #tpu.memory_space<vmem>> -> memref<112xi32, #tpu.memory_space<vmem>>
        %dma_start3A_468 = tpu.memref_slice %arg3[%add3A_464] : memref<640000xi32, #tpu.memory_space<hbm>> -> memref<112xi32, #tpu.memory_space<hbm>>
        %dma_start3A_469 = tpu.memref_slice %arg6[%mul3A_466] : memref<2800xi32, #tpu.memory_space<vmem>> -> memref<112xi32, #tpu.memory_space<vmem>>
        %dma_start3A_470 = tpu.memref_slice %arg3[%add3A_464] : memref<640000xi32, #tpu.memory_space<hbm>> -> memref<112xi32, #tpu.memory_space<hbm>>
        tpu.enqueue_dma source(%dma_start3A_470 : memref<112xi32, #tpu.memory_space<hbm>>) target(%dma_start3A_469 : memref<112xi32, #tpu.memory_space<vmem>>) target_semaphore(%arg20 : memref<!tpu.dma_semaphore, #tpu.memory_space<semaphore_mem>>)
        %scan3A_471 = arith.constant 0 : i32
        scf.yield %scan3A_471 : i32
      }
      %scan3A_163 = arith.constant 25 : i32
      %dma_wait3A_164 = arith.constant 0 : i32
      %dma_wait3A_165 = tpu.memref_slice %arg3[%dma_wait3A_164] : memref<640000xi32, #tpu.memory_space<hbm>> -> memref<2800xi32, #tpu.memory_space<hbm>>
      %dma_wait3A_166 = arith.constant 0 : i32
      %dma_wait3A_167 = tpu.memref_slice %arg3[%dma_wait3A_166] : memref<640000xi32, #tpu.memory_space<hbm>> -> memref<2800xi32, #tpu.memory_space<hbm>>
      tpu.wait_dma2 semaphore(%arg20 : memref<!tpu.dma_semaphore, #tpu.memory_space<semaphore_mem>>) src(%dma_wait3A_167 : memref<2800xi32, #tpu.memory_space<hbm>>) dst(%arg6 : memref<2800xi32, #tpu.memory_space<vmem>>)
      %dma_start3A_168 = arith.constant 0 : i32
      %dma_start3A_169 = tpu.memref_slice %arg6[%dma_start3A_168] : memref<2800xi32, #tpu.memory_space<vmem>> -> memref<112xi32, #tpu.memory_space<vmem>>
      %dma_start3A_170 = arith.constant 0 : i32
      %dma_start3A_171 = arith.constant 0 : i32
      %dma_start3A_172 = tpu.memref_slice %arg2[%dma_start3A_170, %dma_start3A_171] : memref<100000x128xf32, #tpu.memory_space<hbm>> -> memref<100000x128xf32, #tpu.memory_space<hbm>>
      tpu.enqueue_indirect_dma source(%dma_start3A_172 : memref<100000x128xf32, #tpu.memory_space<hbm>>) target(%arg10 : memref<112x128xf32, #tpu.memory_space<vmem>>) offsets(%dma_start3A_169 : memref<112xi32, #tpu.memory_space<vmem>>) semaphore(%arg14 : memref<!tpu.dma_semaphore, #tpu.memory_space<semaphore_mem>>)
      %dma_wait3A_173 = arith.constant 0 : i32
      %dma_wait3A_174 = tpu.memref_slice %arg6[%dma_wait3A_173] : memref<2800xi32, #tpu.memory_space<vmem>> -> memref<112xi32, #tpu.memory_space<vmem>>
      %dma_wait3A_175 = arith.constant 0 : i32
      %dma_wait3A_176 = arith.constant 0 : i32
      %dma_wait3A_177 = tpu.memref_slice %arg2[%dma_wait3A_175, %dma_wait3A_176] : memref<100000x128xf32, #tpu.memory_space<hbm>> -> memref<100000x128xf32, #tpu.memory_space<hbm>>
      tpu.wait_indirect_dma semaphore(%arg14 : memref<!tpu.dma_semaphore, #tpu.memory_space<semaphore_mem>>) src(%dma_wait3A_177 : memref<100000x128xf32, #tpu.memory_space<hbm>>) dst(%arg10 : memref<112x128xf32, #tpu.memory_space<vmem>>)
      %scan3A_178 = arith.constant 0 : i32
      %scan3A_179 = arith.constant 1 : i32
      %scan3A_180 = arith.constant 24 : i32
      %scan3A_181 = arith.addi %scan3A_179, %scan3A_180 : i32
      %scan3A_182 = arith.constant 1 : i32
      %scan3A_183 = scf.for %scan3A_460 = %scan3A_179 to %scan3A_181 step %scan3A_182 iter_args(%scan3A_461 = %scan3A_178) -> (i32)  : i32 {
        %mul3A_462 = arith.constant 112 : i32
        %mul3A_463 = arith.muli %scan3A_460, %mul3A_462 : i32
        %dma_start3A_464 = tpu.memref_slice %arg6[%mul3A_463] : memref<2800xi32, #tpu.memory_space<vmem>> -> memref<112xi32, #tpu.memory_space<vmem>>
        %dma_start3A_465 = arith.constant 0 : i32
        %dma_start3A_466 = arith.constant 0 : i32
        %dma_start3A_467 = tpu.memref_slice %arg2[%dma_start3A_465, %dma_start3A_466] : memref<100000x128xf32, #tpu.memory_space<hbm>> -> memref<100000x128xf32, #tpu.memory_space<hbm>>
        tpu.enqueue_indirect_dma source(%dma_start3A_467 : memref<100000x128xf32, #tpu.memory_space<hbm>>) target(%arg10 : memref<112x128xf32, #tpu.memory_space<vmem>>) offsets(%dma_start3A_464 : memref<112xi32, #tpu.memory_space<vmem>>) semaphore(%arg14 : memref<!tpu.dma_semaphore, #tpu.memory_space<semaphore_mem>>) {add = true}
        %scan3A_468 = arith.constant 0 : i32
        scf.yield %scan3A_468 : i32
      }
      %scan3A_184 = arith.constant 24 : i32
      %scan3A_185 = arith.constant 0 : i32
      %scan3A_186 = arith.constant 1 : i32
      %scan3A_187 = arith.constant 24 : i32
      %scan3A_188 = arith.addi %scan3A_186, %scan3A_187 : i32
      %scan3A_189 = arith.constant 1 : i32
      %scan3A_190 = scf.for %scan3A_460 = %scan3A_186 to %scan3A_188 step %scan3A_189 iter_args(%scan3A_461 = %scan3A_185) -> (i32)  : i32 {
        %dma_wait3A_462 = arith.constant 0 : i32
        %dma_wait3A_463 = tpu.memref_slice %arg5[%dma_wait3A_462] : memref<2800xi32, #tpu.memory_space<vmem>> -> memref<112xi32, #tpu.memory_space<vmem>>
        %dma_wait3A_464 = arith.constant 0 : i32
        %dma_wait3A_465 = arith.constant 0 : i32
        %dma_wait3A_466 = tpu.memref_slice %arg2[%dma_wait3A_464, %dma_wait3A_465] : memref<100000x128xf32, #tpu.memory_space<hbm>> -> memref<100000x128xf32, #tpu.memory_space<hbm>>
        tpu.wait_indirect_dma semaphore(%arg13 : memref<!tpu.dma_semaphore, #tpu.memory_space<semaphore_mem>>) src(%dma_wait3A_466 : memref<100000x128xf32, #tpu.memory_space<hbm>>) dst(%arg9 : memref<112x128xf32, #tpu.memory_space<vmem>>)
        %scan3A_467 = arith.constant 0 : i32
        scf.yield %scan3A_467 : i32
      }
      %scan3A_191 = arith.constant 24 : i32
      %add3A_192 = arith.constant 2 : i32
      %add3A_193 = arith.addi %add3A_8, %add3A_192 : i32
      %mul3A_194 = arith.constant 112 : i32
      %mul3A_195 = arith.muli %add3A_193, %mul3A_194 : i32
      %gt3A_196 = arith.constant 24888 : i32
      %gt3A_197 = arith.cmpi sgt, %mul3A_195, %gt3A_196 : i32
      %jit3A_198 = arith.constant 24888 : i32
      %select_n3A_199 = arith.select %gt3A_197, %jit3A_198, %mul3A_195 : i32
      %dma_start3A_200 = arith.constant 0 : i32
      %dma_start3A_201 = tpu.memref_slice %arg4[%select_n3A_199, %dma_start3A_200] : memref<25000x128xf32, #tpu.memory_space<hbm>> -> memref<112x128xf32, #tpu.memory_space<hbm>>
      %dma_start3A_202 = arith.constant 0 : i32
      %dma_start3A_203 = tpu.memref_slice %arg4[%select_n3A_199, %dma_start3A_202] : memref<25000x128xf32, #tpu.memory_space<hbm>> -> memref<112x128xf32, #tpu.memory_space<hbm>>
      tpu.enqueue_dma source(%arg9 : memref<112x128xf32, #tpu.memory_space<vmem>>) target(%dma_start3A_203 : memref<112x128xf32, #tpu.memory_space<hbm>>) target_semaphore(%arg17 : memref<!tpu.dma_semaphore, #tpu.memory_space<semaphore_mem>>)
      %add3A_204 = arith.constant 4 : i32
      %add3A_205 = arith.addi %add3A_8, %add3A_204 : i32
      %mul3A_206 = arith.constant 112 : i32
      %mul3A_207 = arith.muli %add3A_205, %mul3A_206 : i32
      %gt3A_208 = arith.constant 24888 : i32
      %gt3A_209 = arith.cmpi sgt, %mul3A_207, %gt3A_208 : i32
      %jit3A_210 = arith.constant 24888 : i32
      %select_n3A_211 = arith.select %gt3A_209, %jit3A_210, %mul3A_207 : i32
      %scan3A_212 = arith.constant 0 : i32
      %scan3A_213 = arith.constant 0 : i32
      %scan3A_214 = arith.constant 25 : i32
      %scan3A_215 = arith.addi %scan3A_213, %scan3A_214 : i32
      %scan3A_216 = arith.constant 1 : i32
      %scan3A_217 = scf.for %scan3A_460 = %scan3A_213 to %scan3A_215 step %scan3A_216 iter_args(%scan3A_461 = %scan3A_212) -> (i32)  : i32 {
        %mul3A_462 = arith.constant 25600 : i32
        %mul3A_463 = arith.muli %scan3A_460, %mul3A_462 : i32
        %add3A_464 = arith.addi %mul3A_463, %select_n3A_211 : i32
        %mul3A_465 = arith.constant 112 : i32
        %mul3A_466 = arith.muli %scan3A_460, %mul3A_465 : i32
        %dma_start3A_467 = tpu.memref_slice %arg5[%mul3A_466] : memref<2800xi32, #tpu.memory_space<vmem>> -> memref<112xi32, #tpu.memory_space<vmem>>
        %dma_start3A_468 = tpu.memref_slice %arg3[%add3A_464] : memref<640000xi32, #tpu.memory_space<hbm>> -> memref<112xi32, #tpu.memory_space<hbm>>
        %dma_start3A_469 = tpu.memref_slice %arg5[%mul3A_466] : memref<2800xi32, #tpu.memory_space<vmem>> -> memref<112xi32, #tpu.memory_space<vmem>>
        %dma_start3A_470 = tpu.memref_slice %arg3[%add3A_464] : memref<640000xi32, #tpu.memory_space<hbm>> -> memref<112xi32, #tpu.memory_space<hbm>>
        tpu.enqueue_dma source(%dma_start3A_470 : memref<112xi32, #tpu.memory_space<hbm>>) target(%dma_start3A_469 : memref<112xi32, #tpu.memory_space<vmem>>) target_semaphore(%arg19 : memref<!tpu.dma_semaphore, #tpu.memory_space<semaphore_mem>>)
        %scan3A_471 = arith.constant 0 : i32
        scf.yield %scan3A_471 : i32
      }
      %scan3A_218 = arith.constant 25 : i32
      %dma_wait3A_219 = arith.constant 0 : i32
      %dma_wait3A_220 = tpu.memref_slice %arg3[%dma_wait3A_219] : memref<640000xi32, #tpu.memory_space<hbm>> -> memref<2800xi32, #tpu.memory_space<hbm>>
      %dma_wait3A_221 = arith.constant 0 : i32
      %dma_wait3A_222 = tpu.memref_slice %arg3[%dma_wait3A_221] : memref<640000xi32, #tpu.memory_space<hbm>> -> memref<2800xi32, #tpu.memory_space<hbm>>
      tpu.wait_dma2 semaphore(%arg19 : memref<!tpu.dma_semaphore, #tpu.memory_space<semaphore_mem>>) src(%dma_wait3A_222 : memref<2800xi32, #tpu.memory_space<hbm>>) dst(%arg5 : memref<2800xi32, #tpu.memory_space<vmem>>)
      %add3A_223 = arith.constant 0 : i32
      %add3A_224 = arith.addi %add3A_8, %add3A_223 : i32
      %mul3A_225 = arith.constant 112 : i32
      %mul3A_226 = arith.muli %add3A_224, %mul3A_225 : i32
      %gt3A_227 = arith.constant 24888 : i32
      %gt3A_228 = arith.cmpi sgt, %mul3A_226, %gt3A_227 : i32
      %jit3A_229 = arith.constant 24888 : i32
      %select_n3A_230 = arith.select %gt3A_228, %jit3A_229, %mul3A_226 : i32
      %dma_wait3A_231 = arith.constant 0 : i32
      %dma_wait3A_232 = tpu.memref_slice %arg4[%select_n3A_230, %dma_wait3A_231] : memref<25000x128xf32, #tpu.memory_space<hbm>> -> memref<112x128xf32, #tpu.memory_space<hbm>>
      %dma_wait3A_233 = arith.constant 0 : i32
      %dma_wait3A_234 = tpu.memref_slice %arg4[%select_n3A_230, %dma_wait3A_233] : memref<25000x128xf32, #tpu.memory_space<hbm>> -> memref<112x128xf32, #tpu.memory_space<hbm>>
      tpu.wait_dma2 semaphore(%arg15 : memref<!tpu.dma_semaphore, #tpu.memory_space<semaphore_mem>>) src(%arg7 : memref<112x128xf32, #tpu.memory_space<vmem>>) dst(%dma_wait3A_234 : memref<112x128xf32, #tpu.memory_space<hbm>>)
      %dma_start3A_235 = arith.constant 0 : i32
      %dma_start3A_236 = tpu.memref_slice %arg5[%dma_start3A_235] : memref<2800xi32, #tpu.memory_space<vmem>> -> memref<112xi32, #tpu.memory_space<vmem>>
      %dma_start3A_237 = arith.constant 0 : i32
      %dma_start3A_238 = arith.constant 0 : i32
      %dma_start3A_239 = tpu.memref_slice %arg2[%dma_start3A_237, %dma_start3A_238] : memref<100000x128xf32, #tpu.memory_space<hbm>> -> memref<100000x128xf32, #tpu.memory_space<hbm>>
      tpu.enqueue_indirect_dma source(%dma_start3A_239 : memref<100000x128xf32, #tpu.memory_space<hbm>>) target(%arg7 : memref<112x128xf32, #tpu.memory_space<vmem>>) offsets(%dma_start3A_236 : memref<112xi32, #tpu.memory_space<vmem>>) semaphore(%arg11 : memref<!tpu.dma_semaphore, #tpu.memory_space<semaphore_mem>>)
      %dma_wait3A_240 = arith.constant 0 : i32
      %dma_wait3A_241 = tpu.memref_slice %arg5[%dma_wait3A_240] : memref<2800xi32, #tpu.memory_space<vmem>> -> memref<112xi32, #tpu.memory_space<vmem>>
      %dma_wait3A_242 = arith.constant 0 : i32
      %dma_wait3A_243 = arith.constant 0 : i32
      %dma_wait3A_244 = tpu.memref_slice %arg2[%dma_wait3A_242, %dma_wait3A_243] : memref<100000x128xf32, #tpu.memory_space<hbm>> -> memref<100000x128xf32, #tpu.memory_space<hbm>>
      tpu.wait_indirect_dma semaphore(%arg11 : memref<!tpu.dma_semaphore, #tpu.memory_space<semaphore_mem>>) src(%dma_wait3A_244 : memref<100000x128xf32, #tpu.memory_space<hbm>>) dst(%arg7 : memref<112x128xf32, #tpu.memory_space<vmem>>)
      %scan3A_245 = arith.constant 0 : i32
      %scan3A_246 = arith.constant 1 : i32
      %scan3A_247 = arith.constant 24 : i32
      %scan3A_248 = arith.addi %scan3A_246, %scan3A_247 : i32
      %scan3A_249 = arith.constant 1 : i32
      %scan3A_250 = scf.for %scan3A_460 = %scan3A_246 to %scan3A_248 step %scan3A_249 iter_args(%scan3A_461 = %scan3A_245) -> (i32)  : i32 {
        %mul3A_462 = arith.constant 112 : i32
        %mul3A_463 = arith.muli %scan3A_460, %mul3A_462 : i32
        %dma_start3A_464 = tpu.memref_slice %arg5[%mul3A_463] : memref<2800xi32, #tpu.memory_space<vmem>> -> memref<112xi32, #tpu.memory_space<vmem>>
        %dma_start3A_465 = arith.constant 0 : i32
        %dma_start3A_466 = arith.constant 0 : i32
        %dma_start3A_467 = tpu.memref_slice %arg2[%dma_start3A_465, %dma_start3A_466] : memref<100000x128xf32, #tpu.memory_space<hbm>> -> memref<100000x128xf32, #tpu.memory_space<hbm>>
        tpu.enqueue_indirect_dma source(%dma_start3A_467 : memref<100000x128xf32, #tpu.memory_space<hbm>>) target(%arg7 : memref<112x128xf32, #tpu.memory_space<vmem>>) offsets(%dma_start3A_464 : memref<112xi32, #tpu.memory_space<vmem>>) semaphore(%arg11 : memref<!tpu.dma_semaphore, #tpu.memory_space<semaphore_mem>>) {add = true}
        %scan3A_468 = arith.constant 0 : i32
        scf.yield %scan3A_468 : i32
      }
      %scan3A_251 = arith.constant 24 : i32
      %scan3A_252 = arith.constant 0 : i32
      %scan3A_253 = arith.constant 1 : i32
      %scan3A_254 = arith.constant 24 : i32
      %scan3A_255 = arith.addi %scan3A_253, %scan3A_254 : i32
      %scan3A_256 = arith.constant 1 : i32
      %scan3A_257 = scf.for %scan3A_460 = %scan3A_253 to %scan3A_255 step %scan3A_256 iter_args(%scan3A_461 = %scan3A_252) -> (i32)  : i32 {
        %dma_wait3A_462 = arith.constant 0 : i32
        %dma_wait3A_463 = tpu.memref_slice %arg6[%dma_wait3A_462] : memref<2800xi32, #tpu.memory_space<vmem>> -> memref<112xi32, #tpu.memory_space<vmem>>
        %dma_wait3A_464 = arith.constant 0 : i32
        %dma_wait3A_465 = arith.constant 0 : i32
        %dma_wait3A_466 = tpu.memref_slice %arg2[%dma_wait3A_464, %dma_wait3A_465] : memref<100000x128xf32, #tpu.memory_space<hbm>> -> memref<100000x128xf32, #tpu.memory_space<hbm>>
        tpu.wait_indirect_dma semaphore(%arg14 : memref<!tpu.dma_semaphore, #tpu.memory_space<semaphore_mem>>) src(%dma_wait3A_466 : memref<100000x128xf32, #tpu.memory_space<hbm>>) dst(%arg10 : memref<112x128xf32, #tpu.memory_space<vmem>>)
        %scan3A_467 = arith.constant 0 : i32
        scf.yield %scan3A_467 : i32
      }
      %scan3A_258 = arith.constant 24 : i32
      %add3A_259 = arith.constant 3 : i32
      %add3A_260 = arith.addi %add3A_8, %add3A_259 : i32
      %mul3A_261 = arith.constant 112 : i32
      %mul3A_262 = arith.muli %add3A_260, %mul3A_261 : i32
      %gt3A_263 = arith.constant 24888 : i32
      %gt3A_264 = arith.cmpi sgt, %mul3A_262, %gt3A_263 : i32
      %jit3A_265 = arith.constant 24888 : i32
      %select_n3A_266 = arith.select %gt3A_264, %jit3A_265, %mul3A_262 : i32
      %dma_start3A_267 = arith.constant 0 : i32
      %dma_start3A_268 = tpu.memref_slice %arg4[%select_n3A_266, %dma_start3A_267] : memref<25000x128xf32, #tpu.memory_space<hbm>> -> memref<112x128xf32, #tpu.memory_space<hbm>>
      %dma_start3A_269 = arith.constant 0 : i32
      %dma_start3A_270 = tpu.memref_slice %arg4[%select_n3A_266, %dma_start3A_269] : memref<25000x128xf32, #tpu.memory_space<hbm>> -> memref<112x128xf32, #tpu.memory_space<hbm>>
      tpu.enqueue_dma source(%arg10 : memref<112x128xf32, #tpu.memory_space<vmem>>) target(%dma_start3A_270 : memref<112x128xf32, #tpu.memory_space<hbm>>) target_semaphore(%arg18 : memref<!tpu.dma_semaphore, #tpu.memory_space<semaphore_mem>>)
      %add3A_271 = arith.constant 5 : i32
      %add3A_272 = arith.addi %add3A_8, %add3A_271 : i32
      %mul3A_273 = arith.constant 112 : i32
      %mul3A_274 = arith.muli %add3A_272, %mul3A_273 : i32
      %gt3A_275 = arith.constant 24888 : i32
      %gt3A_276 = arith.cmpi sgt, %mul3A_274, %gt3A_275 : i32
      %jit3A_277 = arith.constant 24888 : i32
      %select_n3A_278 = arith.select %gt3A_276, %jit3A_277, %mul3A_274 : i32
      %scan3A_279 = arith.constant 0 : i32
      %scan3A_280 = arith.constant 0 : i32
      %scan3A_281 = arith.constant 25 : i32
      %scan3A_282 = arith.addi %scan3A_280, %scan3A_281 : i32
      %scan3A_283 = arith.constant 1 : i32
      %scan3A_284 = scf.for %scan3A_460 = %scan3A_280 to %scan3A_282 step %scan3A_283 iter_args(%scan3A_461 = %scan3A_279) -> (i32)  : i32 {
        %mul3A_462 = arith.constant 25600 : i32
        %mul3A_463 = arith.muli %scan3A_460, %mul3A_462 : i32
        %add3A_464 = arith.addi %mul3A_463, %select_n3A_278 : i32
        %mul3A_465 = arith.constant 112 : i32
        %mul3A_466 = arith.muli %scan3A_460, %mul3A_465 : i32
        %dma_start3A_467 = tpu.memref_slice %arg6[%mul3A_466] : memref<2800xi32, #tpu.memory_space<vmem>> -> memref<112xi32, #tpu.memory_space<vmem>>
        %dma_start3A_468 = tpu.memref_slice %arg3[%add3A_464] : memref<640000xi32, #tpu.memory_space<hbm>> -> memref<112xi32, #tpu.memory_space<hbm>>
        %dma_start3A_469 = tpu.memref_slice %arg6[%mul3A_466] : memref<2800xi32, #tpu.memory_space<vmem>> -> memref<112xi32, #tpu.memory_space<vmem>>
        %dma_start3A_470 = tpu.memref_slice %arg3[%add3A_464] : memref<640000xi32, #tpu.memory_space<hbm>> -> memref<112xi32, #tpu.memory_space<hbm>>
        tpu.enqueue_dma source(%dma_start3A_470 : memref<112xi32, #tpu.memory_space<hbm>>) target(%dma_start3A_469 : memref<112xi32, #tpu.memory_space<vmem>>) target_semaphore(%arg20 : memref<!tpu.dma_semaphore, #tpu.memory_space<semaphore_mem>>)
        %scan3A_471 = arith.constant 0 : i32
        scf.yield %scan3A_471 : i32
      }
      %scan3A_285 = arith.constant 25 : i32
      %dma_wait3A_286 = arith.constant 0 : i32
      %dma_wait3A_287 = tpu.memref_slice %arg3[%dma_wait3A_286] : memref<640000xi32, #tpu.memory_space<hbm>> -> memref<2800xi32, #tpu.memory_space<hbm>>
      %dma_wait3A_288 = arith.constant 0 : i32
      %dma_wait3A_289 = tpu.memref_slice %arg3[%dma_wait3A_288] : memref<640000xi32, #tpu.memory_space<hbm>> -> memref<2800xi32, #tpu.memory_space<hbm>>
      tpu.wait_dma2 semaphore(%arg20 : memref<!tpu.dma_semaphore, #tpu.memory_space<semaphore_mem>>) src(%dma_wait3A_289 : memref<2800xi32, #tpu.memory_space<hbm>>) dst(%arg6 : memref<2800xi32, #tpu.memory_space<vmem>>)
      %add3A_290 = arith.constant 1 : i32
      %add3A_291 = arith.addi %add3A_8, %add3A_290 : i32
      %mul3A_292 = arith.constant 112 : i32
      %mul3A_293 = arith.muli %add3A_291, %mul3A_292 : i32
      %gt3A_294 = arith.constant 24888 : i32
      %gt3A_295 = arith.cmpi sgt, %mul3A_293, %gt3A_294 : i32
      %jit3A_296 = arith.constant 24888 : i32
      %select_n3A_297 = arith.select %gt3A_295, %jit3A_296, %mul3A_293 : i32
      %dma_wait3A_298 = arith.constant 0 : i32
      %dma_wait3A_299 = tpu.memref_slice %arg4[%select_n3A_297, %dma_wait3A_298] : memref<25000x128xf32, #tpu.memory_space<hbm>> -> memref<112x128xf32, #tpu.memory_space<hbm>>
      %dma_wait3A_300 = arith.constant 0 : i32
      %dma_wait3A_301 = tpu.memref_slice %arg4[%select_n3A_297, %dma_wait3A_300] : memref<25000x128xf32, #tpu.memory_space<hbm>> -> memref<112x128xf32, #tpu.memory_space<hbm>>
      tpu.wait_dma2 semaphore(%arg16 : memref<!tpu.dma_semaphore, #tpu.memory_space<semaphore_mem>>) src(%arg8 : memref<112x128xf32, #tpu.memory_space<vmem>>) dst(%dma_wait3A_301 : memref<112x128xf32, #tpu.memory_space<hbm>>)
      %dma_start3A_302 = arith.constant 0 : i32
      %dma_start3A_303 = tpu.memref_slice %arg6[%dma_start3A_302] : memref<2800xi32, #tpu.memory_space<vmem>> -> memref<112xi32, #tpu.memory_space<vmem>>
      %dma_start3A_304 = arith.constant 0 : i32
      %dma_start3A_305 = arith.constant 0 : i32
      %dma_start3A_306 = tpu.memref_slice %arg2[%dma_start3A_304, %dma_start3A_305] : memref<100000x128xf32, #tpu.memory_space<hbm>> -> memref<100000x128xf32, #tpu.memory_space<hbm>>
      tpu.enqueue_indirect_dma source(%dma_start3A_306 : memref<100000x128xf32, #tpu.memory_space<hbm>>) target(%arg8 : memref<112x128xf32, #tpu.memory_space<vmem>>) offsets(%dma_start3A_303 : memref<112xi32, #tpu.memory_space<vmem>>) semaphore(%arg12 : memref<!tpu.dma_semaphore, #tpu.memory_space<semaphore_mem>>)
      %dma_wait3A_307 = arith.constant 0 : i32
      %dma_wait3A_308 = tpu.memref_slice %arg6[%dma_wait3A_307] : memref<2800xi32, #tpu.memory_space<vmem>> -> memref<112xi32, #tpu.memory_space<vmem>>
      %dma_wait3A_309 = arith.constant 0 : i32
      %dma_wait3A_310 = arith.constant 0 : i32
      %dma_wait3A_311 = tpu.memref_slice %arg2[%dma_wait3A_309, %dma_wait3A_310] : memref<100000x128xf32, #tpu.memory_space<hbm>> -> memref<100000x128xf32, #tpu.memory_space<hbm>>
      tpu.wait_indirect_dma semaphore(%arg12 : memref<!tpu.dma_semaphore, #tpu.memory_space<semaphore_mem>>) src(%dma_wait3A_311 : memref<100000x128xf32, #tpu.memory_space<hbm>>) dst(%arg8 : memref<112x128xf32, #tpu.memory_space<vmem>>)
      %scan3A_312 = arith.constant 0 : i32
      %scan3A_313 = arith.constant 1 : i32
      %scan3A_314 = arith.constant 24 : i32
      %scan3A_315 = arith.addi %scan3A_313, %scan3A_314 : i32
      %scan3A_316 = arith.constant 1 : i32
      %scan3A_317 = scf.for %scan3A_460 = %scan3A_313 to %scan3A_315 step %scan3A_316 iter_args(%scan3A_461 = %scan3A_312) -> (i32)  : i32 {
        %mul3A_462 = arith.constant 112 : i32
        %mul3A_463 = arith.muli %scan3A_460, %mul3A_462 : i32
        %dma_start3A_464 = tpu.memref_slice %arg6[%mul3A_463] : memref<2800xi32, #tpu.memory_space<vmem>> -> memref<112xi32, #tpu.memory_space<vmem>>
        %dma_start3A_465 = arith.constant 0 : i32
        %dma_start3A_466 = arith.constant 0 : i32
        %dma_start3A_467 = tpu.memref_slice %arg2[%dma_start3A_465, %dma_start3A_466] : memref<100000x128xf32, #tpu.memory_space<hbm>> -> memref<100000x128xf32, #tpu.memory_space<hbm>>
        tpu.enqueue_indirect_dma source(%dma_start3A_467 : memref<100000x128xf32, #tpu.memory_space<hbm>>) target(%arg8 : memref<112x128xf32, #tpu.memory_space<vmem>>) offsets(%dma_start3A_464 : memref<112xi32, #tpu.memory_space<vmem>>) semaphore(%arg12 : memref<!tpu.dma_semaphore, #tpu.memory_space<semaphore_mem>>) {add = true}
        %scan3A_468 = arith.constant 0 : i32
        scf.yield %scan3A_468 : i32
      }
      %scan3A_318 = arith.constant 24 : i32
      %scan3A_319 = arith.constant 0 : i32
      %scan3A_320 = arith.constant 1 : i32
      %scan3A_321 = arith.constant 24 : i32
      %scan3A_322 = arith.addi %scan3A_320, %scan3A_321 : i32
      %scan3A_323 = arith.constant 1 : i32
      %scan3A_324 = scf.for %scan3A_460 = %scan3A_320 to %scan3A_322 step %scan3A_323 iter_args(%scan3A_461 = %scan3A_319) -> (i32)  : i32 {
        %dma_wait3A_462 = arith.constant 0 : i32
        %dma_wait3A_463 = tpu.memref_slice %arg5[%dma_wait3A_462] : memref<2800xi32, #tpu.memory_space<vmem>> -> memref<112xi32, #tpu.memory_space<vmem>>
        %dma_wait3A_464 = arith.constant 0 : i32
        %dma_wait3A_465 = arith.constant 0 : i32
        %dma_wait3A_466 = tpu.memref_slice %arg2[%dma_wait3A_464, %dma_wait3A_465] : memref<100000x128xf32, #tpu.memory_space<hbm>> -> memref<100000x128xf32, #tpu.memory_space<hbm>>
        tpu.wait_indirect_dma semaphore(%arg11 : memref<!tpu.dma_semaphore, #tpu.memory_space<semaphore_mem>>) src(%dma_wait3A_466 : memref<100000x128xf32, #tpu.memory_space<hbm>>) dst(%arg7 : memref<112x128xf32, #tpu.memory_space<vmem>>)
        %scan3A_467 = arith.constant 0 : i32
        scf.yield %scan3A_467 : i32
      }
      %scan3A_325 = arith.constant 24 : i32
      %add3A_326 = arith.constant 4 : i32
      %add3A_327 = arith.addi %add3A_8, %add3A_326 : i32
      %mul3A_328 = arith.constant 112 : i32
      %mul3A_329 = arith.muli %add3A_327, %mul3A_328 : i32
      %gt3A_330 = arith.constant 24888 : i32
      %gt3A_331 = arith.cmpi sgt, %mul3A_329, %gt3A_330 : i32
      %jit3A_332 = arith.constant 24888 : i32
      %select_n3A_333 = arith.select %gt3A_331, %jit3A_332, %mul3A_329 : i32
      %dma_start3A_334 = arith.constant 0 : i32
      %dma_start3A_335 = tpu.memref_slice %arg4[%select_n3A_333, %dma_start3A_334] : memref<25000x128xf32, #tpu.memory_space<hbm>> -> memref<112x128xf32, #tpu.memory_space<hbm>>
      %dma_start3A_336 = arith.constant 0 : i32
      %dma_start3A_337 = tpu.memref_slice %arg4[%select_n3A_333, %dma_start3A_336] : memref<25000x128xf32, #tpu.memory_space<hbm>> -> memref<112x128xf32, #tpu.memory_space<hbm>>
      tpu.enqueue_dma source(%arg7 : memref<112x128xf32, #tpu.memory_space<vmem>>) target(%dma_start3A_337 : memref<112x128xf32, #tpu.memory_space<hbm>>) target_semaphore(%arg15 : memref<!tpu.dma_semaphore, #tpu.memory_space<semaphore_mem>>)
      %add3A_338 = arith.constant 6 : i32
      %add3A_339 = arith.addi %add3A_8, %add3A_338 : i32
      %mul3A_340 = arith.constant 112 : i32
      %mul3A_341 = arith.muli %add3A_339, %mul3A_340 : i32
      %gt3A_342 = arith.constant 24888 : i32
      %gt3A_343 = arith.cmpi sgt, %mul3A_341, %gt3A_342 : i32
      %jit3A_344 = arith.constant 24888 : i32
      %select_n3A_345 = arith.select %gt3A_343, %jit3A_344, %mul3A_341 : i32
      %scan3A_346 = arith.constant 0 : i32
      %scan3A_347 = arith.constant 0 : i32
      %scan3A_348 = arith.constant 25 : i32
      %scan3A_349 = arith.addi %scan3A_347, %scan3A_348 : i32
      %scan3A_350 = arith.constant 1 : i32
      %scan3A_351 = scf.for %scan3A_460 = %scan3A_347 to %scan3A_349 step %scan3A_350 iter_args(%scan3A_461 = %scan3A_346) -> (i32)  : i32 {
        %mul3A_462 = arith.constant 25600 : i32
        %mul3A_463 = arith.muli %scan3A_460, %mul3A_462 : i32
        %add3A_464 = arith.addi %mul3A_463, %select_n3A_345 : i32
        %mul3A_465 = arith.constant 112 : i32
        %mul3A_466 = arith.muli %scan3A_460, %mul3A_465 : i32
        %dma_start3A_467 = tpu.memref_slice %arg5[%mul3A_466] : memref<2800xi32, #tpu.memory_space<vmem>> -> memref<112xi32, #tpu.memory_space<vmem>>
        %dma_start3A_468 = tpu.memref_slice %arg3[%add3A_464] : memref<640000xi32, #tpu.memory_space<hbm>> -> memref<112xi32, #tpu.memory_space<hbm>>
        %dma_start3A_469 = tpu.memref_slice %arg5[%mul3A_466] : memref<2800xi32, #tpu.memory_space<vmem>> -> memref<112xi32, #tpu.memory_space<vmem>>
        %dma_start3A_470 = tpu.memref_slice %arg3[%add3A_464] : memref<640000xi32, #tpu.memory_space<hbm>> -> memref<112xi32, #tpu.memory_space<hbm>>
        tpu.enqueue_dma source(%dma_start3A_470 : memref<112xi32, #tpu.memory_space<hbm>>) target(%dma_start3A_469 : memref<112xi32, #tpu.memory_space<vmem>>) target_semaphore(%arg19 : memref<!tpu.dma_semaphore, #tpu.memory_space<semaphore_mem>>)
        %scan3A_471 = arith.constant 0 : i32
        scf.yield %scan3A_471 : i32
      }
      %scan3A_352 = arith.constant 25 : i32
      %dma_wait3A_353 = arith.constant 0 : i32
      %dma_wait3A_354 = tpu.memref_slice %arg3[%dma_wait3A_353] : memref<640000xi32, #tpu.memory_space<hbm>> -> memref<2800xi32, #tpu.memory_space<hbm>>
      %dma_wait3A_355 = arith.constant 0 : i32
      %dma_wait3A_356 = tpu.memref_slice %arg3[%dma_wait3A_355] : memref<640000xi32, #tpu.memory_space<hbm>> -> memref<2800xi32, #tpu.memory_space<hbm>>
      tpu.wait_dma2 semaphore(%arg19 : memref<!tpu.dma_semaphore, #tpu.memory_space<semaphore_mem>>) src(%dma_wait3A_356 : memref<2800xi32, #tpu.memory_space<hbm>>) dst(%arg5 : memref<2800xi32, #tpu.memory_space<vmem>>)
      %add3A_357 = arith.constant 2 : i32
      %add3A_358 = arith.addi %add3A_8, %add3A_357 : i32
      %mul3A_359 = arith.constant 112 : i32
      %mul3A_360 = arith.muli %add3A_358, %mul3A_359 : i32
      %gt3A_361 = arith.constant 24888 : i32
      %gt3A_362 = arith.cmpi sgt, %mul3A_360, %gt3A_361 : i32
      %jit3A_363 = arith.constant 24888 : i32
      %select_n3A_364 = arith.select %gt3A_362, %jit3A_363, %mul3A_360 : i32
      %dma_wait3A_365 = arith.constant 0 : i32
      %dma_wait3A_366 = tpu.memref_slice %arg4[%select_n3A_364, %dma_wait3A_365] : memref<25000x128xf32, #tpu.memory_space<hbm>> -> memref<112x128xf32, #tpu.memory_space<hbm>>
      %dma_wait3A_367 = arith.constant 0 : i32
      %dma_wait3A_368 = tpu.memref_slice %arg4[%select_n3A_364, %dma_wait3A_367] : memref<25000x128xf32, #tpu.memory_space<hbm>> -> memref<112x128xf32, #tpu.memory_space<hbm>>
      tpu.wait_dma2 semaphore(%arg17 : memref<!tpu.dma_semaphore, #tpu.memory_space<semaphore_mem>>) src(%arg9 : memref<112x128xf32, #tpu.memory_space<vmem>>) dst(%dma_wait3A_368 : memref<112x128xf32, #tpu.memory_space<hbm>>)
      %dma_start3A_369 = arith.constant 0 : i32
      %dma_start3A_370 = tpu.memref_slice %arg5[%dma_start3A_369] : memref<2800xi32, #tpu.memory_space<vmem>> -> memref<112xi32, #tpu.memory_space<vmem>>
      %dma_start3A_371 = arith.constant 0 : i32
      %dma_start3A_372 = arith.constant 0 : i32
      %dma_start3A_373 = tpu.memref_slice %arg2[%dma_start3A_371, %dma_start3A_372] : memref<100000x128xf32, #tpu.memory_space<hbm>> -> memref<100000x128xf32, #tpu.memory_space<hbm>>
      tpu.enqueue_indirect_dma source(%dma_start3A_373 : memref<100000x128xf32, #tpu.memory_space<hbm>>) target(%arg9 : memref<112x128xf32, #tpu.memory_space<vmem>>) offsets(%dma_start3A_370 : memref<112xi32, #tpu.memory_space<vmem>>) semaphore(%arg13 : memref<!tpu.dma_semaphore, #tpu.memory_space<semaphore_mem>>)
      %dma_wait3A_374 = arith.constant 0 : i32
      %dma_wait3A_375 = tpu.memref_slice %arg5[%dma_wait3A_374] : memref<2800xi32, #tpu.memory_space<vmem>> -> memref<112xi32, #tpu.memory_space<vmem>>
      %dma_wait3A_376 = arith.constant 0 : i32
      %dma_wait3A_377 = arith.constant 0 : i32
      %dma_wait3A_378 = tpu.memref_slice %arg2[%dma_wait3A_376, %dma_wait3A_377] : memref<100000x128xf32, #tpu.memory_space<hbm>> -> memref<100000x128xf32, #tpu.memory_space<hbm>>
      tpu.wait_indirect_dma semaphore(%arg13 : memref<!tpu.dma_semaphore, #tpu.memory_space<semaphore_mem>>) src(%dma_wait3A_378 : memref<100000x128xf32, #tpu.memory_space<hbm>>) dst(%arg9 : memref<112x128xf32, #tpu.memory_space<vmem>>)
      %scan3A_379 = arith.constant 0 : i32
      %scan3A_380 = arith.constant 1 : i32
      %scan3A_381 = arith.constant 24 : i32
      %scan3A_382 = arith.addi %scan3A_380, %scan3A_381 : i32
      %scan3A_383 = arith.constant 1 : i32
      %scan3A_384 = scf.for %scan3A_460 = %scan3A_380 to %scan3A_382 step %scan3A_383 iter_args(%scan3A_461 = %scan3A_379) -> (i32)  : i32 {
        %mul3A_462 = arith.constant 112 : i32
        %mul3A_463 = arith.muli %scan3A_460, %mul3A_462 : i32
        %dma_start3A_464 = tpu.memref_slice %arg5[%mul3A_463] : memref<2800xi32, #tpu.memory_space<vmem>> -> memref<112xi32, #tpu.memory_space<vmem>>
        %dma_start3A_465 = arith.constant 0 : i32
        %dma_start3A_466 = arith.constant 0 : i32
        %dma_start3A_467 = tpu.memref_slice %arg2[%dma_start3A_465, %dma_start3A_466] : memref<100000x128xf32, #tpu.memory_space<hbm>> -> memref<100000x128xf32, #tpu.memory_space<hbm>>
        tpu.enqueue_indirect_dma source(%dma_start3A_467 : memref<100000x128xf32, #tpu.memory_space<hbm>>) target(%arg9 : memref<112x128xf32, #tpu.memory_space<vmem>>) offsets(%dma_start3A_464 : memref<112xi32, #tpu.memory_space<vmem>>) semaphore(%arg13 : memref<!tpu.dma_semaphore, #tpu.memory_space<semaphore_mem>>) {add = true}
        %scan3A_468 = arith.constant 0 : i32
        scf.yield %scan3A_468 : i32
      }
      %scan3A_385 = arith.constant 24 : i32
      %scan3A_386 = arith.constant 0 : i32
      %scan3A_387 = arith.constant 1 : i32
      %scan3A_388 = arith.constant 24 : i32
      %scan3A_389 = arith.addi %scan3A_387, %scan3A_388 : i32
      %scan3A_390 = arith.constant 1 : i32
      %scan3A_391 = scf.for %scan3A_460 = %scan3A_387 to %scan3A_389 step %scan3A_390 iter_args(%scan3A_461 = %scan3A_386) -> (i32)  : i32 {
        %dma_wait3A_462 = arith.constant 0 : i32
        %dma_wait3A_463 = tpu.memref_slice %arg6[%dma_wait3A_462] : memref<2800xi32, #tpu.memory_space<vmem>> -> memref<112xi32, #tpu.memory_space<vmem>>
        %dma_wait3A_464 = arith.constant 0 : i32
        %dma_wait3A_465 = arith.constant 0 : i32
        %dma_wait3A_466 = tpu.memref_slice %arg2[%dma_wait3A_464, %dma_wait3A_465] : memref<100000x128xf32, #tpu.memory_space<hbm>> -> memref<100000x128xf32, #tpu.memory_space<hbm>>
        tpu.wait_indirect_dma semaphore(%arg12 : memref<!tpu.dma_semaphore, #tpu.memory_space<semaphore_mem>>) src(%dma_wait3A_466 : memref<100000x128xf32, #tpu.memory_space<hbm>>) dst(%arg8 : memref<112x128xf32, #tpu.memory_space<vmem>>)
        %scan3A_467 = arith.constant 0 : i32
        scf.yield %scan3A_467 : i32
      }
      %scan3A_392 = arith.constant 24 : i32
      %add3A_393 = arith.constant 5 : i32
      %add3A_394 = arith.addi %add3A_8, %add3A_393 : i32
      %mul3A_395 = arith.constant 112 : i32
      %mul3A_396 = arith.muli %add3A_394, %mul3A_395 : i32
      %gt3A_397 = arith.constant 24888 : i32
      %gt3A_398 = arith.cmpi sgt, %mul3A_396, %gt3A_397 : i32
      %jit3A_399 = arith.constant 24888 : i32
      %select_n3A_400 = arith.select %gt3A_398, %jit3A_399, %mul3A_396 : i32
      %dma_start3A_401 = arith.constant 0 : i32
      %dma_start3A_402 = tpu.memref_slice %arg4[%select_n3A_400, %dma_start3A_401] : memref<25000x128xf32, #tpu.memory_space<hbm>> -> memref<112x128xf32, #tpu.memory_space<hbm>>
      %dma_start3A_403 = arith.constant 0 : i32
      %dma_start3A_404 = tpu.memref_slice %arg4[%select_n3A_400, %dma_start3A_403] : memref<25000x128xf32, #tpu.memory_space<hbm>> -> memref<112x128xf32, #tpu.memory_space<hbm>>
      tpu.enqueue_dma source(%arg8 : memref<112x128xf32, #tpu.memory_space<vmem>>) target(%dma_start3A_404 : memref<112x128xf32, #tpu.memory_space<hbm>>) target_semaphore(%arg16 : memref<!tpu.dma_semaphore, #tpu.memory_space<semaphore_mem>>)
      %scan3A_405 = arith.constant 0 : i32
      %scan3A_406 = arith.constant 1 : i32
      %scan3A_407 = arith.constant 24 : i32
      %scan3A_408 = arith.addi %scan3A_406, %scan3A_407 : i32
      %scan3A_409 = arith.constant 1 : i32
      %scan3A_410 = scf.for %scan3A_460 = %scan3A_406 to %scan3A_408 step %scan3A_409 iter_args(%scan3A_461 = %scan3A_405) -> (i32)  : i32 {
        %dma_wait3A_462 = arith.constant 0 : i32
        %dma_wait3A_463 = tpu.memref_slice %arg5[%dma_wait3A_462] : memref<2800xi32, #tpu.memory_space<vmem>> -> memref<112xi32, #tpu.memory_space<vmem>>
        %dma_wait3A_464 = arith.constant 0 : i32
        %dma_wait3A_465 = arith.constant 0 : i32
        %dma_wait3A_466 = tpu.memref_slice %arg2[%dma_wait3A_464, %dma_wait3A_465] : memref<100000x128xf32, #tpu.memory_space<hbm>> -> memref<100000x128xf32, #tpu.memory_space<hbm>>
        tpu.wait_indirect_dma semaphore(%arg13 : memref<!tpu.dma_semaphore, #tpu.memory_space<semaphore_mem>>) src(%dma_wait3A_466 : memref<100000x128xf32, #tpu.memory_space<hbm>>) dst(%arg9 : memref<112x128xf32, #tpu.memory_space<vmem>>)
        %scan3A_467 = arith.constant 0 : i32
        scf.yield %scan3A_467 : i32
      }
      %scan3A_411 = arith.constant 24 : i32
      %add3A_412 = arith.constant 6 : i32
      %add3A_413 = arith.addi %add3A_8, %add3A_412 : i32
      %mul3A_414 = arith.constant 112 : i32
      %mul3A_415 = arith.muli %add3A_413, %mul3A_414 : i32
      %gt3A_416 = arith.constant 24888 : i32
      %gt3A_417 = arith.cmpi sgt, %mul3A_415, %gt3A_416 : i32
      %jit3A_418 = arith.constant 24888 : i32
      %select_n3A_419 = arith.select %gt3A_417, %jit3A_418, %mul3A_415 : i32
      %dma_start3A_420 = arith.constant 0 : i32
      %dma_start3A_421 = tpu.memref_slice %arg4[%select_n3A_419, %dma_start3A_420] : memref<25000x128xf32, #tpu.memory_space<hbm>> -> memref<112x128xf32, #tpu.memory_space<hbm>>
      %dma_start3A_422 = arith.constant 0 : i32
      %dma_start3A_423 = tpu.memref_slice %arg4[%select_n3A_419, %dma_start3A_422] : memref<25000x128xf32, #tpu.memory_space<hbm>> -> memref<112x128xf32, #tpu.memory_space<hbm>>
      tpu.enqueue_dma source(%arg9 : memref<112x128xf32, #tpu.memory_space<vmem>>) target(%dma_start3A_423 : memref<112x128xf32, #tpu.memory_space<hbm>>) target_semaphore(%arg17 : memref<!tpu.dma_semaphore, #tpu.memory_space<semaphore_mem>>)
      %add3A_424 = arith.constant 4 : i32
      %add3A_425 = arith.addi %add3A_8, %add3A_424 : i32
      %mul3A_426 = arith.constant 112 : i32
      %mul3A_427 = arith.muli %add3A_425, %mul3A_426 : i32
      %gt3A_428 = arith.constant 24888 : i32
      %gt3A_429 = arith.cmpi sgt, %mul3A_427, %gt3A_428 : i32
      %jit3A_430 = arith.constant 24888 : i32
      %select_n3A_431 = arith.select %gt3A_429, %jit3A_430, %mul3A_427 : i32
      %dma_wait3A_432 = arith.constant 0 : i32
      %dma_wait3A_433 = tpu.memref_slice %arg4[%select_n3A_431, %dma_wait3A_432] : memref<25000x128xf32, #tpu.memory_space<hbm>> -> memref<112x128xf32, #tpu.memory_space<hbm>>
      %dma_wait3A_434 = arith.constant 0 : i32
      %dma_wait3A_435 = tpu.memref_slice %arg4[%select_n3A_431, %dma_wait3A_434] : memref<25000x128xf32, #tpu.memory_space<hbm>> -> memref<112x128xf32, #tpu.memory_space<hbm>>
      tpu.wait_dma2 semaphore(%arg15 : memref<!tpu.dma_semaphore, #tpu.memory_space<semaphore_mem>>) src(%arg7 : memref<112x128xf32, #tpu.memory_space<vmem>>) dst(%dma_wait3A_435 : memref<112x128xf32, #tpu.memory_space<hbm>>)
      %add3A_436 = arith.constant 5 : i32
      %add3A_437 = arith.addi %add3A_8, %add3A_436 : i32
      %mul3A_438 = arith.constant 112 : i32
      %mul3A_439 = arith.muli %add3A_437, %mul3A_438 : i32
      %gt3A_440 = arith.constant 24888 : i32
      %gt3A_441 = arith.cmpi sgt, %mul3A_439, %gt3A_440 : i32
      %jit3A_442 = arith.constant 24888 : i32
      %select_n3A_443 = arith.select %gt3A_441, %jit3A_442, %mul3A_439 : i32
      %dma_wait3A_444 = arith.constant 0 : i32
      %dma_wait3A_445 = tpu.memref_slice %arg4[%select_n3A_443, %dma_wait3A_444] : memref<25000x128xf32, #tpu.memory_space<hbm>> -> memref<112x128xf32, #tpu.memory_space<hbm>>
      %dma_wait3A_446 = arith.constant 0 : i32
      %dma_wait3A_447 = tpu.memref_slice %arg4[%select_n3A_443, %dma_wait3A_446] : memref<25000x128xf32, #tpu.memory_space<hbm>> -> memref<112x128xf32, #tpu.memory_space<hbm>>
      tpu.wait_dma2 semaphore(%arg16 : memref<!tpu.dma_semaphore, #tpu.memory_space<semaphore_mem>>) src(%arg8 : memref<112x128xf32, #tpu.memory_space<vmem>>) dst(%dma_wait3A_447 : memref<112x128xf32, #tpu.memory_space<hbm>>)
      %add3A_448 = arith.constant 6 : i32
      %add3A_449 = arith.addi %add3A_8, %add3A_448 : i32
      %mul3A_450 = arith.constant 112 : i32
      %mul3A_451 = arith.muli %add3A_449, %mul3A_450 : i32
      %gt3A_452 = arith.constant 24888 : i32
      %gt3A_453 = arith.cmpi sgt, %mul3A_451, %gt3A_452 : i32
      %jit3A_454 = arith.constant 24888 : i32
      %select_n3A_455 = arith.select %gt3A_453, %jit3A_454, %mul3A_451 : i32
      %dma_wait3A_456 = arith.constant 0 : i32
      %dma_wait3A_457 = tpu.memref_slice %arg4[%select_n3A_455, %dma_wait3A_456] : memref<25000x128xf32, #tpu.memory_space<hbm>> -> memref<112x128xf32, #tpu.memory_space<hbm>>
      %dma_wait3A_458 = arith.constant 0 : i32
      %dma_wait3A_459 = tpu.memref_slice %arg4[%select_n3A_455, %dma_wait3A_458] : memref<25000x128xf32, #tpu.memory_space<hbm>> -> memref<112x128xf32, #tpu.memory_space<hbm>>
      tpu.wait_dma2 semaphore(%arg17 : memref<!tpu.dma_semaphore, #tpu.memory_space<semaphore_mem>>) src(%arg9 : memref<112x128xf32, #tpu.memory_space<vmem>>) dst(%dma_wait3A_459 : memref<112x128xf32, #tpu.memory_space<hbm>>)
    } else {
    }
    return
  }
}

module attributes {stable_mosaic.version = 14 : i64} {
  func.func @_tr_body(%arg0: memref<25x50x500xi32, #tpu.memory_space<vmem>>, %arg1: memref<25x200x128xi32, #tpu.memory_space<vmem>>) attributes {dimension_semantics = [], scalar_prefetch = 0 : i64, scratch_operands = 0 : i64, tpu.core_type = #tpu.core_type<tc>} {
    %get3A = arith.constant 0 : index
    %get3A_0 = arith.constant 0 : index
    %get3A_1 = arith.constant 0 : index
    %get3A_2 = vector.load %arg0[%get3A, %get3A_0, %get3A_1] : memref<25x50x500xi32, #tpu.memory_space<vmem>>, vector<25x50x500xi32>
    %transpose3A = tpu.transpose %get3A_2, [0, 2, 1] : vector<25x50x500xi32> -> vector<25x500x50xi32>
    %reshape3A = vector.shape_cast %transpose3A : vector<25x500x50xi32> to vector<25x25000xi32>
    %broadcast_in_dim3A = arith.constant 0 : i32
    %broadcast_in_dim3A_3 = vector.broadcast %broadcast_in_dim3A : i32 to vector<25x600xi32>
    %concatenate3A = tpu.concatenate %reshape3A, %broadcast_in_dim3A_3 in 1 : vector<25x25000xi32>, vector<25x600xi32> -> vector<25x25600xi32>
    %reshape3A_4 = vector.shape_cast %concatenate3A : vector<25x25600xi32> to vector<25x200x128xi32>
    %swap3A = arith.constant 0 : index
    %swap3A_5 = arith.constant 0 : index
    %swap3A_6 = arith.constant 0 : index
    %swap3A_7 = vector.load %arg1[%swap3A, %swap3A_5, %swap3A_6] : memref<25x200x128xi32, #tpu.memory_space<vmem>>, vector<25x200x128xi32>
    tpu.vector_store %arg1[%swap3A, %swap3A_5, %swap3A_6], %reshape3A_4 {strides = array<i32>} : memref<25x200x128xi32, #tpu.memory_space<vmem>>, vector<25x200x128xi32>,
    return
  }
}

module attributes {stable_mosaic.version = 14 : i64} {
  func.func @_mm_body(%arg0: i32, %arg1: memref<1000x128xf32, #tpu.memory_space<vmem>>, %arg2: memref<128x128xf32, #tpu.memory_space<vmem>>, %arg3: memref<1000x128xf32, #tpu.memory_space<vmem>>) attributes {dimension_semantics = [#tpu.dimension_semantics<arbitrary>], iteration_bounds = array<i64: 25>, scalar_prefetch = 0 : i64, scratch_operands = 0 : i64, tpu.core_type = #tpu.core_type<tc>, window_params = [{transform_indices = @transform_0, window_bounds = array<i64: 1000, 128>}, {pipeline_mode = #tpu.pipeline_mode<synchronous>, transform_indices = @transform_1, window_bounds = array<i64: 128, 128>}, {transform_indices = @transform_2, window_bounds = array<i64: 1000, 128>}]} {
    %get3A = arith.constant 0 : index
    %get3A_0 = arith.constant 0 : index
    %get3A_1 = vector.load %arg1[%get3A, %get3A_0] : memref<1000x128xf32, #tpu.memory_space<vmem>>, vector<1000x128xf32>
    %mul3A = arith.constant 4.000000e-02 : f32
    %mul3A_2 = vector.broadcast %mul3A : f32 to vector<1000x128xf32>
    %mul3A_3 = arith.mulf %get3A_1, %mul3A_2 : vector<1000x128xf32>
    %get3A_4 = arith.constant 0 : index
    %get3A_5 = arith.constant 0 : index
    %get3A_6 = vector.load %arg2[%get3A_4, %get3A_5] : memref<128x128xf32, #tpu.memory_space<vmem>>, vector<128x128xf32>
    %dot_general3A = arith.constant dense<0.000000e+00> : vector<1000x128xf32>
    %dot_general3A_7 = tpu.matmul %mul3A_3, %get3A_6, %dot_general3A {dimension_numbers = #tpu.dot_dimension_numbers<[1], [0], [0], [1], [0, 0, 1, 1], [], []>, transpose_lhs_hint = false} : vector<1000x128xf32>, vector<128x128xf32>, vector<1000x128xf32> -> vector<1000x128xf32>
    %max3A = arith.constant 0.000000e+00 : f32
    %max3A_8 = vector.broadcast %max3A : f32 to vector<1000x128xf32>
    %max3A_9 = arith.maximumf %dot_general3A_7, %max3A_8 : vector<1000x128xf32>
    %swap3A = arith.constant 0 : index
    %swap3A_10 = arith.constant 0 : index
    %swap3A_11 = vector.load %arg3[%swap3A, %swap3A_10] : memref<1000x128xf32, #tpu.memory_space<vmem>>, vector<1000x128xf32>
    tpu.vector_store %arg3[%swap3A, %swap3A_10], %max3A_9 {strides = array<i32>} : memref<1000x128xf32, #tpu.memory_space<vmem>>, vector<1000x128xf32>,
    return
  }
  func.func @transform_0(%arg0: i32) -> (i32, i32) {
    %c0_i32 = arith.constant 0 : i32
    %c0_i32_0 = arith.constant 0 : i32
    return %arg0, %c0_i32 : i32, i32
  }
  func.func @transform_1(%arg0: i32) -> (i32, i32) {
    %c0_i32 = arith.constant 0 : i32
    %c0_i32_0 = arith.constant 0 : i32
    %c0_i32_1 = arith.constant 0 : i32
    return %c0_i32, %c0_i32_0 : i32, i32
  }
  func.func @transform_2(%arg0: i32) -> (i32, i32) {
    %c0_i32 = arith.constant 0 : i32
    %c0_i32_0 = arith.constant 0 : i32
    return %arg0, %c0_i32 : i32, i32
  }
}

</mosaic_0001>

<sc_bundles>
// kernel: kernel.5.cloned.1.call-start
scs
__scs_entry_jumppad:
0x0: {  	(pc) =	sbr.rel $0x88, $3  }
0x1: {  	(tag) =	ssettag $0x0;
	lr =	simm.s32 $0x1  }
0x2: {  	[smem:$0x3F9E] =	sst lr;
	_ =	strace $0xD0000000  }
0x3: {  	_ = 	snop  }
0x4: {  	_ = 	snop  }
0x5: {  	_ = 	snop  }
0x6: {  	_ = 	snop  }
0x7: {  	_ = 	snop  }
__scs_overlays_trampoline_lowered:
0x8: {  	[smem:$0x3FAD] =	sst s0  }
0x9: {  	[smem:$0x3FAE] =	sst s1  }
0xa: {  	[smem:$0x3FAF] =	sst s2  }
0xb: {  	[smem:$0x3FB0] =	sst s3  }
0xc: {  	[smem:$0x3FB1] =	sst s4  }
0xd: {  	[smem:$0x3FB2] =	sst s5  }
0xe: {  	[smem:$0x3FB3] =	sst s6  }
0xf: {  	[smem:$0x3FB4] =	sst s7  }
0x10: {  	[smem:$0x3FB5] =	sst s8  }
0x11: {  	[smem:$0x3FB6] =	sst s9;
	s0 =	simm.s32 @!p0 $0x0  }
0x12: {  	s1 =	sld [smem:$0x3F9C];
	s0 =	simm.s32 @p0 $0x1  }
0x13: {  	[smem:$0x3FB7] =	sst s0;
	s0 =	simm.s32 @!p1 $0x0  }
0x14: {  	s2 =	sld [smem:$0x3F9B];
	s0 =	simm.s32 @p1 $0x1  }
0x15: {  	[smem:$0x3FB8] =	sst s0;
	s0 =	simm.s32 @!p2 $0x0  }
0x16: {  	s3 =	sld [smem:$0x3FDB];
	s0 =	simm.s32 @p2 $0x1  }
0x17: {  	s4 =	simm.s32 $0x1BF5;
	[smem:$0x3FBA] =	sst s0  }
0x18: {  	s0 =	sld [smem:$0x3F9D];
	_ =	swait.ge [sflag:s4], $0x0  }
0x19: {  	s7 =	sld [smem:$0x3F9E]  }
0x1a: {  	s8 =	sadd.s32 $0xFFFFE003, lr  }
0x1b: {  	s9 =	sadd.s32 $0xFFFFFEF7, lr;
	s5 =	simm.s32 $0xFFFFFFFF;
	p2 =	slt.u32 s8, $0xFFFFF086  }
0x1c: {  	p1 =	slt.u32 s9, $0xF7A;
	s5 =	simm.s32 @!p2 $0x0  }
0x1d: {  	s5 =	simm.s32 @p1 $0x1;
	p0 =	seq.s32 s7, s2  }
0x1e: {  	s7 =	smul.u32 @!p0 $0xF7A, s2;
	p2 =	seq.s32 @!p0 s5, $0x0  }
0x1f: {  	s9 =	smul.u32 $0xF7A, s1;
	s8 =	simm.s32 @!p0 $0x1BF5;
	p2 =	por !p2, p0  }
0x20: {  	[sflag:s8] =	ssyncset.s32 @!p0 $0xFFFFF086;
	s6 =	sadd.s32 @!p0 s3, s7;
	s7 =	simm.s32 @!p0 $0x108  }
0x21: {  	s3 =	sadd.s32 s3, s9;
	s6 =	sadd.s32 @!p0 $0x88, s6;
	s7 =	simm.s32 @p2 $0x1082  }
0x22: {  	[simem:s7], [sflag:s8] =	dma.local @!p0 [hbm:s6], $0xF7A  }
0x23: {  	s9 =	sor.u32 $0xD0000000, s2;
	s6 =	simm.s32 $0x108;
	_ =	swait.ge @!p0 [sflag:s8], $0x0  }
0x24: {  	s3 =	sadd.s32 $0x88, s3;
	s6 =	simm.s32 @!p1 $0x1082;
	[sflag:s4] =	ssyncset.s32 $0xFFFFF086  }
0x25: {  	[simem:s6], [sflag:s4] =	dma.local [hbm:s3], $0xF7A  }
0x26: {  	[smem:$0x3F9E] =	sst s1;
	(tag) =	ssettag s2;
	_ =	strace s9  }
0x27: {  	s1 =	sld [smem:$0x3FAE]  }
0x28: {  	s2 =	sld [smem:$0x3FAF]  }
0x29: {  	s4 =	sld [smem:$0x3FB1]  }
0x2a: {  	p0 =	seq.s32 s5, $0x0;
	s5 =	sld [smem:$0x3FB2]  }
0x2b: {  	s6 =	sld [smem:$0x3FB3]  }
0x2c: {  	s7 =	sld [smem:$0x3FB4]  }
0x2d: {  	s3 =	simm.s32 $0x108;
	s8 =	sld [smem:$0x3FB5]  }
0x2e: {  	s3 =	simm.s32 @!p0 $0x1082;
	s9 =	sld [smem:$0x3FB6]  }
0x2f: {  	lr =	sadd.s32 s0, s3;
	s0 =	sld [smem:$0x3FAD]  }
0x30: {  	s3 =	sld [smem:$0x3FB0]  }
0x31: {  	[smem:$0x3FB9] =	sst s10  }
0x32: {  	s10 =	sld [smem:$0x3FB7];
	_ =	sdelay $0x3  }
0x33: {  	p0 =	seq.s32 s10, $0x1;
	s10 =	sld [smem:$0x3FB9];
	_ =	sdelay $0x3  }
0x34: {  	[smem:$0x3FB9] =	sst s10  }
0x35: {  	s10 =	sld [smem:$0x3FB8];
	_ =	sdelay $0x3  }
0x36: {  	p1 =	seq.s32 s10, $0x1;
	s10 =	sld [smem:$0x3FB9];
	_ =	sdelay $0x3  }
0x37: {  	[smem:$0x3FB9] =	sst s10  }
0x38: {  	s10 =	sld [smem:$0x3FBA]  }
0x39: {  	_ = 	snop;
	(pc) =	sbr.ind lr, $3  }
0x3a: {  	_ = 	snop  }
0x3b: {  	_ = 	snop  }
0x3c: {  	p2 =	seq.s32 s10, $0x1;
	s10 =	sld [smem:$0x3FB9]  }
0x3d: {  	_ =	shalt  }
0x3e: {  	_ =	shalt  }
0x3f: {  	_ =	shalt  }
0x40: {  	_ =	shalt  }
0x41: {  	_ =	shalt  }
0x42: {  	_ =	shalt  }
0x43: {  	_ =	shalt  }
0x44: {  	_ =	shalt  }
0x45: {  	_ =	shalt  }
0x46: {  	_ =	shalt  }
0x47: {  	_ =	shalt  }
0x48: {  	_ =	shalt  }
0x49: {  	_ =	shalt  }
0x4a: {  	_ =	shalt  }
0x4b: {  	_ =	shalt  }
0x4c: {  	_ =	shalt  }
0x4d: {  	_ =	shalt  }
0x4e: {  	_ =	shalt  }
0x4f: {  	_ =	shalt  }
0x50: {  	_ =	shalt  }
0x51: {  	_ =	shalt  }
0x52: {  	_ =	shalt  }
0x53: {  	_ =	shalt  }
0x54: {  	_ =	shalt  }
0x55: {  	_ =	shalt  }
0x56: {  	_ =	shalt  }
0x57: {  	_ =	shalt  }
0x58: {  	_ =	shalt  }
0x59: {  	_ =	shalt  }
0x5a: {  	_ =	shalt  }
0x5b: {  	_ =	shalt  }
0x5c: {  	_ =	shalt  }
0x5d: {  	_ =	shalt  }
0x5e: {  	_ =	shalt  }
0x5f: {  	_ =	shalt  }
0x60: {  	_ =	shalt  }
0x61: {  	_ =	shalt  }
0x62: {  	_ =	shalt  }
0x63: {  	_ =	shalt  }
0x64: {  	_ =	shalt  }
0x65: {  	_ =	shalt  }
0x66: {  	_ =	shalt  }
0x67: {  	_ =	shalt  }
0x68: {  	_ =	shalt  }
0x69: {  	_ =	shalt  }
0x6a: {  	_ =	shalt  }
0x6b: {  	_ =	shalt  }
0x6c: {  	_ =	shalt  }
0x6d: {  	_ =	shalt  }
0x6e: {  	_ =	shalt  }
0x6f: {  	_ =	shalt  }
0x70: {  	_ =	shalt  }
0x71: {  	_ =	shalt  }
0x72: {  	_ =	shalt  }
0x73: {  	_ =	shalt  }
0x74: {  	_ =	shalt  }
0x75: {  	_ =	shalt  }
0x76: {  	_ =	shalt  }
0x77: {  	_ =	shalt  }
0x78: {  	_ =	shalt  }
0x79: {  	_ =	shalt  }
0x7a: {  	_ =	shalt  }
0x7b: {  	_ =	shalt  }
0x7c: {  	_ =	shalt  }
0x7d: {  	_ =	shalt  }
0x7e: {  	_ =	shalt  }
0x7f: {  	_ =	shalt  }
0x80: {  	_ =	shalt  }
0x81: {  	_ =	shalt  }
0x82: {  	_ =	shalt  }
0x83: {  	_ =	shalt  }
0x84: {  	_ =	shalt  }
0x85: {  	_ =	shalt  }
0x86: {  	_ =	shalt  }
0x87: {  	_ =	shalt  }
.Lfunc_end0:
.L_simem_size_0:
called_computation_lowered:
.L_overlay_start_0:
0x88: {  	s2 =	sld [smem:$0x3FD9]  }
0x89: {  	s3 =	sld [smem:$0x3FFE];
	_ =	sdelay $0x1  }
0x8a: {  	s1 =	srdreg.scid  }
0x8b: {  	s0 =	sand.u32 $0x1, s1  }
0x8c: {  	s17 =	sshll.u32 s0, $0xA;
	s2 =	sadd.s32 s3, s2  }
0x8d: {  	s2 =	sadd.s32 s2, s17  }
0x8e: {  	[smem:$0x3FC5] =	sst s2  }
0x8f: {  	_ = 	snop  }
0x90: {  	s2 =	sld [smem:$0x3FC9]  }
0x91: {  	s18 =	sld [smem:$0x3FD0];
	(tm) =	ssettm $0x1  }
0x92: {  	s4 =	sld [smem:$0x3FFB];
	_ =	sdelay $0x3  }
0x93: {  	_ =	strace s4  }
0x94: {  	s4 =	sld [smem:$0x3FFC];
	_ =	sdelay $0x3  }
0x95: {  	_ =	strace s4  }
0x96: {  	s4 =	sld [smem:$0x3FFD];
	_ =	sdelay $0x3  }
0x97: {  	_ =	strace s4  }
0x98: {  	_ =	strace $0x8FFFFFFF  }
0x99: {  	s19 =	sld [smem:$0x3FDB];
	_ =	sdelay $0x1  }
0x9a: {  	s5 =	simm.s32 $_scs_section_size  }
0x9b: {  	s6 =	simm.s32 $_size__tile_overlayer_lowered;
	s7 =	simm.s32 $_tile_overlayer_lowered  }
0x9c: {  	s22 =	simm.s32 $0x1BFF;
	s21 =	sshll.u32 s7, $0x1;
	s4 =	sadd.s32 s5, s19  }
0x9d: {  	s8 =	simm.s32 $0x0;
	s20 =	sshll.u32 s6, $0x1;
	s6 =	sadd.s32 s21, s4  }
0x9e: {  	[timem:s8], [sflag:s22] =	dma.local [hbm:s6], s20  }
0x9f: {  	_ =	swait.ge [sflag:s22], s20  }
0xa0: {  	s5 =	ssub.s32 $0x0, s20;
	[sflag:s22] =	ssyncset.done $0x0  }
0xa1: {  	[sflag:s22] =	ssyncadd.s32 s5;
	_ =	sdelay $0x1  }
0xa2: {  	s23 =	simm.s32 $0x1B8B  }
0xa3: {  	_ =	swait.ge [sflag:s23], $0x1  }
0xa4: {  	[sflag:s23] =	ssyncset.done $0x0  }
0xa5: {  	s25 =	simm.s32 $0x1B8E;
	s24 =	sld [smem:$0x3FFE];
	[sflag:s23] =	ssyncadd.s32 $0xFFFFFFFF  }
0xa6: {  	s26 =	simm.s32 $execute0_lowered;
	[smem:$0x3FD2] =	sst s25  }
0xa7: {  	s6 =	sshll.u32 s26, $0x1;
	_ =	strace $0x80000046;
	[dreg:$0x1] =	wrdreg $0xFFFFFFFF  }
0xa8: {  	s28 =	simm.s32 $_size_execute0_lowered;
	s4 =	sadd.s32 s4, s6;
	[dreg:$0x0] =	wrdreg $0x0  }
0xa9: {  	s6 =	sshll.u32 s28, $0x1;
	[dreg:$0x2] =	wrdreg s4  }
0xaa: {  	[dreg:$0x3] =	wrdreg s6  }
0xab: {  	[dreg:$0x4] =	wrdreg $0xC0  }
0xac: {  	_ =	task [dreg:s8], $0x5FFFF  }
0xad: {  	[dreg:$0x1] =	wrdreg $0xFFFFFFFF  }
0xae: {  	[dreg:$0x0] =	wrdreg $0x60  }
0xaf: {  	[dreg:$0x2] =	wrdreg s2  }
0xb0: {  	[dreg:$0x3] =	wrdreg s24  }
0xb1: {  	[dreg:$0x4] =	wrdreg s18  }
0xb2: {  	[dreg:$0x5] =	wrdreg $0x9  }
0xb3: {  	_ =	task.clear_ibuf [dreg:s8], $0x6FFFF;
	_ =	strace $0x90000046  }
0xb4: {  	s29 =	simm.s32 $0x9;
	_ =	strace $0x80000048  }
0xb5: {  	_ =	swait.ge [sflag:s29], $0x1  }
0xb6: {  	[sflag:s29] =	ssyncadd.s32 $0xFFFFFFFF  }
0xb7: {  	_ =	strace $0x90000048  }
0xb8: {  	_ =	sfence  }
0xb9: {  	s30 =	sld [smem:$0x0];
	_ =	sdelay $0x2  }
0xba: {  	s31 =	sshll.u32 s1, $0xD;
	s1 =	sshrl.u32 s1, $0x2  }
0xbb: {  	s3 =	sand.u32 $0x4000, s31;
	s1 =	sadd.s32 s1, s30  }
0xbc: {  	s0 =	sor.u32 s3, s0;
	s1 =	sshll.u32 s1, $0x11  }
0xbd: {  	s0 =	sor.u32 s1, s0  }
0xbe: {  	s0 =	sadd.s32 $0x8F2B, s0  }
0xbf: {  	[sflag:s0] =	ssyncadd.remote.s32 $0x1  }
0xc0: {  	_ =	sfence.sel $0xFFFF  }
0xc1: {  	[dreg:$0x0] =	wrdreg $0xFFFFFFFF;
	(pc) =	sbr.abs _section_cstart, $3  }
0xc2: {  	[dreg:$0x1] =	wrdreg $0xFFFFFFFF  }
0xc3: {  	_ =	task.clear_ibuf [dreg:s8], $0x2FFFF;
	_ =	strace $0x9FFFFFFF  }
0xc4: {  	(tm) =	ssettm $0x7FFFFFFF  }
0xc5: {  	_ =	shalt  }
tec
execute0_lowered:
.L_overlay_start_1:
0x0: {  	(tag) =	ssettag $0x1  }
0x1: {  	s1 =	rddreg [dreg:$0x0]  }
0x2: {  	s0 =	rddreg [dreg:$0x1]  }
0x3: {  	s10 =	rddreg [dreg:$0x2]  }
0x4: {  	s4 =	simm.s32 $0x0;
	s2 =	srdreg.scid;
	s9 =	stileid.u32  }
0x5: {  	s28 =	simm.s32 $0x850;
	s29 =	simm.s32 $0x8C0;
	s7 =	smul.u32 $0x3100, s9  }
0x6: {  	s30 =	simm.s32 $0x930;
	s31 =	simm.s32 $0x9A0;
	s3 =	smul.u32 $0x310, s9  }
0x7: {  	[smem:$0x7FF] =	sst s4;
	s2 =	sand.u32 $0x1, s2;
	s19 =	sadd.s32 s10, s7  }
0x8: {  	_ =	strace $0x80000047;
	s23 =	sadd.s32 $0x230, s3;
	[dreg:$0x4] =	wrdreg s19  }
0x9: {  	s9 =	smul.u32 $0x62, s9;
	s25 =	sadd.s32 $0x2A0, s3;
	[dreg:$0x8] =	wrdreg s23  }
0xa: {  	s0 =	sadd.s32 $0xA00, s0;
	s11 =	sadd.s32 $0x3330, s3;
	[dreg:$0xa] =	wrdreg s25  }
0xb: {  	s8 =	sshll.u32 s3, $0x4;
	s12 =	sadd.s32 s9, s0;
	[dreg:$0xf] =	wrdreg s11  }
0xc: {  	s3 =	smin.u32 s3, $0x2D98;
	s14 =	sadd.s32 $0xE, s12;
	[dreg:$0x12] =	wrdreg s12  }
0xd: {  	s5 =	ssub.s32 $0x2, s2;
	s3 =	sadd.s32 $0x33A0, s3;
	[dreg:$0x14] =	wrdreg s14  }
0xe: {  	p0 =	seq.s32 s2, $0x1;
	s16 =	sadd.s32 $0x1C, s12;
	[dreg:$0x11] =	wrdreg s3  }
0xf: {  	s2 =	simm.s32 $0xA80;
	s17 =	sadd.s32 $0x2A, s12;
	[dreg:$0x15] =	wrdreg s16  }
0x10: {  	s6 =	sshrl.u32 s5, $0x1;
	s19 =	sadd.s32 $0x46, s12;
	[dreg:$0x16] =	wrdreg s17  }
0x11: {  	s9 =	simm.s32 $0x5;
	s23 =	sadd.s32 $0x63C, s12;
	[dreg:$0x19] =	wrdreg s19  }
0x12: {  	s18 =	sadd.s32 s10, s8;
	s25 =	sadd.s32 $0x658, s12;
	[dreg:$0x1d] =	wrdreg s23  }
0x13: {  	s5 =	ssub.s32 s5, s6;
	s20 =	sadd.s32 $0x700, s18;
	[dreg:$0x1f] =	wrdreg s25  }
0x14: {  	s11 =	simm.s32 $0x6;
	s21 =	sadd.s32 $0xE00, s18;
	[dreg:$0x5] =	wrdreg s20  }
0x15: {  	s22 =	sadd.s32 $0x1500, s18;
	s24 =	sadd.s32 $0x1C00, s18;
	[dreg:$0x6] =	wrdreg s21  }
0x16: {  	s26 =	sadd.s32 $0x31000, s18;
	s7 =	sadd.s32 $0x31700, s18;
	[dreg:$0x7] =	wrdreg s22  }
0x17: {  	s8 =	sadd.s32 $0x31E00, s18;
	s10 =	sadd.s32 $0x32500, s18;
	[dreg:$0x9] =	wrdreg s24  }
0x18: {  	s6 =	sadd.s32 $0x32C00, s18;
	s13 =	smax.u32 s5, $0x1;
	[dreg:$0xb] =	wrdreg s26  }
0x19: {  	s15 =	sshrl.u32 s3, $0x3;
	s18 =	sadd.s32 $0x38, s12;
	[dreg:$0xc] =	wrdreg s7  }
0x1a: {  	s23 =	simm.s32 $0x690;
	s25 =	simm.s32 $0x770;
	[dreg:$0xd] =	wrdreg s8  }
0x1b: {  	s5 =	simm.s32 $0xA;
	s19 =	simm.s32 $0x4E00;
	[dreg:$0xe] =	wrdreg s10  }
0x1c: {  	s14 =	simm.s32 $0x3;
	s17 =	simm.s32 $0x4;
	[dreg:$0x10] =	wrdreg s6  }
0x1d: {  	s16 =	simm.s32 $0x7;
	[dreg:$0x13] =	wrdreg s13;
	s0 =	sadd.s32 s15, s0  }
0x1e: {  	[dreg:$0x18] =	wrdreg s18;
	s20 =	sadd.s32 $0x54, s12;
	s21 =	sadd.s32 $0x620, s12  }
0x1f: {  	s22 =	sadd.s32 $0x62E, s12;
	s24 =	sadd.s32 $0x64A, s12;
	[dreg:$0x17] =	wrdreg s0  }
0x20: {  	s26 =	sadd.s32 $0x666, s12;
	s6 =	simm.s32 $0x9;
	[dreg:$0x1a] =	wrdreg s20  }
.Ltmp0:
0x21: {  	s7 =	simm.s32 $0x70;
	[dreg:$0x1b] =	wrdreg s21;
	(pc) =	sbr.rel .LBB2_1-.Ltmp0, $4  }
0x22: {  	s8 =	simm.s32 $0x1600;
	s10 =	simm.s32 $0x1;
	[dreg:$0x1c] =	wrdreg s22  }
0x23: {  	s12 =	simm.s32 $0x2;
	s13 =	simm.s32 $0x8600;
	[dreg:$0x1e] =	wrdreg s24  }
0x24: {  	s15 =	simm.s32 $0xBE00;
	s18 =	simm.s32 $0x0;
	[smem:$0x7FD] =	sst s26  }
0x25: {  	s24 =	simm.s32 $0x700;
	s26 =	simm.s32 $0x7E0;
	s0 =	simm.s32 $0xA10  }
.LBB2_31:
0x26: {  	[tilespmem:s22], [sflag:$0x9] =	stream.linear.gather [hbm4b:s21+s4], $0x70, $0x38;
	[tilespmem:$0xF600] =	vst v63  }
0x27: {  	s20 =	rddreg [dreg:$0xf]  }
0x28: {  	s3 =	rddreg [dreg:$0x11]  }
.LBB2_32:
0x29: {  	_ =	swait.ge [sflag:s6], $0xAF0  }
0x2a: {  	[sflag:s6] =	ssyncset.done $0x0  }
0x2b: {  	[sflag:s6] =	ssyncadd.s32 $0xFFFFF510  }
0x2c: {  	_ =	swait.ge [sflag:s16], $0x3800  }
0x2d: {  	[sflag:s16] =	ssyncset.done $0x0  }
0x2e: {  	[sflag:s16] =	ssyncadd.s32 $0xFFFFC800  }
0x2f: {  	[tilespmem:s13], [sflag:$0x3] =	stream.indirect.gather [hbm4b:s1+s7], $0x80, s4, s7, $0xb8;
	[tilespmem:$0xF600] =	vst v63  }
0x30: {  	_ =	swait.ge [sflag:s14], $0x3800  }
0x31: {  	[sflag:s14] =	ssyncset.done $0x0  }
0x32: {  	[sflag:s14] =	ssyncadd.s32 $0xFFFFC800  }
0x33: {  	[tilespmem:s13], [sflag:$0x3] =	stream.indirect.gather.add.f32 [hbm:s1], $0x80, s7, s7, $0xb8;
	[tilespmem:$0xF600] =	vst v63  }
0x34: {  	s21 =	simm.s32 $0xE0  }
0x35: {  	[tilespmem:s13], [sflag:$0x3] =	stream.indirect.gather.add.f32 [hbm:s1], $0x80, s21, s7, $0xb8;
	[tilespmem:$0xF600] =	vst v63  }
0x36: {  	s22 =	simm.s32 $0x150  }
0x37: {  	[tilespmem:s13], [sflag:$0x3] =	stream.indirect.gather.add.f32 [hbm:s1], $0x80, s22, s7, $0xb8;
	[tilespmem:$0xF600] =	vst v63  }
0x38: {  	s22 =	simm.s32 $0x1C0  }
0x39: {  	[tilespmem:s13], [sflag:$0x3] =	stream.indirect.gather.add.f32 [hbm:s1], $0x80, s22, s7, $0xb8;
	[tilespmem:$0xF600] =	vst v63  }
0x3a: {  	s22 =	simm.s32 $0x230  }
0x3b: {  	[tilespmem:s13], [sflag:$0x3] =	stream.indirect.gather.add.f32 [hbm:s1], $0x80, s22, s7, $0xb8;
	[tilespmem:$0xF600] =	vst v63  }
0x3c: {  	s22 =	simm.s32 $0x2A0  }
0x3d: {  	[tilespmem:s13], [sflag:$0x3] =	stream.indirect.gather.add.f32 [hbm:s1], $0x80, s22, s7, $0xb8;
	[tilespmem:$0xF600] =	vst v63  }
0x3e: {  	s22 =	simm.s32 $0x310  }
0x3f: {  	[tilespmem:s13], [sflag:$0x3] =	stream.indirect.gather.add.f32 [hbm:s1], $0x80, s22, s7, $0xb8;
	[tilespmem:$0xF600] =	vst v63  }
0x40: {  	s22 =	simm.s32 $0x380  }
0x41: {  	[tilespmem:s13], [sflag:$0x3] =	stream.indirect.gather.add.f32 [hbm:s1], $0x80, s22, s7, $0xb8;
	[tilespmem:$0xF600] =	vst v63  }
0x42: {  	s22 =	simm.s32 $0x3F0  }
0x43: {  	[tilespmem:s13], [sflag:$0x3] =	stream.indirect.gather.add.f32 [hbm:s1], $0x80, s22, s7, $0xb8;
	[tilespmem:$0xF600] =	vst v63  }
0x44: {  	s22 =	simm.s32 $0x460  }
0x45: {  	[tilespmem:s13], [sflag:$0x3] =	stream.indirect.gather.add.f32 [hbm:s1], $0x80, s22, s7, $0xb8;
	[tilespmem:$0xF600] =	vst v63  }
0x46: {  	s22 =	simm.s32 $0x4D0  }
0x47: {  	[tilespmem:s13], [sflag:$0x3] =	stream.indirect.gather.add.f32 [hbm:s1], $0x80, s22, s7, $0xb8;
	[tilespmem:$0xF600] =	vst v63  }
0x48: {  	s22 =	simm.s32 $0x540  }
0x49: {  	[tilespmem:s13], [sflag:$0x3] =	stream.indirect.gather.add.f32 [hbm:s1], $0x80, s22, s7, $0xb8;
	[tilespmem:$0xF600] =	vst v63  }
0x4a: {  	s22 =	simm.s32 $0x5B0  }
0x4b: {  	[tilespmem:s13], [sflag:$0x3] =	stream.indirect.gather.add.f32 [hbm:s1], $0x80, s22, s7, $0xb8;
	[tilespmem:$0xF600] =	vst v63  }
0x4c: {  	s22 =	simm.s32 $0x620  }
0x4d: {  	[tilespmem:s13], [sflag:$0x3] =	stream.indirect.gather.add.f32 [hbm:s1], $0x80, s22, s7, $0xb8;
	[tilespmem:$0xF600] =	vst v63  }
0x4e: {  	_ = 	snop  }
0x4f: {  	[tilespmem:s13], [sflag:$0x3] =	stream.indirect.gather.add.f32 [hbm:s1], $0x80, s23, s7, $0xb8;
	[tilespmem:$0xF600] =	vst v63  }
0x50: {  	_ = 	snop  }
0x51: {  	[tilespmem:s13], [sflag:$0x3] =	stream.indirect.gather.add.f32 [hbm:s1], $0x80, s24, s7, $0xb8;
	[tilespmem:$0xF600] =	vst v63  }
0x52: {  	_ = 	snop  }
0x53: {  	[tilespmem:s13], [sflag:$0x3] =	stream.indirect.gather.add.f32 [hbm:s1], $0x80, s25, s7, $0xb8;
	[tilespmem:$0xF600] =	vst v63  }
0x54: {  	_ = 	snop  }
0x55: {  	[tilespmem:s13], [sflag:$0x3] =	stream.indirect.gather.add.f32 [hbm:s1], $0x80, s26, s7, $0xb8;
	[tilespmem:$0xF600] =	vst v63  }
0x56: {  	_ = 	snop  }
0x57: {  	[tilespmem:s13], [sflag:$0x3] =	stream.indirect.gather.add.f32 [hbm:s1], $0x80, s28, s7, $0xb8;
	[tilespmem:$0xF600] =	vst v63  }
0x58: {  	_ = 	snop  }
0x59: {  	[tilespmem:s13], [sflag:$0x3] =	stream.indirect.gather.add.f32 [hbm:s1], $0x80, s29, s7, $0xb8;
	[tilespmem:$0xF600] =	vst v63  }
0x5a: {  	_ = 	snop  }
0x5b: {  	[tilespmem:s13], [sflag:$0x3] =	stream.indirect.gather.add.f32 [hbm:s1], $0x80, s30, s7, $0xb8;
	[tilespmem:$0xF600] =	vst v63  }
0x5c: {  	_ = 	snop  }
0x5d: {  	[tilespmem:s13], [sflag:$0x3] =	stream.indirect.gather.add.f32 [hbm:s1], $0x80, s31, s7, $0xb8;
	[tilespmem:$0xF600] =	vst v63  }
0x5e: {  	_ = 	snop  }
0x5f: {  	[tilespmem:s13], [sflag:$0x3] =	stream.indirect.gather.add.f32 [hbm:s1], $0x80, s0, s7, $0xb8;
	[tilespmem:$0xF600] =	vst v63  }
0x60: {  	_ = 	snop  }
0x61: {  	[tilespmem:s13], [sflag:$0x3] =	stream.indirect.gather.add.f32 [hbm:s1], $0x80, s2, s7, $0xb8;
	[tilespmem:$0xF600] =	vst v63  }
0x62: {  	_ =	swait.ge [sflag:s12], $0x3800  }
0x63: {  	[sflag:s12] =	ssyncset.done $0x0  }
0x64: {  	[sflag:s12] =	ssyncadd.s32 $0xFFFFC800  }
0x65: {  	_ =	swait.ge [sflag:s12], $0x3800  }
0x66: {  	[sflag:s12] =	ssyncset.done $0x0  }
0x67: {  	[sflag:s12] =	ssyncadd.s32 $0xFFFFC800  }
0x68: {  	_ =	swait.ge [sflag:s12], $0x3800  }
0x69: {  	[sflag:s12] =	ssyncset.done $0x0  }
0x6a: {  	[sflag:s12] =	ssyncadd.s32 $0xFFFFC800  }
0x6b: {  	_ =	swait.ge [sflag:s12], $0x3800  }
0x6c: {  	[sflag:s12] =	ssyncset.done $0x0  }
0x6d: {  	[sflag:s12] =	ssyncadd.s32 $0xFFFFC800  }
0x6e: {  	_ =	swait.ge [sflag:s12], $0x3800  }
0x6f: {  	[sflag:s12] =	ssyncset.done $0x0  }
0x70: {  	[sflag:s12] =	ssyncadd.s32 $0xFFFFC800  }
0x71: {  	_ =	swait.ge [sflag:s12], $0x3800  }
0x72: {  	[sflag:s12] =	ssyncset.done $0x0  }
0x73: {  	[sflag:s12] =	ssyncadd.s32 $0xFFFFC800  }
0x74: {  	_ =	swait.ge [sflag:s12], $0x3800  }
0x75: {  	[sflag:s12] =	ssyncset.done $0x0  }
0x76: {  	[sflag:s12] =	ssyncadd.s32 $0xFFFFC800  }
0x77: {  	_ =	swait.ge [sflag:s12], $0x3800  }
0x78: {  	[sflag:s12] =	ssyncset.done $0x0  }
0x79: {  	[sflag:s12] =	ssyncadd.s32 $0xFFFFC800  }
0x7a: {  	_ =	swait.ge [sflag:s12], $0x3800  }
0x7b: {  	[sflag:s12] =	ssyncset.done $0x0  }
0x7c: {  	[sflag:s12] =	ssyncadd.s32 $0xFFFFC800  }
0x7d: {  	_ =	swait.ge [sflag:s12], $0x3800  }
0x7e: {  	[sflag:s12] =	ssyncset.done $0x0  }
0x7f: {  	[sflag:s12] =	ssyncadd.s32 $0xFFFFC800  }
0x80: {  	_ =	swait.ge [sflag:s12], $0x3800  }
0x81: {  	[sflag:s12] =	ssyncset.done $0x0  }
0x82: {  	[sflag:s12] =	ssyncadd.s32 $0xFFFFC800  }
0x83: {  	_ =	swait.ge [sflag:s12], $0x3800  }
0x84: {  	[sflag:s12] =	ssyncset.done $0x0  }
0x85: {  	[sflag:s12] =	ssyncadd.s32 $0xFFFFC800  }
0x86: {  	_ =	swait.ge [sflag:s12], $0x3800  }
0x87: {  	[sflag:s12] =	ssyncset.done $0x0  }
0x88: {  	[sflag:s12] =	ssyncadd.s32 $0xFFFFC800  }
0x89: {  	_ =	swait.ge [sflag:s12], $0x3800  }
0x8a: {  	[sflag:s12] =	ssyncset.done $0x0  }
0x8b: {  	[sflag:s12] =	ssyncadd.s32 $0xFFFFC800  }
0x8c: {  	_ =	swait.ge [sflag:s12], $0x3800  }
0x8d: {  	[sflag:s12] =	ssyncset.done $0x0  }
0x8e: {  	[sflag:s12] =	ssyncadd.s32 $0xFFFFC800  }
0x8f: {  	_ =	swait.ge [sflag:s12], $0x3800  }
0x90: {  	[sflag:s12] =	ssyncset.done $0x0  }
0x91: {  	[sflag:s12] =	ssyncadd.s32 $0xFFFFC800  }
0x92: {  	_ =	swait.ge [sflag:s12], $0x3800  }
0x93: {  	[sflag:s12] =	ssyncset.done $0x0  }
0x94: {  	[sflag:s12] =	ssyncadd.s32 $0xFFFFC800  }
0x95: {  	_ =	swait.ge [sflag:s12], $0x3800  }
0x96: {  	[sflag:s12] =	ssyncset.done $0x0  }
0x97: {  	[sflag:s12] =	ssyncadd.s32 $0xFFFFC800  }
0x98: {  	_ =	swait.ge [sflag:s12], $0x3800  }
0x99: {  	[sflag:s12] =	ssyncset.done $0x0  }
0x9a: {  	[sflag:s12] =	ssyncadd.s32 $0xFFFFC800  }
0x9b: {  	_ =	swait.ge [sflag:s12], $0x3800  }
0x9c: {  	[sflag:s12] =	ssyncset.done $0x0  }
0x9d: {  	[sflag:s12] =	ssyncadd.s32 $0xFFFFC800  }
0x9e: {  	_ =	swait.ge [sflag:s12], $0x3800  }
0x9f: {  	[sflag:s12] =	ssyncset.done $0x0  }
0xa0: {  	[sflag:s12] =	ssyncadd.s32 $0xFFFFC800  }
0xa1: {  	_ =	swait.ge [sflag:s12], $0x3800  }
0xa2: {  	[sflag:s12] =	ssyncset.done $0x0  }
0xa3: {  	[sflag:s12] =	ssyncadd.s32 $0xFFFFC800  }
0xa4: {  	_ =	swait.ge [sflag:s12], $0x3800  }
0xa5: {  	[sflag:s12] =	ssyncset.done $0x0  }
0xa6: {  	[sflag:s12] =	ssyncadd.s32 $0xFFFFC800  }
0xa7: {  	_ =	swait.ge [sflag:s12], $0x3800  }
0xa8: {  	[sflag:s12] =	ssyncset.done $0x0  }
0xa9: {  	s20 =	sshll.u32 s20, $0x4;
	s22 =	rddreg [dreg:$0x2]  }
0xaa: {  	[sflag:s12] =	ssyncadd.s32 $0xFFFFC800;
	s20 =	sadd.s32 s22, s20  }
0xab: {  	[hbm4b:s20+s4] =	stream.linear.scatter [tilespmem:s19], [sflag:$0x6], $0x3800, $0x38;
	[tilespmem:$0xF600] =	vst v63  }
0xac: {  	_ =	swait.ge [sflag:s14], $0x3800  }
0xad: {  	[sflag:s14] =	ssyncset.done $0x0  }
0xae: {  	[sflag:s14] =	ssyncadd.s32 $0xFFFFC800  }
0xaf: {  	_ =	swait.ge [sflag:s14], $0x3800  }
0xb0: {  	[sflag:s14] =	ssyncset.done $0x0  }
0xb1: {  	[sflag:s14] =	ssyncadd.s32 $0xFFFFC800  }
0xb2: {  	_ =	swait.ge [sflag:s14], $0x3800  }
0xb3: {  	[sflag:s14] =	ssyncset.done $0x0  }
0xb4: {  	[sflag:s14] =	ssyncadd.s32 $0xFFFFC800  }
0xb5: {  	_ =	swait.ge [sflag:s14], $0x3800  }
0xb6: {  	[sflag:s14] =	ssyncset.done $0x0  }
0xb7: {  	[sflag:s14] =	ssyncadd.s32 $0xFFFFC800  }
0xb8: {  	_ =	swait.ge [sflag:s14], $0x3800  }
0xb9: {  	[sflag:s14] =	ssyncset.done $0x0  }
0xba: {  	[sflag:s14] =	ssyncadd.s32 $0xFFFFC800  }
0xbb: {  	_ =	swait.ge [sflag:s14], $0x3800  }
0xbc: {  	[sflag:s14] =	ssyncset.done $0x0  }
0xbd: {  	[sflag:s14] =	ssyncadd.s32 $0xFFFFC800  }
0xbe: {  	_ =	swait.ge [sflag:s14], $0x3800  }
0xbf: {  	[sflag:s14] =	ssyncset.done $0x0  }
0xc0: {  	[sflag:s14] =	ssyncadd.s32 $0xFFFFC800  }
0xc1: {  	_ =	swait.ge [sflag:s14], $0x3800  }
0xc2: {  	[sflag:s14] =	ssyncset.done $0x0  }
0xc3: {  	[sflag:s14] =	ssyncadd.s32 $0xFFFFC800  }
0xc4: {  	_ =	swait.ge [sflag:s14], $0x3800  }
0xc5: {  	[sflag:s14] =	ssyncset.done $0x0  }
0xc6: {  	[sflag:s14] =	ssyncadd.s32 $0xFFFFC800  }
0xc7: {  	_ =	swait.ge [sflag:s14], $0x3800  }
0xc8: {  	[sflag:s14] =	ssyncset.done $0x0  }
0xc9: {  	[sflag:s14] =	ssyncadd.s32 $0xFFFFC800  }
0xca: {  	_ =	swait.ge [sflag:s14], $0x3800  }
0xcb: {  	[sflag:s14] =	ssyncset.done $0x0  }
0xcc: {  	[sflag:s14] =	ssyncadd.s32 $0xFFFFC800  }
0xcd: {  	_ =	swait.ge [sflag:s14], $0x3800  }
0xce: {  	[sflag:s14] =	ssyncset.done $0x0  }
0xcf: {  	[sflag:s14] =	ssyncadd.s32 $0xFFFFC800  }
0xd0: {  	_ =	swait.ge [sflag:s14], $0x3800  }
0xd1: {  	[sflag:s14] =	ssyncset.done $0x0  }
0xd2: {  	[sflag:s14] =	ssyncadd.s32 $0xFFFFC800  }
0xd3: {  	_ =	swait.ge [sflag:s14], $0x3800  }
0xd4: {  	[sflag:s14] =	ssyncset.done $0x0  }
0xd5: {  	[sflag:s14] =	ssyncadd.s32 $0xFFFFC800  }
0xd6: {  	_ =	swait.ge [sflag:s14], $0x3800  }
0xd7: {  	[sflag:s14] =	ssyncset.done $0x0  }
0xd8: {  	[sflag:s14] =	ssyncadd.s32 $0xFFFFC800  }
0xd9: {  	_ =	swait.ge [sflag:s14], $0x3800  }
0xda: {  	[sflag:s14] =	ssyncset.done $0x0  }
0xdb: {  	[sflag:s14] =	ssyncadd.s32 $0xFFFFC800  }
0xdc: {  	_ =	swait.ge [sflag:s14], $0x3800  }
0xdd: {  	[sflag:s14] =	ssyncset.done $0x0  }
0xde: {  	[sflag:s14] =	ssyncadd.s32 $0xFFFFC800  }
0xdf: {  	_ =	swait.ge [sflag:s14], $0x3800  }
0xe0: {  	[sflag:s14] =	ssyncset.done $0x0  }
0xe1: {  	[sflag:s14] =	ssyncadd.s32 $0xFFFFC800  }
0xe2: {  	_ =	swait.ge [sflag:s14], $0x3800  }
0xe3: {  	[sflag:s14] =	ssyncset.done $0x0  }
0xe4: {  	[sflag:s14] =	ssyncadd.s32 $0xFFFFC800  }
0xe5: {  	_ =	swait.ge [sflag:s14], $0x3800  }
0xe6: {  	[sflag:s14] =	ssyncset.done $0x0  }
0xe7: {  	[sflag:s14] =	ssyncadd.s32 $0xFFFFC800  }
0xe8: {  	_ =	swait.ge [sflag:s14], $0x3800  }
0xe9: {  	[sflag:s14] =	ssyncset.done $0x0  }
0xea: {  	[sflag:s14] =	ssyncadd.s32 $0xFFFFC800  }
0xeb: {  	_ =	swait.ge [sflag:s14], $0x3800  }
0xec: {  	[sflag:s14] =	ssyncset.done $0x0  }
0xed: {  	[sflag:s14] =	ssyncadd.s32 $0xFFFFC800  }
0xee: {  	_ =	swait.ge [sflag:s14], $0x3800  }
0xef: {  	[sflag:s14] =	ssyncset.done $0x0  }
0xf0: {  	[sflag:s14] =	ssyncadd.s32 $0xFFFFC800  }
0xf1: {  	_ =	swait.ge [sflag:s14], $0x3800  }
0xf2: {  	s3 =	sshll.u32 s3, $0x4;
	[sflag:s14] =	ssyncset.done $0x0  }
0xf3: {  	s3 =	sadd.s32 s22, s3;
	[sflag:s14] =	ssyncadd.s32 $0xFFFFC800  }
0xf4: {  	[hbm4b:s3+s4] =	stream.linear.scatter [tilespmem:s13], [sflag:$0x7], $0x3800, $0x38;
	[tilespmem:$0xF600] =	vst v63  }
0xf5: {  	_ =	swait.ge [sflag:s9], $0x3800  }
0xf6: {  	[sflag:s9] =	ssyncset.done $0x0  }
0xf7: {  	[sflag:s9] =	ssyncadd.s32 $0xFFFFC800  }
0xf8: {  	_ =	swait.ge [sflag:s11], $0x3800  }
0xf9: {  	[sflag:s11] =	ssyncset.done $0x0  }
0xfa: {  	[sflag:s11] =	ssyncadd.s32 $0xFFFFC800  }
0xfb: {  	_ =	swait.ge [sflag:s16], $0x3800  }
0xfc: {  	s18 =	sadd.s32 $0x1, s18;
	s22 =	rddreg [dreg:$0x13]  }
0xfd: {  	p1 =	sne.s32 s18, s22  }
.Ltmp1:
0xfe: {  	_ = 	snop;
	(pc) =	sbr.rel @!p1 .LBB2_33-.Ltmp1, $3  }
0xff: {  	_ =	sdelay $0x1  }
0x100: {  	[sflag:s16] =	ssyncset.done $0x0  }
0x101: {  	[sflag:s16] =	ssyncadd.s32 $0xFFFFC800  }
.LBB2_1:
.Ltmp2:
0x102: {  	(pc) =	sbr.rel @!p0 .LBB2_2-.Ltmp2, $2  }
0x103: {  	_ =	sdelay $0x2  }
0x104: {  	s3 =	simm.s32 $0x1C0;
	s22 =	simm.s32 $0x0  }
0x105: {  	s21 =	rddreg [dreg:$0x1b]  }
0x106: {  	s20 =	sadd.s32 $0xC80, s21  }
.LBB2_18:
0x107: {  	[tilespmem:s22], [sflag:$0x9] =	stream.linear.gather [hbm4b:s21+s4], $0x70, $0x38;
	[tilespmem:$0xF600] =	vst v63  }
0x108: {  	s22 =	smov.u32 s3;
	s21 =	smov.u32 s20;
	p1 =	sne.s32 s3, $0x2A00  }
.Ltmp3:
0x109: {  	s3 =	sadd.s32 $0x1C0, s3;
	(pc) =	sbr.rel @p1 .LBB2_18-.Ltmp3, $2  }
0x10a: {  	_ =	sdelay $0x2  }
0x10b: {  	s20 =	sadd.s32 $0xC80, s20;
	s22 =	sshra.s32 s22, $0x2  }
0x10c: {  	[tilespmem:s22], [sflag:$0x9] =	stream.linear.gather [hbm4b:s21+s4], $0x70, $0x38;
	[tilespmem:$0xF600] =	vst v63  }
0x10d: {  	_ =	swait.ge [sflag:s6], $0xAF0  }
0x10e: {  	[sflag:s6] =	ssyncset.done $0x0  }
0x10f: {  	s3 =	simm.s32 $0x0;
	[sflag:s6] =	ssyncadd.s32 $0xFFFFF510  }
0x110: {  	[tilespmem:s8], [sflag:$0x1] =	stream.indirect.gather [hbm4b:s1+s7], $0x80, s3, s7, $0xb8;
	[tilespmem:$0xF600] =	vst v63  }
0x111: {  	_ =	swait.ge [sflag:s10], $0x3800  }
0x112: {  	[sflag:s10] =	ssyncset.done $0x0  }
0x113: {  	[sflag:s10] =	ssyncadd.s32 $0xFFFFC800  }
0x114: {  	[tilespmem:s8], [sflag:$0x1] =	stream.indirect.gather.add.f32 [hbm:s1], $0x80, s7, s7, $0xb8;
	[tilespmem:$0xF600] =	vst v63  }
0x115: {  	s21 =	simm.s32 $0xE0  }
0x116: {  	[tilespmem:s8], [sflag:$0x1] =	stream.indirect.gather.add.f32 [hbm:s1], $0x80, s21, s7, $0xb8;
	[tilespmem:$0xF600] =	vst v63  }
0x117: {  	s22 =	simm.s32 $0x150  }
0x118: {  	[tilespmem:s8], [sflag:$0x1] =	stream.indirect.gather.add.f32 [hbm:s1], $0x80, s22, s7, $0xb8;
	[tilespmem:$0xF600] =	vst v63  }
0x119: {  	s20 =	simm.s32 $0x1C0  }
0x11a: {  	[tilespmem:s8], [sflag:$0x1] =	stream.indirect.gather.add.f32 [hbm:s1], $0x80, s20, s7, $0xb8;
	[tilespmem:$0xF600] =	vst v63  }
0x11b: {  	s21 =	simm.s32 $0x230  }
0x11c: {  	[tilespmem:s8], [sflag:$0x1] =	stream.indirect.gather.add.f32 [hbm:s1], $0x80, s21, s7, $0xb8;
	[tilespmem:$0xF600] =	vst v63  }
0x11d: {  	s22 =	simm.s32 $0x2A0  }
0x11e: {  	[tilespmem:s8], [sflag:$0x1] =	stream.indirect.gather.add.f32 [hbm:s1], $0x80, s22, s7, $0xb8;
	[tilespmem:$0xF600] =	vst v63  }
0x11f: {  	s20 =	simm.s32 $0x310  }
0x120: {  	[tilespmem:s8], [sflag:$0x1] =	stream.indirect.gather.add.f32 [hbm:s1], $0x80, s20, s7, $0xb8;
	[tilespmem:$0xF600] =	vst v63  }
0x121: {  	s21 =	simm.s32 $0x380  }
0x122: {  	[tilespmem:s8], [sflag:$0x1] =	stream.indirect.gather.add.f32 [hbm:s1], $0x80, s21, s7, $0xb8;
	[tilespmem:$0xF600] =	vst v63  }
0x123: {  	s22 =	simm.s32 $0x3F0  }
0x124: {  	[tilespmem:s8], [sflag:$0x1] =	stream.indirect.gather.add.f32 [hbm:s1], $0x80, s22, s7, $0xb8;
	[tilespmem:$0xF600] =	vst v63  }
0x125: {  	s20 =	simm.s32 $0x460  }
0x126: {  	[tilespmem:s8], [sflag:$0x1] =	stream.indirect.gather.add.f32 [hbm:s1], $0x80, s20, s7, $0xb8;
	[tilespmem:$0xF600] =	vst v63  }
0x127: {  	s21 =	simm.s32 $0x4D0  }
0x128: {  	[tilespmem:s8], [sflag:$0x1] =	stream.indirect.gather.add.f32 [hbm:s1], $0x80, s21, s7, $0xb8;
	[tilespmem:$0xF600] =	vst v63  }
0x129: {  	s22 =	simm.s32 $0x540  }
0x12a: {  	[tilespmem:s8], [sflag:$0x1] =	stream.indirect.gather.add.f32 [hbm:s1], $0x80, s22, s7, $0xb8;
	[tilespmem:$0xF600] =	vst v63  }
0x12b: {  	s20 =	simm.s32 $0x5B0  }
0x12c: {  	[tilespmem:s8], [sflag:$0x1] =	stream.indirect.gather.add.f32 [hbm:s1], $0x80, s20, s7, $0xb8;
	[tilespmem:$0xF600] =	vst v63  }
0x12d: {  	s21 =	simm.s32 $0x620  }
0x12e: {  	[tilespmem:s8], [sflag:$0x1] =	stream.indirect.gather.add.f32 [hbm:s1], $0x80, s21, s7, $0xb8;
	[tilespmem:$0xF600] =	vst v63  }
0x12f: {  	_ = 	snop  }
0x130: {  	[tilespmem:s8], [sflag:$0x1] =	stream.indirect.gather.add.f32 [hbm:s1], $0x80, s23, s7, $0xb8;
	[tilespmem:$0xF600] =	vst v63  }
0x131: {  	_ = 	snop  }
0x132: {  	[tilespmem:s8], [sflag:$0x1] =	stream.indirect.gather.add.f32 [hbm:s1], $0x80, s24, s7, $0xb8;
	[tilespmem:$0xF600] =	vst v63  }
0x133: {  	_ = 	snop  }
0x134: {  	[tilespmem:s8], [sflag:$0x1] =	stream.indirect.gather.add.f32 [hbm:s1], $0x80, s25, s7, $0xb8;
	[tilespmem:$0xF600] =	vst v63  }
0x135: {  	_ = 	snop  }
0x136: {  	[tilespmem:s8], [sflag:$0x1] =	stream.indirect.gather.add.f32 [hbm:s1], $0x80, s26, s7, $0xb8;
	[tilespmem:$0xF600] =	vst v63  }
0x137: {  	_ = 	snop  }
0x138: {  	[tilespmem:s8], [sflag:$0x1] =	stream.indirect.gather.add.f32 [hbm:s1], $0x80, s28, s7, $0xb8;
	[tilespmem:$0xF600] =	vst v63  }
0x139: {  	_ = 	snop  }
0x13a: {  	[tilespmem:s8], [sflag:$0x1] =	stream.indirect.gather.add.f32 [hbm:s1], $0x80, s29, s7, $0xb8;
	[tilespmem:$0xF600] =	vst v63  }
0x13b: {  	_ = 	snop  }
0x13c: {  	[tilespmem:s8], [sflag:$0x1] =	stream.indirect.gather.add.f32 [hbm:s1], $0x80, s30, s7, $0xb8;
	[tilespmem:$0xF600] =	vst v63  }
0x13d: {  	_ = 	snop  }
0x13e: {  	[tilespmem:s8], [sflag:$0x1] =	stream.indirect.gather.add.f32 [hbm:s1], $0x80, s31, s7, $0xb8;
	[tilespmem:$0xF600] =	vst v63  }
0x13f: {  	_ = 	snop  }
0x140: {  	[tilespmem:s8], [sflag:$0x1] =	stream.indirect.gather.add.f32 [hbm:s1], $0x80, s0, s7, $0xb8;
	[tilespmem:$0xF600] =	vst v63  }
0x141: {  	_ = 	snop  }
0x142: {  	[tilespmem:s8], [sflag:$0x1] =	stream.indirect.gather.add.f32 [hbm:s1], $0x80, s2, s7, $0xb8;
	[tilespmem:$0xF600] =	vst v63  }
0x143: {  	s3 =	simm.s32 $0x1C0;
	s22 =	simm.s32 $0xB00;
	s20 =	rddreg [dreg:$0x1c]  }
0x144: {  	[tilespmem:s22], [sflag:$0xA] =	stream.linear.gather [hbm4b:s20+s4], $0x70, $0x38;
	[tilespmem:$0xF600] =	vst v63  }
.LBB2_20:
0x145: {  	p1 =	sne.s32 s3, $0x2A00  }
.Ltmp4:
0x146: {  	_ = 	snop;
	(pc) =	sbr.rel @p1 .LBB2_20-.Ltmp4, $4  }
0x147: {  	_ = 	snop  }
0x148: {  	s21 =	sshra.s32 s3, $0x2;
	s3 =	sadd.s32 $0x1C0, s3  }
0x149: {  	s20 =	sadd.s32 $0xC80, s20;
	s21 =	sadd.s32 $0xB00, s21  }
0x14a: {  	[tilespmem:s21], [sflag:$0xA] =	stream.linear.gather [hbm4b:s20+s4], $0x70, $0x38;
	[tilespmem:$0xF600] =	vst v63  }
0x14b: {  	_ =	swait.ge [sflag:s5], $0xAF0  }
0x14c: {  	[sflag:s5] =	ssyncset.done $0x0  }
0x14d: {  	s3 =	simm.s32 $0xB00;
	[sflag:s5] =	ssyncadd.s32 $0xFFFFF510  }
0x14e: {  	[tilespmem:s19], [sflag:$0x2] =	stream.indirect.gather [hbm4b:s1+s7], $0x80, s3, s7, $0xb8;
	[tilespmem:$0xF600] =	vst v63  }
0x14f: {  	_ =	swait.ge [sflag:s12], $0x3800  }
0x150: {  	[sflag:s12] =	ssyncset.done $0x0  }
0x151: {  	s22 =	simm.s32 $0xB70;
	[sflag:s12] =	ssyncadd.s32 $0xFFFFC800  }
0x152: {  	[tilespmem:s19], [sflag:$0x2] =	stream.indirect.gather.add.f32 [hbm:s1], $0x80, s22, s7, $0xb8;
	[tilespmem:$0xF600] =	vst v63  }
0x153: {  	s20 =	simm.s32 $0xBE0  }
0x154: {  	[tilespmem:s19], [sflag:$0x2] =	stream.indirect.gather.add.f32 [hbm:s1], $0x80, s20, s7, $0xb8;
	[tilespmem:$0xF600] =	vst v63  }
0x155: {  	s21 =	simm.s32 $0xC50  }
0x156: {  	[tilespmem:s19], [sflag:$0x2] =	stream.indirect.gather.add.f32 [hbm:s1], $0x80, s21, s7, $0xb8;
	[tilespmem:$0xF600] =	vst v63  }
0x157: {  	s22 =	simm.s32 $0xCC0  }
0x158: {  	[tilespmem:s19], [sflag:$0x2] =	stream.indirect.gather.add.f32 [hbm:s1], $0x80, s22, s7, $0xb8;
	[tilespmem:$0xF600] =	vst v63  }
0x159: {  	s20 =	simm.s32 $0xD30  }
0x15a: {  	[tilespmem:s19], [sflag:$0x2] =	stream.indirect.gather.add.f32 [hbm:s1], $0x80, s20, s7, $0xb8;
	[tilespmem:$0xF600] =	vst v63  }
0x15b: {  	s21 =	simm.s32 $0xDA0  }
0x15c: {  	[tilespmem:s19], [sflag:$0x2] =	stream.indirect.gather.add.f32 [hbm:s1], $0x80, s21, s7, $0xb8;
	[tilespmem:$0xF600] =	vst v63  }
0x15d: {  	s22 =	simm.s32 $0xE10  }
0x15e: {  	[tilespmem:s19], [sflag:$0x2] =	stream.indirect.gather.add.f32 [hbm:s1], $0x80, s22, s7, $0xb8;
	[tilespmem:$0xF600] =	vst v63  }
0x15f: {  	s20 =	simm.s32 $0xE80  }
0x160: {  	[tilespmem:s19], [sflag:$0x2] =	stream.indirect.gather.add.f32 [hbm:s1], $0x80, s20, s7, $0xb8;
	[tilespmem:$0xF600] =	vst v63  }
0x161: {  	s21 =	simm.s32 $0xEF0  }
0x162: {  	[tilespmem:s19], [sflag:$0x2] =	stream.indirect.gather.add.f32 [hbm:s1], $0x80, s21, s7, $0xb8;
	[tilespmem:$0xF600] =	vst v63  }
0x163: {  	s22 =	simm.s32 $0xF60  }
0x164: {  	[tilespmem:s19], [sflag:$0x2] =	stream.indirect.gather.add.f32 [hbm:s1], $0x80, s22, s7, $0xb8;
	[tilespmem:$0xF600] =	vst v63  }
0x165: {  	s20 =	simm.s32 $0xFD0  }
0x166: {  	[tilespmem:s19], [sflag:$0x2] =	stream.indirect.gather.add.f32 [hbm:s1], $0x80, s20, s7, $0xb8;
	[tilespmem:$0xF600] =	vst v63  }
0x167: {  	s21 =	simm.s32 $0x1040  }
0x168: {  	[tilespmem:s19], [sflag:$0x2] =	stream.indirect.gather.add.f32 [hbm:s1], $0x80, s21, s7, $0xb8;
	[tilespmem:$0xF600] =	vst v63  }
0x169: {  	s22 =	simm.s32 $0x10B0  }
0x16a: {  	[tilespmem:s19], [sflag:$0x2] =	stream.indirect.gather.add.f32 [hbm:s1], $0x80, s22, s7, $0xb8;
	[tilespmem:$0xF600] =	vst v63  }
0x16b: {  	s20 =	simm.s32 $0x1120  }
0x16c: {  	[tilespmem:s19], [sflag:$0x2] =	stream.indirect.gather.add.f32 [hbm:s1], $0x80, s20, s7, $0xb8;
	[tilespmem:$0xF600] =	vst v63  }
0x16d: {  	s21 =	simm.s32 $0x1190  }
0x16e: {  	[tilespmem:s19], [sflag:$0x2] =	stream.indirect.gather.add.f32 [hbm:s1], $0x80, s21, s7, $0xb8;
	[tilespmem:$0xF600] =	vst v63  }
0x16f: {  	s22 =	simm.s32 $0x1200  }
0x170: {  	[tilespmem:s19], [sflag:$0x2] =	stream.indirect.gather.add.f32 [hbm:s1], $0x80, s22, s7, $0xb8;
	[tilespmem:$0xF600] =	vst v63  }
0x171: {  	s20 =	simm.s32 $0x1270  }
0x172: {  	[tilespmem:s19], [sflag:$0x2] =	stream.indirect.gather.add.f32 [hbm:s1], $0x80, s20, s7, $0xb8;
	[tilespmem:$0xF600] =	vst v63  }
0x173: {  	s21 =	simm.s32 $0x12E0  }
0x174: {  	[tilespmem:s19], [sflag:$0x2] =	stream.indirect.gather.add.f32 [hbm:s1], $0x80, s21, s7, $0xb8;
	[tilespmem:$0xF600] =	vst v63  }
0x175: {  	s22 =	simm.s32 $0x1350  }
0x176: {  	[tilespmem:s19], [sflag:$0x2] =	stream.indirect.gather.add.f32 [hbm:s1], $0x80, s22, s7, $0xb8;
	[tilespmem:$0xF600] =	vst v63  }
0x177: {  	s20 =	simm.s32 $0x13C0  }
0x178: {  	[tilespmem:s19], [sflag:$0x2] =	stream.indirect.gather.add.f32 [hbm:s1], $0x80, s20, s7, $0xb8;
	[tilespmem:$0xF600] =	vst v63  }
0x179: {  	s21 =	simm.s32 $0x1430  }
0x17a: {  	[tilespmem:s19], [sflag:$0x2] =	stream.indirect.gather.add.f32 [hbm:s1], $0x80, s21, s7, $0xb8;
	[tilespmem:$0xF600] =	vst v63  }
0x17b: {  	s22 =	simm.s32 $0x14A0  }
0x17c: {  	[tilespmem:s19], [sflag:$0x2] =	stream.indirect.gather.add.f32 [hbm:s1], $0x80, s22, s7, $0xb8;
	[tilespmem:$0xF600] =	vst v63  }
0x17d: {  	s20 =	simm.s32 $0x1510  }
0x17e: {  	[tilespmem:s19], [sflag:$0x2] =	stream.indirect.gather.add.f32 [hbm:s1], $0x80, s20, s7, $0xb8;
	[tilespmem:$0xF600] =	vst v63  }
0x17f: {  	s21 =	simm.s32 $0x1580  }
0x180: {  	[tilespmem:s19], [sflag:$0x2] =	stream.indirect.gather.add.f32 [hbm:s1], $0x80, s21, s7, $0xb8;
	[tilespmem:$0xF600] =	vst v63  }
0x181: {  	_ =	swait.ge [sflag:s10], $0x3800  }
0x182: {  	[sflag:s10] =	ssyncset.done $0x0  }
0x183: {  	[sflag:s10] =	ssyncadd.s32 $0xFFFFC800  }
0x184: {  	_ =	swait.ge [sflag:s10], $0x3800  }
0x185: {  	[sflag:s10] =	ssyncset.done $0x0  }
0x186: {  	[sflag:s10] =	ssyncadd.s32 $0xFFFFC800  }
0x187: {  	_ =	swait.ge [sflag:s10], $0x3800  }
0x188: {  	[sflag:s10] =	ssyncset.done $0x0  }
0x189: {  	[sflag:s10] =	ssyncadd.s32 $0xFFFFC800  }
0x18a: {  	_ =	swait.ge [sflag:s10], $0x3800  }
0x18b: {  	[sflag:s10] =	ssyncset.done $0x0  }
0x18c: {  	[sflag:s10] =	ssyncadd.s32 $0xFFFFC800  }
0x18d: {  	_ =	swait.ge [sflag:s10], $0x3800  }
0x18e: {  	[sflag:s10] =	ssyncset.done $0x0  }
0x18f: {  	[sflag:s10] =	ssyncadd.s32 $0xFFFFC800  }
0x190: {  	_ =	swait.ge [sflag:s10], $0x3800  }
0x191: {  	[sflag:s10] =	ssyncset.done $0x0  }
0x192: {  	[sflag:s10] =	ssyncadd.s32 $0xFFFFC800  }
0x193: {  	_ =	swait.ge [sflag:s10], $0x3800  }
0x194: {  	[sflag:s10] =	ssyncset.done $0x0  }
0x195: {  	[sflag:s10] =	ssyncadd.s32 $0xFFFFC800  }
0x196: {  	_ =	swait.ge [sflag:s10], $0x3800  }
0x197: {  	[sflag:s10] =	ssyncset.done $0x0  }
0x198: {  	[sflag:s10] =	ssyncadd.s32 $0xFFFFC800  }
0x199: {  	_ =	swait.ge [sflag:s10], $0x3800  }
0x19a: {  	[sflag:s10] =	ssyncset.done $0x0  }
0x19b: {  	[sflag:s10] =	ssyncadd.s32 $0xFFFFC800  }
0x19c: {  	_ =	swait.ge [sflag:s10], $0x3800  }
0x19d: {  	[sflag:s10] =	ssyncset.done $0x0  }
0x19e: {  	[sflag:s10] =	ssyncadd.s32 $0xFFFFC800  }
0x19f: {  	_ =	swait.ge [sflag:s10], $0x3800  }
0x1a0: {  	[sflag:s10] =	ssyncset.done $0x0  }
0x1a1: {  	[sflag:s10] =	ssyncadd.s32 $0xFFFFC800  }
0x1a2: {  	_ =	swait.ge [sflag:s10], $0x3800  }
0x1a3: {  	[sflag:s10] =	ssyncset.done $0x0  }
0x1a4: {  	[sflag:s10] =	ssyncadd.s32 $0xFFFFC800  }
0x1a5: {  	_ =	swait.ge [sflag:s10], $0x3800  }
0x1a6: {  	[sflag:s10] =	ssyncset.done $0x0  }
0x1a7: {  	[sflag:s10] =	ssyncadd.s32 $0xFFFFC800  }
0x1a8: {  	_ =	swait.ge [sflag:s10], $0x3800  }
0x1a9: {  	[sflag:s10] =	ssyncset.done $0x0  }
0x1aa: {  	[sflag:s10] =	ssyncadd.s32 $0xFFFFC800  }
0x1ab: {  	_ =	swait.ge [sflag:s10], $0x3800  }
0x1ac: {  	[sflag:s10] =	ssyncset.done $0x0  }
0x1ad: {  	[sflag:s10] =	ssyncadd.s32 $0xFFFFC800  }
0x1ae: {  	_ =	swait.ge [sflag:s10], $0x3800  }
0x1af: {  	[sflag:s10] =	ssyncset.done $0x0  }
0x1b0: {  	[sflag:s10] =	ssyncadd.s32 $0xFFFFC800  }
0x1b1: {  	_ =	swait.ge [sflag:s10], $0x3800  }
0x1b2: {  	[sflag:s10] =	ssyncset.done $0x0  }
0x1b3: {  	[sflag:s10] =	ssyncadd.s32 $0xFFFFC800  }
0x1b4: {  	_ =	swait.ge [sflag:s10], $0x3800  }
0x1b5: {  	[sflag:s10] =	ssyncset.done $0x0  }
0x1b6: {  	[sflag:s10] =	ssyncadd.s32 $0xFFFFC800  }
0x1b7: {  	_ =	swait.ge [sflag:s10], $0x3800  }
0x1b8: {  	[sflag:s10] =	ssyncset.done $0x0  }
0x1b9: {  	[sflag:s10] =	ssyncadd.s32 $0xFFFFC800  }
0x1ba: {  	_ =	swait.ge [sflag:s10], $0x3800  }
0x1bb: {  	[sflag:s10] =	ssyncset.done $0x0  }
0x1bc: {  	[sflag:s10] =	ssyncadd.s32 $0xFFFFC800  }
0x1bd: {  	_ =	swait.ge [sflag:s10], $0x3800  }
0x1be: {  	[sflag:s10] =	ssyncset.done $0x0  }
0x1bf: {  	[sflag:s10] =	ssyncadd.s32 $0xFFFFC800  }
0x1c0: {  	_ =	swait.ge [sflag:s10], $0x3800  }
0x1c1: {  	[sflag:s10] =	ssyncset.done $0x0  }
0x1c2: {  	[sflag:s10] =	ssyncadd.s32 $0xFFFFC800  }
0x1c3: {  	_ =	swait.ge [sflag:s10], $0x3800  }
0x1c4: {  	[sflag:s10] =	ssyncset.done $0x0  }
0x1c5: {  	[sflag:s10] =	ssyncadd.s32 $0xFFFFC800  }
0x1c6: {  	_ =	swait.ge [sflag:s10], $0x3800  }
0x1c7: {  	[sflag:s10] =	ssyncset.done $0x0;
	s20 =	rddreg [dreg:$0xb]  }
0x1c8: {  	s22 =	simm.s32 $0x0;
	s21 =	rddreg [dreg:$0x1d];
	[sflag:s10] =	ssyncadd.s32 $0xFFFFC800  }
0x1c9: {  	[hbm4b:s20+s22] =	stream.linear.scatter [tilespmem:s8], [sflag:$0x5], $0x3800, $0x38;
	[tilespmem:$0xF600] =	vst v63  }
0x1ca: {  	s3 =	simm.s32 $0x1C0;
	s22 =	simm.s32 $0x0;
	s20 =	sadd.s32 $0xC80, s21  }
.LBB2_22:
0x1cb: {  	[tilespmem:s22], [sflag:$0x9] =	stream.linear.gather [hbm4b:s21+s4], $0x70, $0x38;
	[tilespmem:$0xF600] =	vst v63  }
0x1cc: {  	s22 =	smov.u32 s3;
	s21 =	smov.u32 s20;
	p1 =	sne.s32 s3, $0x2A00  }
.Ltmp5:
0x1cd: {  	s3 =	sadd.s32 $0x1C0, s3;
	(pc) =	sbr.rel @p1 .LBB2_22-.Ltmp5, $2  }
0x1ce: {  	_ =	sdelay $0x2  }
0x1cf: {  	s20 =	sadd.s32 $0xC80, s20;
	s22 =	sshra.s32 s22, $0x2  }
0x1d0: {  	[tilespmem:s22], [sflag:$0x9] =	stream.linear.gather [hbm4b:s21+s4], $0x70, $0x38;
	[tilespmem:$0xF600] =	vst v63  }
0x1d1: {  	_ =	swait.ge [sflag:s6], $0xAF0  }
0x1d2: {  	[sflag:s6] =	ssyncset.done $0x0  }
0x1d3: {  	s3 =	simm.s32 $0x0;
	[sflag:s6] =	ssyncadd.s32 $0xFFFFF510  }
0x1d4: {  	[tilespmem:s13], [sflag:$0x3] =	stream.indirect.gather [hbm4b:s1+s7], $0x80, s3, s7, $0xb8;
	[tilespmem:$0xF600] =	vst v63  }
0x1d5: {  	_ =	swait.ge [sflag:s14], $0x3800  }
0x1d6: {  	[sflag:s14] =	ssyncset.done $0x0  }
0x1d7: {  	[sflag:s14] =	ssyncadd.s32 $0xFFFFC800  }
0x1d8: {  	[tilespmem:s13], [sflag:$0x3] =	stream.indirect.gather.add.f32 [hbm:s1], $0x80, s7, s7, $0xb8;
	[tilespmem:$0xF600] =	vst v63  }
0x1d9: {  	s20 =	simm.s32 $0xE0  }
0x1da: {  	[tilespmem:s13], [sflag:$0x3] =	stream.indirect.gather.add.f32 [hbm:s1], $0x80, s20, s7, $0xb8;
	[tilespmem:$0xF600] =	vst v63  }
0x1db: {  	s21 =	simm.s32 $0x150  }
0x1dc: {  	[tilespmem:s13], [sflag:$0x3] =	stream.indirect.gather.add.f32 [hbm:s1], $0x80, s21, s7, $0xb8;
	[tilespmem:$0xF600] =	vst v63  }
0x1dd: {  	s22 =	simm.s32 $0x1C0  }
0x1de: {  	[tilespmem:s13], [sflag:$0x3] =	stream.indirect.gather.add.f32 [hbm:s1], $0x80, s22, s7, $0xb8;
	[tilespmem:$0xF600] =	vst v63  }
0x1df: {  	s21 =	simm.s32 $0x230  }
0x1e0: {  	[tilespmem:s13], [sflag:$0x3] =	stream.indirect.gather.add.f32 [hbm:s1], $0x80, s21, s7, $0xb8;
	[tilespmem:$0xF600] =	vst v63  }
0x1e1: {  	s22 =	simm.s32 $0x2A0  }
0x1e2: {  	[tilespmem:s13], [sflag:$0x3] =	stream.indirect.gather.add.f32 [hbm:s1], $0x80, s22, s7, $0xb8;
	[tilespmem:$0xF600] =	vst v63  }
0x1e3: {  	s21 =	simm.s32 $0x310  }
0x1e4: {  	[tilespmem:s13], [sflag:$0x3] =	stream.indirect.gather.add.f32 [hbm:s1], $0x80, s21, s7, $0xb8;
	[tilespmem:$0xF600] =	vst v63  }
0x1e5: {  	s22 =	simm.s32 $0x380  }
0x1e6: {  	[tilespmem:s13], [sflag:$0x3] =	stream.indirect.gather.add.f32 [hbm:s1], $0x80, s22, s7, $0xb8;
	[tilespmem:$0xF600] =	vst v63  }
0x1e7: {  	s21 =	simm.s32 $0x3F0  }
0x1e8: {  	[tilespmem:s13], [sflag:$0x3] =	stream.indirect.gather.add.f32 [hbm:s1], $0x80, s21, s7, $0xb8;
	[tilespmem:$0xF600] =	vst v63  }
0x1e9: {  	s22 =	simm.s32 $0x460  }
0x1ea: {  	[tilespmem:s13], [sflag:$0x3] =	stream.indirect.gather.add.f32 [hbm:s1], $0x80, s22, s7, $0xb8;
	[tilespmem:$0xF600] =	vst v63  }
0x1eb: {  	s21 =	simm.s32 $0x4D0  }
0x1ec: {  	[tilespmem:s13], [sflag:$0x3] =	stream.indirect.gather.add.f32 [hbm:s1], $0x80, s21, s7, $0xb8;
	[tilespmem:$0xF600] =	vst v63  }
0x1ed: {  	s22 =	simm.s32 $0x540  }
0x1ee: {  	[tilespmem:s13], [sflag:$0x3] =	stream.indirect.gather.add.f32 [hbm:s1], $0x80, s22, s7, $0xb8;
	[tilespmem:$0xF600] =	vst v63  }
0x1ef: {  	s21 =	simm.s32 $0x5B0  }
0x1f0: {  	[tilespmem:s13], [sflag:$0x3] =	stream.indirect.gather.add.f32 [hbm:s1], $0x80, s21, s7, $0xb8;
	[tilespmem:$0xF600] =	vst v63  }
0x1f1: {  	s22 =	simm.s32 $0x620  }
0x1f2: {  	[tilespmem:s13], [sflag:$0x3] =	stream.indirect.gather.add.f32 [hbm:s1], $0x80, s22, s7, $0xb8;
	[tilespmem:$0xF600] =	vst v63  }
0x1f3: {  	_ = 	snop  }
0x1f4: {  	[tilespmem:s13], [sflag:$0x3] =	stream.indirect.gather.add.f32 [hbm:s1], $0x80, s23, s7, $0xb8;
	[tilespmem:$0xF600] =	vst v63  }
0x1f5: {  	_ = 	snop  }
0x1f6: {  	[tilespmem:s13], [sflag:$0x3] =	stream.indirect.gather.add.f32 [hbm:s1], $0x80, s24, s7, $0xb8;
	[tilespmem:$0xF600] =	vst v63  }
0x1f7: {  	_ = 	snop  }
0x1f8: {  	[tilespmem:s13], [sflag:$0x3] =	stream.indirect.gather.add.f32 [hbm:s1], $0x80, s25, s7, $0xb8;
	[tilespmem:$0xF600] =	vst v63  }
0x1f9: {  	_ = 	snop  }
0x1fa: {  	[tilespmem:s13], [sflag:$0x3] =	stream.indirect.gather.add.f32 [hbm:s1], $0x80, s26, s7, $0xb8;
	[tilespmem:$0xF600] =	vst v63  }
0x1fb: {  	_ = 	snop  }
0x1fc: {  	[tilespmem:s13], [sflag:$0x3] =	stream.indirect.gather.add.f32 [hbm:s1], $0x80, s28, s7, $0xb8;
	[tilespmem:$0xF600] =	vst v63  }
0x1fd: {  	_ = 	snop  }
0x1fe: {  	[tilespmem:s13], [sflag:$0x3] =	stream.indirect.gather.add.f32 [hbm:s1], $0x80, s29, s7, $0xb8;
	[tilespmem:$0xF600] =	vst v63  }
0x1ff: {  	_ = 	snop  }
0x200: {  	[tilespmem:s13], [sflag:$0x3] =	stream.indirect.gather.add.f32 [hbm:s1], $0x80, s30, s7, $0xb8;
	[tilespmem:$0xF600] =	vst v63  }
0x201: {  	_ = 	snop  }
0x202: {  	[tilespmem:s13], [sflag:$0x3] =	stream.indirect.gather.add.f32 [hbm:s1], $0x80, s31, s7, $0xb8;
	[tilespmem:$0xF600] =	vst v63  }
0x203: {  	_ = 	snop  }
0x204: {  	[tilespmem:s13], [sflag:$0x3] =	stream.indirect.gather.add.f32 [hbm:s1], $0x80, s0, s7, $0xb8;
	[tilespmem:$0xF600] =	vst v63  }
0x205: {  	_ = 	snop  }
0x206: {  	[tilespmem:s13], [sflag:$0x3] =	stream.indirect.gather.add.f32 [hbm:s1], $0x80, s2, s7, $0xb8;
	[tilespmem:$0xF600] =	vst v63  }
0x207: {  	_ =	swait.ge [sflag:s12], $0x3800  }
0x208: {  	[sflag:s12] =	ssyncset.done $0x0  }
0x209: {  	[sflag:s12] =	ssyncadd.s32 $0xFFFFC800  }
0x20a: {  	_ =	swait.ge [sflag:s12], $0x3800  }
0x20b: {  	[sflag:s12] =	ssyncset.done $0x0  }
0x20c: {  	[sflag:s12] =	ssyncadd.s32 $0xFFFFC800  }
0x20d: {  	_ =	swait.ge [sflag:s12], $0x3800  }
0x20e: {  	[sflag:s12] =	ssyncset.done $0x0  }
0x20f: {  	[sflag:s12] =	ssyncadd.s32 $0xFFFFC800  }
0x210: {  	_ =	swait.ge [sflag:s12], $0x3800  }
0x211: {  	[sflag:s12] =	ssyncset.done $0x0  }
0x212: {  	[sflag:s12] =	ssyncadd.s32 $0xFFFFC800  }
0x213: {  	_ =	swait.ge [sflag:s12], $0x3800  }
0x214: {  	[sflag:s12] =	ssyncset.done $0x0  }
0x215: {  	[sflag:s12] =	ssyncadd.s32 $0xFFFFC800  }
0x216: {  	_ =	swait.ge [sflag:s12], $0x3800  }
0x217: {  	[sflag:s12] =	ssyncset.done $0x0  }
0x218: {  	[sflag:s12] =	ssyncadd.s32 $0xFFFFC800  }
0x219: {  	_ =	swait.ge [sflag:s12], $0x3800  }
0x21a: {  	[sflag:s12] =	ssyncset.done $0x0  }
0x21b: {  	[sflag:s12] =	ssyncadd.s32 $0xFFFFC800  }
0x21c: {  	_ =	swait.ge [sflag:s12], $0x3800  }
0x21d: {  	[sflag:s12] =	ssyncset.done $0x0  }
0x21e: {  	[sflag:s12] =	ssyncadd.s32 $0xFFFFC800  }
0x21f: {  	_ =	swait.ge [sflag:s12], $0x3800  }
0x220: {  	[sflag:s12] =	ssyncset.done $0x0  }
0x221: {  	[sflag:s12] =	ssyncadd.s32 $0xFFFFC800  }
0x222: {  	_ =	swait.ge [sflag:s12], $0x3800  }
0x223: {  	[sflag:s12] =	ssyncset.done $0x0  }
0x224: {  	[sflag:s12] =	ssyncadd.s32 $0xFFFFC800  }
0x225: {  	_ =	swait.ge [sflag:s12], $0x3800  }
0x226: {  	[sflag:s12] =	ssyncset.done $0x0  }
0x227: {  	[sflag:s12] =	ssyncadd.s32 $0xFFFFC800  }
0x228: {  	_ =	swait.ge [sflag:s12], $0x3800  }
0x229: {  	[sflag:s12] =	ssyncset.done $0x0  }
0x22a: {  	[sflag:s12] =	ssyncadd.s32 $0xFFFFC800  }
0x22b: {  	_ =	swait.ge [sflag:s12], $0x3800  }
0x22c: {  	[sflag:s12] =	ssyncset.done $0x0  }
0x22d: {  	[sflag:s12] =	ssyncadd.s32 $0xFFFFC800  }
0x22e: {  	_ =	swait.ge [sflag:s12], $0x3800  }
0x22f: {  	[sflag:s12] =	ssyncset.done $0x0  }
0x230: {  	[sflag:s12] =	ssyncadd.s32 $0xFFFFC800  }
0x231: {  	_ =	swait.ge [sflag:s12], $0x3800  }
0x232: {  	[sflag:s12] =	ssyncset.done $0x0  }
0x233: {  	[sflag:s12] =	ssyncadd.s32 $0xFFFFC800  }
0x234: {  	_ =	swait.ge [sflag:s12], $0x3800  }
0x235: {  	[sflag:s12] =	ssyncset.done $0x0  }
0x236: {  	[sflag:s12] =	ssyncadd.s32 $0xFFFFC800  }
0x237: {  	_ =	swait.ge [sflag:s12], $0x3800  }
0x238: {  	[sflag:s12] =	ssyncset.done $0x0  }
0x239: {  	[sflag:s12] =	ssyncadd.s32 $0xFFFFC800  }
0x23a: {  	_ =	swait.ge [sflag:s12], $0x3800  }
0x23b: {  	[sflag:s12] =	ssyncset.done $0x0  }
0x23c: {  	[sflag:s12] =	ssyncadd.s32 $0xFFFFC800  }
0x23d: {  	_ =	swait.ge [sflag:s12], $0x3800  }
0x23e: {  	[sflag:s12] =	ssyncset.done $0x0  }
0x23f: {  	[sflag:s12] =	ssyncadd.s32 $0xFFFFC800  }
0x240: {  	_ =	swait.ge [sflag:s12], $0x3800  }
0x241: {  	[sflag:s12] =	ssyncset.done $0x0  }
0x242: {  	[sflag:s12] =	ssyncadd.s32 $0xFFFFC800  }
0x243: {  	_ =	swait.ge [sflag:s12], $0x3800  }
0x244: {  	[sflag:s12] =	ssyncset.done $0x0  }
0x245: {  	[sflag:s12] =	ssyncadd.s32 $0xFFFFC800  }
0x246: {  	_ =	swait.ge [sflag:s12], $0x3800  }
0x247: {  	[sflag:s12] =	ssyncset.done $0x0  }
0x248: {  	[sflag:s12] =	ssyncadd.s32 $0xFFFFC800  }
0x249: {  	_ =	swait.ge [sflag:s12], $0x3800  }
0x24a: {  	[sflag:s12] =	ssyncset.done $0x0  }
0x24b: {  	[sflag:s12] =	ssyncadd.s32 $0xFFFFC800  }
0x24c: {  	_ =	swait.ge [sflag:s12], $0x3800  }
0x24d: {  	[sflag:s12] =	ssyncset.done $0x0  }
0x24e: {  	s21 =	rddreg [dreg:$0xc];
	[sflag:s12] =	ssyncadd.s32 $0xFFFFC800  }
0x24f: {  	[hbm4b:s21+s3] =	stream.linear.scatter [tilespmem:s19], [sflag:$0x6], $0x3800, $0x38;
	[tilespmem:$0xF600] =	vst v63  }
0x250: {  	s22 =	simm.s32 $0xB00;
	s20 =	rddreg [dreg:$0x1e];
	s3 =	simm.s32 $0x1C0  }
0x251: {  	[tilespmem:s22], [sflag:$0xA] =	stream.linear.gather [hbm4b:s20+s4], $0x70, $0x38;
	[tilespmem:$0xF600] =	vst v63  }
.LBB2_24:
0x252: {  	p1 =	sne.s32 s3, $0x2A00  }
.Ltmp6:
0x253: {  	_ = 	snop;
	(pc) =	sbr.rel @p1 .LBB2_24-.Ltmp6, $4  }
0x254: {  	_ = 	snop  }
0x255: {  	s21 =	sshra.s32 s3, $0x2;
	s3 =	sadd.s32 $0x1C0, s3  }
0x256: {  	s20 =	sadd.s32 $0xC80, s20;
	s21 =	sadd.s32 $0xB00, s21  }
0x257: {  	[tilespmem:s21], [sflag:$0xA] =	stream.linear.gather [hbm4b:s20+s4], $0x70, $0x38;
	[tilespmem:$0xF600] =	vst v63  }
0x258: {  	_ =	swait.ge [sflag:s5], $0xAF0  }
0x259: {  	[sflag:s5] =	ssyncset.done $0x0  }
0x25a: {  	s3 =	simm.s32 $0xB00;
	[sflag:s5] =	ssyncadd.s32 $0xFFFFF510  }
0x25b: {  	[tilespmem:s15], [sflag:$0x4] =	stream.indirect.gather [hbm4b:s1+s7], $0x80, s3, s7, $0xb8;
	[tilespmem:$0xF600] =	vst v63  }
0x25c: {  	_ =	swait.ge [sflag:s17], $0x3800  }
0x25d: {  	[sflag:s17] =	ssyncset.done $0x0  }
0x25e: {  	s22 =	simm.s32 $0xB70;
	[sflag:s17] =	ssyncadd.s32 $0xFFFFC800  }
0x25f: {  	[tilespmem:s15], [sflag:$0x4] =	stream.indirect.gather.add.f32 [hbm:s1], $0x80, s22, s7, $0xb8;
	[tilespmem:$0xF600] =	vst v63  }
0x260: {  	s20 =	simm.s32 $0xBE0  }
0x261: {  	[tilespmem:s15], [sflag:$0x4] =	stream.indirect.gather.add.f32 [hbm:s1], $0x80, s20, s7, $0xb8;
	[tilespmem:$0xF600] =	vst v63  }
0x262: {  	s21 =	simm.s32 $0xC50  }
0x263: {  	[tilespmem:s15], [sflag:$0x4] =	stream.indirect.gather.add.f32 [hbm:s1], $0x80, s21, s7, $0xb8;
	[tilespmem:$0xF600] =	vst v63  }
0x264: {  	s22 =	simm.s32 $0xCC0  }
0x265: {  	[tilespmem:s15], [sflag:$0x4] =	stream.indirect.gather.add.f32 [hbm:s1], $0x80, s22, s7, $0xb8;
	[tilespmem:$0xF600] =	vst v63  }
0x266: {  	s20 =	simm.s32 $0xD30  }
0x267: {  	[tilespmem:s15], [sflag:$0x4] =	stream.indirect.gather.add.f32 [hbm:s1], $0x80, s20, s7, $0xb8;
	[tilespmem:$0xF600] =	vst v63  }
0x268: {  	s21 =	simm.s32 $0xDA0  }
0x269: {  	[tilespmem:s15], [sflag:$0x4] =	stream.indirect.gather.add.f32 [hbm:s1], $0x80, s21, s7, $0xb8;
	[tilespmem:$0xF600] =	vst v63  }
0x26a: {  	s22 =	simm.s32 $0xE10  }
0x26b: {  	[tilespmem:s15], [sflag:$0x4] =	stream.indirect.gather.add.f32 [hbm:s1], $0x80, s22, s7, $0xb8;
	[tilespmem:$0xF600] =	vst v63  }
0x26c: {  	s20 =	simm.s32 $0xE80  }
0x26d: {  	[tilespmem:s15], [sflag:$0x4] =	stream.indirect.gather.add.f32 [hbm:s1], $0x80, s20, s7, $0xb8;
	[tilespmem:$0xF600] =	vst v63  }
0x26e: {  	s21 =	simm.s32 $0xEF0  }
0x26f: {  	[tilespmem:s15], [sflag:$0x4] =	stream.indirect.gather.add.f32 [hbm:s1], $0x80, s21, s7, $0xb8;
	[tilespmem:$0xF600] =	vst v63  }
0x270: {  	s22 =	simm.s32 $0xF60  }
0x271: {  	[tilespmem:s15], [sflag:$0x4] =	stream.indirect.gather.add.f32 [hbm:s1], $0x80, s22, s7, $0xb8;
	[tilespmem:$0xF600] =	vst v63  }
0x272: {  	s20 =	simm.s32 $0xFD0  }
0x273: {  	[tilespmem:s15], [sflag:$0x4] =	stream.indirect.gather.add.f32 [hbm:s1], $0x80, s20, s7, $0xb8;
	[tilespmem:$0xF600] =	vst v63  }
0x274: {  	s21 =	simm.s32 $0x1040  }
0x275: {  	[tilespmem:s15], [sflag:$0x4] =	stream.indirect.gather.add.f32 [hbm:s1], $0x80, s21, s7, $0xb8;
	[tilespmem:$0xF600] =	vst v63  }
0x276: {  	s22 =	simm.s32 $0x10B0  }
0x277: {  	[tilespmem:s15], [sflag:$0x4] =	stream.indirect.gather.add.f32 [hbm:s1], $0x80, s22, s7, $0xb8;
	[tilespmem:$0xF600] =	vst v63  }
0x278: {  	s20 =	simm.s32 $0x1120  }
0x279: {  	[tilespmem:s15], [sflag:$0x4] =	stream.indirect.gather.add.f32 [hbm:s1], $0x80, s20, s7, $0xb8;
	[tilespmem:$0xF600] =	vst v63  }
0x27a: {  	s21 =	simm.s32 $0x1190  }
0x27b: {  	[tilespmem:s15], [sflag:$0x4] =	stream.indirect.gather.add.f32 [hbm:s1], $0x80, s21, s7, $0xb8;
	[tilespmem:$0xF600] =	vst v63  }
0x27c: {  	s22 =	simm.s32 $0x1200  }
0x27d: {  	[tilespmem:s15], [sflag:$0x4] =	stream.indirect.gather.add.f32 [hbm:s1], $0x80, s22, s7, $0xb8;
	[tilespmem:$0xF600] =	vst v63  }
0x27e: {  	s20 =	simm.s32 $0x1270  }
0x27f: {  	[tilespmem:s15], [sflag:$0x4] =	stream.indirect.gather.add.f32 [hbm:s1], $0x80, s20, s7, $0xb8;
	[tilespmem:$0xF600] =	vst v63  }
0x280: {  	s21 =	simm.s32 $0x12E0  }
0x281: {  	[tilespmem:s15], [sflag:$0x4] =	stream.indirect.gather.add.f32 [hbm:s1], $0x80, s21, s7, $0xb8;
	[tilespmem:$0xF600] =	vst v63  }
0x282: {  	s22 =	simm.s32 $0x1350  }
0x283: {  	[tilespmem:s15], [sflag:$0x4] =	stream.indirect.gather.add.f32 [hbm:s1], $0x80, s22, s7, $0xb8;
	[tilespmem:$0xF600] =	vst v63  }
0x284: {  	s20 =	simm.s32 $0x13C0  }
0x285: {  	[tilespmem:s15], [sflag:$0x4] =	stream.indirect.gather.add.f32 [hbm:s1], $0x80, s20, s7, $0xb8;
	[tilespmem:$0xF600] =	vst v63  }
0x286: {  	s21 =	simm.s32 $0x1430  }
0x287: {  	[tilespmem:s15], [sflag:$0x4] =	stream.indirect.gather.add.f32 [hbm:s1], $0x80, s21, s7, $0xb8;
	[tilespmem:$0xF600] =	vst v63  }
0x288: {  	s22 =	simm.s32 $0x14A0  }
0x289: {  	[tilespmem:s15], [sflag:$0x4] =	stream.indirect.gather.add.f32 [hbm:s1], $0x80, s22, s7, $0xb8;
	[tilespmem:$0xF600] =	vst v63  }
0x28a: {  	s20 =	simm.s32 $0x1510  }
0x28b: {  	[tilespmem:s15], [sflag:$0x4] =	stream.indirect.gather.add.f32 [hbm:s1], $0x80, s20, s7, $0xb8;
	[tilespmem:$0xF600] =	vst v63  }
0x28c: {  	s21 =	simm.s32 $0x1580  }
0x28d: {  	[tilespmem:s15], [sflag:$0x4] =	stream.indirect.gather.add.f32 [hbm:s1], $0x80, s21, s7, $0xb8;
	[tilespmem:$0xF600] =	vst v63  }
0x28e: {  	_ =	swait.ge [sflag:s14], $0x3800  }
0x28f: {  	[sflag:s14] =	ssyncset.done $0x0  }
0x290: {  	[sflag:s14] =	ssyncadd.s32 $0xFFFFC800  }
0x291: {  	_ =	swait.ge [sflag:s14], $0x3800  }
0x292: {  	[sflag:s14] =	ssyncset.done $0x0  }
0x293: {  	[sflag:s14] =	ssyncadd.s32 $0xFFFFC800  }
0x294: {  	_ =	swait.ge [sflag:s14], $0x3800  }
0x295: {  	[sflag:s14] =	ssyncset.done $0x0  }
0x296: {  	[sflag:s14] =	ssyncadd.s32 $0xFFFFC800  }
0x297: {  	_ =	swait.ge [sflag:s14], $0x3800  }
0x298: {  	[sflag:s14] =	ssyncset.done $0x0  }
0x299: {  	[sflag:s14] =	ssyncadd.s32 $0xFFFFC800  }
0x29a: {  	_ =	swait.ge [sflag:s14], $0x3800  }
0x29b: {  	[sflag:s14] =	ssyncset.done $0x0  }
0x29c: {  	[sflag:s14] =	ssyncadd.s32 $0xFFFFC800  }
0x29d: {  	_ =	swait.ge [sflag:s14], $0x3800  }
0x29e: {  	[sflag:s14] =	ssyncset.done $0x0  }
0x29f: {  	[sflag:s14] =	ssyncadd.s32 $0xFFFFC800  }
0x2a0: {  	_ =	swait.ge [sflag:s14], $0x3800  }
0x2a1: {  	[sflag:s14] =	ssyncset.done $0x0  }
0x2a2: {  	[sflag:s14] =	ssyncadd.s32 $0xFFFFC800  }
0x2a3: {  	_ =	swait.ge [sflag:s14], $0x3800  }
0x2a4: {  	[sflag:s14] =	ssyncset.done $0x0  }
0x2a5: {  	[sflag:s14] =	ssyncadd.s32 $0xFFFFC800  }
0x2a6: {  	_ =	swait.ge [sflag:s14], $0x3800  }
0x2a7: {  	[sflag:s14] =	ssyncset.done $0x0  }
0x2a8: {  	[sflag:s14] =	ssyncadd.s32 $0xFFFFC800  }
0x2a9: {  	_ =	swait.ge [sflag:s14], $0x3800  }
0x2aa: {  	[sflag:s14] =	ssyncset.done $0x0  }
0x2ab: {  	[sflag:s14] =	ssyncadd.s32 $0xFFFFC800  }
0x2ac: {  	_ =	swait.ge [sflag:s14], $0x3800  }
0x2ad: {  	[sflag:s14] =	ssyncset.done $0x0  }
0x2ae: {  	[sflag:s14] =	ssyncadd.s32 $0xFFFFC800  }
0x2af: {  	_ =	swait.ge [sflag:s14], $0x3800  }
0x2b0: {  	[sflag:s14] =	ssyncset.done $0x0  }
0x2b1: {  	[sflag:s14] =	ssyncadd.s32 $0xFFFFC800  }
0x2b2: {  	_ =	swait.ge [sflag:s14], $0x3800  }
0x2b3: {  	[sflag:s14] =	ssyncset.done $0x0  }
0x2b4: {  	[sflag:s14] =	ssyncadd.s32 $0xFFFFC800  }
0x2b5: {  	_ =	swait.ge [sflag:s14], $0x3800  }
0x2b6: {  	[sflag:s14] =	ssyncset.done $0x0  }
0x2b7: {  	[sflag:s14] =	ssyncadd.s32 $0xFFFFC800  }
0x2b8: {  	_ =	swait.ge [sflag:s14], $0x3800  }
0x2b9: {  	[sflag:s14] =	ssyncset.done $0x0  }
0x2ba: {  	[sflag:s14] =	ssyncadd.s32 $0xFFFFC800  }
0x2bb: {  	_ =	swait.ge [sflag:s14], $0x3800  }
0x2bc: {  	[sflag:s14] =	ssyncset.done $0x0  }
0x2bd: {  	[sflag:s14] =	ssyncadd.s32 $0xFFFFC800  }
0x2be: {  	_ =	swait.ge [sflag:s14], $0x3800  }
0x2bf: {  	[sflag:s14] =	ssyncset.done $0x0  }
0x2c0: {  	[sflag:s14] =	ssyncadd.s32 $0xFFFFC800  }
0x2c1: {  	_ =	swait.ge [sflag:s14], $0x3800  }
0x2c2: {  	[sflag:s14] =	ssyncset.done $0x0  }
0x2c3: {  	[sflag:s14] =	ssyncadd.s32 $0xFFFFC800  }
0x2c4: {  	_ =	swait.ge [sflag:s14], $0x3800  }
0x2c5: {  	[sflag:s14] =	ssyncset.done $0x0  }
0x2c6: {  	[sflag:s14] =	ssyncadd.s32 $0xFFFFC800  }
0x2c7: {  	_ =	swait.ge [sflag:s14], $0x3800  }
0x2c8: {  	[sflag:s14] =	ssyncset.done $0x0  }
0x2c9: {  	[sflag:s14] =	ssyncadd.s32 $0xFFFFC800  }
0x2ca: {  	_ =	swait.ge [sflag:s14], $0x3800  }
0x2cb: {  	[sflag:s14] =	ssyncset.done $0x0  }
0x2cc: {  	[sflag:s14] =	ssyncadd.s32 $0xFFFFC800  }
0x2cd: {  	_ =	swait.ge [sflag:s14], $0x3800  }
0x2ce: {  	[sflag:s14] =	ssyncset.done $0x0  }
0x2cf: {  	[sflag:s14] =	ssyncadd.s32 $0xFFFFC800  }
0x2d0: {  	_ =	swait.ge [sflag:s14], $0x3800  }
0x2d1: {  	[sflag:s14] =	ssyncset.done $0x0  }
0x2d2: {  	[sflag:s14] =	ssyncadd.s32 $0xFFFFC800  }
0x2d3: {  	_ =	swait.ge [sflag:s14], $0x3800  }
0x2d4: {  	[sflag:s14] =	ssyncset.done $0x0;
	s20 =	rddreg [dreg:$0xd]  }
0x2d5: {  	s22 =	simm.s32 $0x0;
	s21 =	rddreg [dreg:$0x1f];
	[sflag:s14] =	ssyncadd.s32 $0xFFFFC800  }
0x2d6: {  	[hbm4b:s20+s22] =	stream.linear.scatter [tilespmem:s13], [sflag:$0x7], $0x3800, $0x38;
	[tilespmem:$0xF600] =	vst v63  }
0x2d7: {  	s3 =	simm.s32 $0x1C0;
	s22 =	simm.s32 $0x0;
	s20 =	sadd.s32 $0xC80, s21  }
.LBB2_26:
0x2d8: {  	[tilespmem:s22], [sflag:$0x9] =	stream.linear.gather [hbm4b:s21+s4], $0x70, $0x38;
	[tilespmem:$0xF600] =	vst v63  }
0x2d9: {  	s22 =	smov.u32 s3;
	s21 =	smov.u32 s20;
	p1 =	sne.s32 s3, $0x2A00  }
.Ltmp7:
0x2da: {  	s3 =	sadd.s32 $0x1C0, s3;
	(pc) =	sbr.rel @p1 .LBB2_26-.Ltmp7, $2  }
0x2db: {  	_ =	sdelay $0x2  }
0x2dc: {  	s20 =	sadd.s32 $0xC80, s20;
	s22 =	sshra.s32 s22, $0x2  }
0x2dd: {  	[tilespmem:s22], [sflag:$0x9] =	stream.linear.gather [hbm4b:s21+s4], $0x70, $0x38;
	[tilespmem:$0xF600] =	vst v63  }
0x2de: {  	_ =	swait.ge [sflag:s6], $0xAF0  }
0x2df: {  	[sflag:s6] =	ssyncset.done $0x0  }
0x2e0: {  	[sflag:s6] =	ssyncadd.s32 $0xFFFFF510  }
0x2e1: {  	_ =	swait.ge [sflag:s9], $0x3800  }
0x2e2: {  	[sflag:s9] =	ssyncset.done $0x0  }
0x2e3: {  	s3 =	simm.s32 $0x0;
	[sflag:s9] =	ssyncadd.s32 $0xFFFFC800  }
0x2e4: {  	[tilespmem:s8], [sflag:$0x1] =	stream.indirect.gather [hbm4b:s1+s7], $0x80, s3, s7, $0xb8;
	[tilespmem:$0xF600] =	vst v63  }
0x2e5: {  	_ =	swait.ge [sflag:s10], $0x3800  }
0x2e6: {  	[sflag:s10] =	ssyncset.done $0x0  }
0x2e7: {  	[sflag:s10] =	ssyncadd.s32 $0xFFFFC800  }
0x2e8: {  	[tilespmem:s8], [sflag:$0x1] =	stream.indirect.gather.add.f32 [hbm:s1], $0x80, s7, s7, $0xb8;
	[tilespmem:$0xF600] =	vst v63  }
0x2e9: {  	s20 =	simm.s32 $0xE0  }
0x2ea: {  	[tilespmem:s8], [sflag:$0x1] =	stream.indirect.gather.add.f32 [hbm:s1], $0x80, s20, s7, $0xb8;
	[tilespmem:$0xF600] =	vst v63  }
0x2eb: {  	s21 =	simm.s32 $0x150  }
0x2ec: {  	[tilespmem:s8], [sflag:$0x1] =	stream.indirect.gather.add.f32 [hbm:s1], $0x80, s21, s7, $0xb8;
	[tilespmem:$0xF600] =	vst v63  }
0x2ed: {  	s22 =	simm.s32 $0x1C0  }
0x2ee: {  	[tilespmem:s8], [sflag:$0x1] =	stream.indirect.gather.add.f32 [hbm:s1], $0x80, s22, s7, $0xb8;
	[tilespmem:$0xF600] =	vst v63  }
0x2ef: {  	s21 =	simm.s32 $0x230  }
0x2f0: {  	[tilespmem:s8], [sflag:$0x1] =	stream.indirect.gather.add.f32 [hbm:s1], $0x80, s21, s7, $0xb8;
	[tilespmem:$0xF600] =	vst v63  }
0x2f1: {  	s22 =	simm.s32 $0x2A0  }
0x2f2: {  	[tilespmem:s8], [sflag:$0x1] =	stream.indirect.gather.add.f32 [hbm:s1], $0x80, s22, s7, $0xb8;
	[tilespmem:$0xF600] =	vst v63  }
0x2f3: {  	s21 =	simm.s32 $0x310  }
0x2f4: {  	[tilespmem:s8], [sflag:$0x1] =	stream.indirect.gather.add.f32 [hbm:s1], $0x80, s21, s7, $0xb8;
	[tilespmem:$0xF600] =	vst v63  }
0x2f5: {  	s22 =	simm.s32 $0x380  }
0x2f6: {  	[tilespmem:s8], [sflag:$0x1] =	stream.indirect.gather.add.f32 [hbm:s1], $0x80, s22, s7, $0xb8;
	[tilespmem:$0xF600] =	vst v63  }
0x2f7: {  	s21 =	simm.s32 $0x3F0  }
0x2f8: {  	[tilespmem:s8], [sflag:$0x1] =	stream.indirect.gather.add.f32 [hbm:s1], $0x80, s21, s7, $0xb8;
	[tilespmem:$0xF600] =	vst v63  }
0x2f9: {  	s22 =	simm.s32 $0x460  }
0x2fa: {  	[tilespmem:s8], [sflag:$0x1] =	stream.indirect.gather.add.f32 [hbm:s1], $0x80, s22, s7, $0xb8;
	[tilespmem:$0xF600] =	vst v63  }
0x2fb: {  	s21 =	simm.s32 $0x4D0  }
0x2fc: {  	[tilespmem:s8], [sflag:$0x1] =	stream.indirect.gather.add.f32 [hbm:s1], $0x80, s21, s7, $0xb8;
	[tilespmem:$0xF600] =	vst v63  }
0x2fd: {  	s22 =	simm.s32 $0x540  }
0x2fe: {  	[tilespmem:s8], [sflag:$0x1] =	stream.indirect.gather.add.f32 [hbm:s1], $0x80, s22, s7, $0xb8;
	[tilespmem:$0xF600] =	vst v63  }
0x2ff: {  	s21 =	simm.s32 $0x5B0  }
0x300: {  	[tilespmem:s8], [sflag:$0x1] =	stream.indirect.gather.add.f32 [hbm:s1], $0x80, s21, s7, $0xb8;
	[tilespmem:$0xF600] =	vst v63  }
0x301: {  	s22 =	simm.s32 $0x620  }
0x302: {  	[tilespmem:s8], [sflag:$0x1] =	stream.indirect.gather.add.f32 [hbm:s1], $0x80, s22, s7, $0xb8;
	[tilespmem:$0xF600] =	vst v63  }
0x303: {  	_ = 	snop  }
0x304: {  	[tilespmem:s8], [sflag:$0x1] =	stream.indirect.gather.add.f32 [hbm:s1], $0x80, s23, s7, $0xb8;
	[tilespmem:$0xF600] =	vst v63  }
0x305: {  	_ = 	snop  }
0x306: {  	[tilespmem:s8], [sflag:$0x1] =	stream.indirect.gather.add.f32 [hbm:s1], $0x80, s24, s7, $0xb8;
	[tilespmem:$0xF600] =	vst v63  }
0x307: {  	_ = 	snop  }
0x308: {  	[tilespmem:s8], [sflag:$0x1] =	stream.indirect.gather.add.f32 [hbm:s1], $0x80, s25, s7, $0xb8;
	[tilespmem:$0xF600] =	vst v63  }
0x309: {  	_ = 	snop  }
0x30a: {  	[tilespmem:s8], [sflag:$0x1] =	stream.indirect.gather.add.f32 [hbm:s1], $0x80, s26, s7, $0xb8;
	[tilespmem:$0xF600] =	vst v63  }
0x30b: {  	_ = 	snop  }
0x30c: {  	[tilespmem:s8], [sflag:$0x1] =	stream.indirect.gather.add.f32 [hbm:s1], $0x80, s28, s7, $0xb8;
	[tilespmem:$0xF600] =	vst v63  }
0x30d: {  	_ = 	snop  }
0x30e: {  	[tilespmem:s8], [sflag:$0x1] =	stream.indirect.gather.add.f32 [hbm:s1], $0x80, s29, s7, $0xb8;
	[tilespmem:$0xF600] =	vst v63  }
0x30f: {  	_ = 	snop  }
0x310: {  	[tilespmem:s8], [sflag:$0x1] =	stream.indirect.gather.add.f32 [hbm:s1], $0x80, s30, s7, $0xb8;
	[tilespmem:$0xF600] =	vst v63  }
0x311: {  	_ = 	snop  }
0x312: {  	[tilespmem:s8], [sflag:$0x1] =	stream.indirect.gather.add.f32 [hbm:s1], $0x80, s31, s7, $0xb8;
	[tilespmem:$0xF600] =	vst v63  }
0x313: {  	_ = 	snop  }
0x314: {  	[tilespmem:s8], [sflag:$0x1] =	stream.indirect.gather.add.f32 [hbm:s1], $0x80, s0, s7, $0xb8;
	[tilespmem:$0xF600] =	vst v63  }
0x315: {  	_ = 	snop  }
0x316: {  	[tilespmem:s8], [sflag:$0x1] =	stream.indirect.gather.add.f32 [hbm:s1], $0x80, s2, s7, $0xb8;
	[tilespmem:$0xF600] =	vst v63  }
0x317: {  	_ =	swait.ge [sflag:s17], $0x3800  }
0x318: {  	[sflag:s17] =	ssyncset.done $0x0  }
0x319: {  	[sflag:s17] =	ssyncadd.s32 $0xFFFFC800  }
0x31a: {  	_ =	swait.ge [sflag:s17], $0x3800  }
0x31b: {  	[sflag:s17] =	ssyncset.done $0x0  }
0x31c: {  	[sflag:s17] =	ssyncadd.s32 $0xFFFFC800  }
0x31d: {  	_ =	swait.ge [sflag:s17], $0x3800  }
0x31e: {  	[sflag:s17] =	ssyncset.done $0x0  }
0x31f: {  	[sflag:s17] =	ssyncadd.s32 $0xFFFFC800  }
0x320: {  	_ =	swait.ge [sflag:s17], $0x3800  }
0x321: {  	[sflag:s17] =	ssyncset.done $0x0  }
0x322: {  	[sflag:s17] =	ssyncadd.s32 $0xFFFFC800  }
0x323: {  	_ =	swait.ge [sflag:s17], $0x3800  }
0x324: {  	[sflag:s17] =	ssyncset.done $0x0  }
0x325: {  	[sflag:s17] =	ssyncadd.s32 $0xFFFFC800  }
0x326: {  	_ =	swait.ge [sflag:s17], $0x3800  }
0x327: {  	[sflag:s17] =	ssyncset.done $0x0  }
0x328: {  	[sflag:s17] =	ssyncadd.s32 $0xFFFFC800  }
0x329: {  	_ =	swait.ge [sflag:s17], $0x3800  }
0x32a: {  	[sflag:s17] =	ssyncset.done $0x0  }
0x32b: {  	[sflag:s17] =	ssyncadd.s32 $0xFFFFC800  }
0x32c: {  	_ =	swait.ge [sflag:s17], $0x3800  }
0x32d: {  	[sflag:s17] =	ssyncset.done $0x0  }
0x32e: {  	[sflag:s17] =	ssyncadd.s32 $0xFFFFC800  }
0x32f: {  	_ =	swait.ge [sflag:s17], $0x3800  }
0x330: {  	[sflag:s17] =	ssyncset.done $0x0  }
0x331: {  	[sflag:s17] =	ssyncadd.s32 $0xFFFFC800  }
0x332: {  	_ =	swait.ge [sflag:s17], $0x3800  }
0x333: {  	[sflag:s17] =	ssyncset.done $0x0  }
0x334: {  	[sflag:s17] =	ssyncadd.s32 $0xFFFFC800  }
0x335: {  	_ =	swait.ge [sflag:s17], $0x3800  }
0x336: {  	[sflag:s17] =	ssyncset.done $0x0  }
0x337: {  	[sflag:s17] =	ssyncadd.s32 $0xFFFFC800  }
0x338: {  	_ =	swait.ge [sflag:s17], $0x3800  }
0x339: {  	[sflag:s17] =	ssyncset.done $0x0  }
0x33a: {  	[sflag:s17] =	ssyncadd.s32 $0xFFFFC800  }
0x33b: {  	_ =	swait.ge [sflag:s17], $0x3800  }
0x33c: {  	[sflag:s17] =	ssyncset.done $0x0  }
0x33d: {  	[sflag:s17] =	ssyncadd.s32 $0xFFFFC800  }
0x33e: {  	_ =	swait.ge [sflag:s17], $0x3800  }
0x33f: {  	[sflag:s17] =	ssyncset.done $0x0  }
0x340: {  	[sflag:s17] =	ssyncadd.s32 $0xFFFFC800  }
0x341: {  	_ =	swait.ge [sflag:s17], $0x3800  }
0x342: {  	[sflag:s17] =	ssyncset.done $0x0  }
0x343: {  	[sflag:s17] =	ssyncadd.s32 $0xFFFFC800  }
0x344: {  	_ =	swait.ge [sflag:s17], $0x3800  }
0x345: {  	[sflag:s17] =	ssyncset.done $0x0  }
0x346: {  	[sflag:s17] =	ssyncadd.s32 $0xFFFFC800  }
0x347: {  	_ =	swait.ge [sflag:s17], $0x3800  }
0x348: {  	[sflag:s17] =	ssyncset.done $0x0  }
0x349: {  	[sflag:s17] =	ssyncadd.s32 $0xFFFFC800  }
0x34a: {  	_ =	swait.ge [sflag:s17], $0x3800  }
0x34b: {  	[sflag:s17] =	ssyncset.done $0x0  }
0x34c: {  	[sflag:s17] =	ssyncadd.s32 $0xFFFFC800  }
0x34d: {  	_ =	swait.ge [sflag:s17], $0x3800  }
0x34e: {  	[sflag:s17] =	ssyncset.done $0x0  }
0x34f: {  	[sflag:s17] =	ssyncadd.s32 $0xFFFFC800  }
0x350: {  	_ =	swait.ge [sflag:s17], $0x3800  }
0x351: {  	[sflag:s17] =	ssyncset.done $0x0  }
0x352: {  	[sflag:s17] =	ssyncadd.s32 $0xFFFFC800  }
0x353: {  	_ =	swait.ge [sflag:s17], $0x3800  }
0x354: {  	[sflag:s17] =	ssyncset.done $0x0  }
0x355: {  	[sflag:s17] =	ssyncadd.s32 $0xFFFFC800  }
0x356: {  	_ =	swait.ge [sflag:s17], $0x3800  }
0x357: {  	[sflag:s17] =	ssyncset.done $0x0  }
0x358: {  	[sflag:s17] =	ssyncadd.s32 $0xFFFFC800  }
0x359: {  	_ =	swait.ge [sflag:s17], $0x3800  }
0x35a: {  	[sflag:s17] =	ssyncset.done $0x0  }
0x35b: {  	[sflag:s17] =	ssyncadd.s32 $0xFFFFC800  }
0x35c: {  	_ =	swait.ge [sflag:s17], $0x3800  }
0x35d: {  	[sflag:s17] =	ssyncset.done $0x0;
	s21 =	rddreg [dreg:$0xe]  }
0x35e: {  	s20 =	sld [smem:$0x7FD];
	[sflag:s17] =	ssyncadd.s32 $0xFFFFC800  }
0x35f: {  	[hbm4b:s21+s3] =	stream.linear.scatter [tilespmem:s15], [sflag:$0x8], $0x3800, $0x38;
	[tilespmem:$0xF600] =	vst v63  }
0x360: {  	s22 =	simm.s32 $0xB00;
	s3 =	simm.s32 $0x1C0  }
0x361: {  	[tilespmem:s22], [sflag:$0xA] =	stream.linear.gather [hbm4b:s20+s4], $0x70, $0x38;
	[tilespmem:$0xF600] =	vst v63  }
.LBB2_28:
0x362: {  	p1 =	sne.s32 s3, $0x2A00  }
.Ltmp8:
0x363: {  	_ = 	snop;
	(pc) =	sbr.rel @p1 .LBB2_28-.Ltmp8, $4  }
0x364: {  	_ = 	snop  }
0x365: {  	s21 =	sshra.s32 s3, $0x2;
	s3 =	sadd.s32 $0x1C0, s3  }
0x366: {  	s20 =	sadd.s32 $0xC80, s20;
	s21 =	sadd.s32 $0xB00, s21  }
0x367: {  	[tilespmem:s21], [sflag:$0xA] =	stream.linear.gather [hbm4b:s20+s4], $0x70, $0x38;
	[tilespmem:$0xF600] =	vst v63  }
0x368: {  	_ =	swait.ge [sflag:s5], $0xAF0  }
0x369: {  	[sflag:s5] =	ssyncset.done $0x0  }
0x36a: {  	[sflag:s5] =	ssyncadd.s32 $0xFFFFF510  }
0x36b: {  	_ =	swait.ge [sflag:s11], $0x3800  }
0x36c: {  	[sflag:s11] =	ssyncset.done $0x0  }
0x36d: {  	s3 =	simm.s32 $0xB00;
	[sflag:s11] =	ssyncadd.s32 $0xFFFFC800  }
0x36e: {  	[tilespmem:s19], [sflag:$0x2] =	stream.indirect.gather [hbm4b:s1+s7], $0x80, s3, s7, $0xb8;
	[tilespmem:$0xF600] =	vst v63  }
0x36f: {  	_ =	swait.ge [sflag:s12], $0x3800  }
0x370: {  	[sflag:s12] =	ssyncset.done $0x0  }
0x371: {  	s22 =	simm.s32 $0xB70;
	[sflag:s12] =	ssyncadd.s32 $0xFFFFC800  }
0x372: {  	[tilespmem:s19], [sflag:$0x2] =	stream.indirect.gather.add.f32 [hbm:s1], $0x80, s22, s7, $0xb8;
	[tilespmem:$0xF600] =	vst v63  }
0x373: {  	s20 =	simm.s32 $0xBE0  }
0x374: {  	[tilespmem:s19], [sflag:$0x2] =	stream.indirect.gather.add.f32 [hbm:s1], $0x80, s20, s7, $0xb8;
	[tilespmem:$0xF600] =	vst v63  }
0x375: {  	s21 =	simm.s32 $0xC50  }
0x376: {  	[tilespmem:s19], [sflag:$0x2] =	stream.indirect.gather.add.f32 [hbm:s1], $0x80, s21, s7, $0xb8;
	[tilespmem:$0xF600] =	vst v63  }
0x377: {  	s22 =	simm.s32 $0xCC0  }
0x378: {  	[tilespmem:s19], [sflag:$0x2] =	stream.indirect.gather.add.f32 [hbm:s1], $0x80, s22, s7, $0xb8;
	[tilespmem:$0xF600] =	vst v63  }
0x379: {  	s20 =	simm.s32 $0xD30  }
0x37a: {  	[tilespmem:s19], [sflag:$0x2] =	stream.indirect.gather.add.f32 [hbm:s1], $0x80, s20, s7, $0xb8;
	[tilespmem:$0xF600] =	vst v63  }
0x37b: {  	s21 =	simm.s32 $0xDA0  }
0x37c: {  	[tilespmem:s19], [sflag:$0x2] =	stream.indirect.gather.add.f32 [hbm:s1], $0x80, s21, s7, $0xb8;
	[tilespmem:$0xF600] =	vst v63  }
0x37d: {  	s22 =	simm.s32 $0xE10  }
0x37e: {  	[tilespmem:s19], [sflag:$0x2] =	stream.indirect.gather.add.f32 [hbm:s1], $0x80, s22, s7, $0xb8;
	[tilespmem:$0xF600] =	vst v63  }
0x37f: {  	s20 =	simm.s32 $0xE80  }
0x380: {  	[tilespmem:s19], [sflag:$0x2] =	stream.indirect.gather.add.f32 [hbm:s1], $0x80, s20, s7, $0xb8;
	[tilespmem:$0xF600] =	vst v63  }
0x381: {  	s21 =	simm.s32 $0xEF0  }
0x382: {  	[tilespmem:s19], [sflag:$0x2] =	stream.indirect.gather.add.f32 [hbm:s1], $0x80, s21, s7, $0xb8;
	[tilespmem:$0xF600] =	vst v63  }
0x383: {  	s22 =	simm.s32 $0xF60  }
0x384: {  	[tilespmem:s19], [sflag:$0x2] =	stream.indirect.gather.add.f32 [hbm:s1], $0x80, s22, s7, $0xb8;
	[tilespmem:$0xF600] =	vst v63  }
0x385: {  	s20 =	simm.s32 $0xFD0  }
0x386: {  	[tilespmem:s19], [sflag:$0x2] =	stream.indirect.gather.add.f32 [hbm:s1], $0x80, s20, s7, $0xb8;
	[tilespmem:$0xF600] =	vst v63  }
0x387: {  	s21 =	simm.s32 $0x1040  }
0x388: {  	[tilespmem:s19], [sflag:$0x2] =	stream.indirect.gather.add.f32 [hbm:s1], $0x80, s21, s7, $0xb8;
	[tilespmem:$0xF600] =	vst v63  }
0x389: {  	s22 =	simm.s32 $0x10B0  }
0x38a: {  	[tilespmem:s19], [sflag:$0x2] =	stream.indirect.gather.add.f32 [hbm:s1], $0x80, s22, s7, $0xb8;
	[tilespmem:$0xF600] =	vst v63  }
0x38b: {  	s20 =	simm.s32 $0x1120  }
0x38c: {  	[tilespmem:s19], [sflag:$0x2] =	stream.indirect.gather.add.f32 [hbm:s1], $0x80, s20, s7, $0xb8;
	[tilespmem:$0xF600] =	vst v63  }
0x38d: {  	s21 =	simm.s32 $0x1190  }
0x38e: {  	[tilespmem:s19], [sflag:$0x2] =	stream.indirect.gather.add.f32 [hbm:s1], $0x80, s21, s7, $0xb8;
	[tilespmem:$0xF600] =	vst v63  }
0x38f: {  	s22 =	simm.s32 $0x1200  }
0x390: {  	[tilespmem:s19], [sflag:$0x2] =	stream.indirect.gather.add.f32 [hbm:s1], $0x80, s22, s7, $0xb8;
	[tilespmem:$0xF600] =	vst v63  }
0x391: {  	s20 =	simm.s32 $0x1270  }
0x392: {  	[tilespmem:s19], [sflag:$0x2] =	stream.indirect.gather.add.f32 [hbm:s1], $0x80, s20, s7, $0xb8;
	[tilespmem:$0xF600] =	vst v63  }
0x393: {  	s21 =	simm.s32 $0x12E0  }
0x394: {  	[tilespmem:s19], [sflag:$0x2] =	stream.indirect.gather.add.f32 [hbm:s1], $0x80, s21, s7, $0xb8;
	[tilespmem:$0xF600] =	vst v63  }
0x395: {  	s22 =	simm.s32 $0x1350  }
0x396: {  	[tilespmem:s19], [sflag:$0x2] =	stream.indirect.gather.add.f32 [hbm:s1], $0x80, s22, s7, $0xb8;
	[tilespmem:$0xF600] =	vst v63  }
0x397: {  	s20 =	simm.s32 $0x13C0  }
0x398: {  	[tilespmem:s19], [sflag:$0x2] =	stream.indirect.gather.add.f32 [hbm:s1], $0x80, s20, s7, $0xb8;
	[tilespmem:$0xF600] =	vst v63  }
0x399: {  	s21 =	simm.s32 $0x1430  }
0x39a: {  	[tilespmem:s19], [sflag:$0x2] =	stream.indirect.gather.add.f32 [hbm:s1], $0x80, s21, s7, $0xb8;
	[tilespmem:$0xF600] =	vst v63  }
0x39b: {  	s22 =	simm.s32 $0x14A0  }
0x39c: {  	[tilespmem:s19], [sflag:$0x2] =	stream.indirect.gather.add.f32 [hbm:s1], $0x80, s22, s7, $0xb8;
	[tilespmem:$0xF600] =	vst v63  }
0x39d: {  	s20 =	simm.s32 $0x1510  }
0x39e: {  	[tilespmem:s19], [sflag:$0x2] =	stream.indirect.gather.add.f32 [hbm:s1], $0x80, s20, s7, $0xb8;
	[tilespmem:$0xF600] =	vst v63  }
0x39f: {  	s21 =	simm.s32 $0x1580  }
0x3a0: {  	[tilespmem:s19], [sflag:$0x2] =	stream.indirect.gather.add.f32 [hbm:s1], $0x80, s21, s7, $0xb8;
	[tilespmem:$0xF600] =	vst v63  }
0x3a1: {  	_ =	swait.ge [sflag:s10], $0x3800  }
0x3a2: {  	[sflag:s10] =	ssyncset.done $0x0  }
0x3a3: {  	[sflag:s10] =	ssyncadd.s32 $0xFFFFC800  }
0x3a4: {  	_ =	swait.ge [sflag:s10], $0x3800  }
0x3a5: {  	[sflag:s10] =	ssyncset.done $0x0  }
0x3a6: {  	[sflag:s10] =	ssyncadd.s32 $0xFFFFC800  }
0x3a7: {  	_ =	swait.ge [sflag:s10], $0x3800  }
0x3a8: {  	[sflag:s10] =	ssyncset.done $0x0  }
0x3a9: {  	[sflag:s10] =	ssyncadd.s32 $0xFFFFC800  }
0x3aa: {  	_ =	swait.ge [sflag:s10], $0x3800  }
0x3ab: {  	[sflag:s10] =	ssyncset.done $0x0  }
0x3ac: {  	[sflag:s10] =	ssyncadd.s32 $0xFFFFC800  }
0x3ad: {  	_ =	swait.ge [sflag:s10], $0x3800  }
0x3ae: {  	[sflag:s10] =	ssyncset.done $0x0  }
0x3af: {  	[sflag:s10] =	ssyncadd.s32 $0xFFFFC800  }
0x3b0: {  	_ =	swait.ge [sflag:s10], $0x3800  }
0x3b1: {  	[sflag:s10] =	ssyncset.done $0x0  }
0x3b2: {  	[sflag:s10] =	ssyncadd.s32 $0xFFFFC800  }
0x3b3: {  	_ =	swait.ge [sflag:s10], $0x3800  }
0x3b4: {  	[sflag:s10] =	ssyncset.done $0x0  }
0x3b5: {  	[sflag:s10] =	ssyncadd.s32 $0xFFFFC800  }
0x3b6: {  	_ =	swait.ge [sflag:s10], $0x3800  }
0x3b7: {  	[sflag:s10] =	ssyncset.done $0x0  }
0x3b8: {  	[sflag:s10] =	ssyncadd.s32 $0xFFFFC800  }
0x3b9: {  	_ =	swait.ge [sflag:s10], $0x3800  }
0x3ba: {  	[sflag:s10] =	ssyncset.done $0x0  }
0x3bb: {  	[sflag:s10] =	ssyncadd.s32 $0xFFFFC800  }
0x3bc: {  	_ =	swait.ge [sflag:s10], $0x3800  }
0x3bd: {  	[sflag:s10] =	ssyncset.done $0x0  }
0x3be: {  	[sflag:s10] =	ssyncadd.s32 $0xFFFFC800  }
0x3bf: {  	_ =	swait.ge [sflag:s10], $0x3800  }
0x3c0: {  	[sflag:s10] =	ssyncset.done $0x0  }
0x3c1: {  	[sflag:s10] =	ssyncadd.s32 $0xFFFFC800  }
0x3c2: {  	_ =	swait.ge [sflag:s10], $0x3800  }
0x3c3: {  	[sflag:s10] =	ssyncset.done $0x0  }
0x3c4: {  	[sflag:s10] =	ssyncadd.s32 $0xFFFFC800  }
0x3c5: {  	_ =	swait.ge [sflag:s10], $0x3800  }
0x3c6: {  	[sflag:s10] =	ssyncset.done $0x0  }
0x3c7: {  	[sflag:s10] =	ssyncadd.s32 $0xFFFFC800  }
0x3c8: {  	_ =	swait.ge [sflag:s10], $0x3800  }
0x3c9: {  	[sflag:s10] =	ssyncset.done $0x0  }
0x3ca: {  	[sflag:s10] =	ssyncadd.s32 $0xFFFFC800  }
0x3cb: {  	_ =	swait.ge [sflag:s10], $0x3800  }
0x3cc: {  	[sflag:s10] =	ssyncset.done $0x0  }
0x3cd: {  	[sflag:s10] =	ssyncadd.s32 $0xFFFFC800  }
0x3ce: {  	_ =	swait.ge [sflag:s10], $0x3800  }
0x3cf: {  	[sflag:s10] =	ssyncset.done $0x0  }
0x3d0: {  	[sflag:s10] =	ssyncadd.s32 $0xFFFFC800  }
0x3d1: {  	_ =	swait.ge [sflag:s10], $0x3800  }
0x3d2: {  	[sflag:s10] =	ssyncset.done $0x0  }
0x3d3: {  	[sflag:s10] =	ssyncadd.s32 $0xFFFFC800  }
0x3d4: {  	_ =	swait.ge [sflag:s10], $0x3800  }
0x3d5: {  	[sflag:s10] =	ssyncset.done $0x0  }
0x3d6: {  	[sflag:s10] =	ssyncadd.s32 $0xFFFFC800  }
0x3d7: {  	_ =	swait.ge [sflag:s10], $0x3800  }
0x3d8: {  	[sflag:s10] =	ssyncset.done $0x0  }
0x3d9: {  	[sflag:s10] =	ssyncadd.s32 $0xFFFFC800  }
0x3da: {  	_ =	swait.ge [sflag:s10], $0x3800  }
0x3db: {  	[sflag:s10] =	ssyncset.done $0x0  }
0x3dc: {  	[sflag:s10] =	ssyncadd.s32 $0xFFFFC800  }
0x3dd: {  	_ =	swait.ge [sflag:s10], $0x3800  }
0x3de: {  	[sflag:s10] =	ssyncset.done $0x0  }
0x3df: {  	[sflag:s10] =	ssyncadd.s32 $0xFFFFC800  }
0x3e0: {  	_ =	swait.ge [sflag:s10], $0x3800  }
0x3e1: {  	[sflag:s10] =	ssyncset.done $0x0  }
0x3e2: {  	[sflag:s10] =	ssyncadd.s32 $0xFFFFC800  }
0x3e3: {  	_ =	swait.ge [sflag:s10], $0x3800  }
0x3e4: {  	[sflag:s10] =	ssyncset.done $0x0  }
0x3e5: {  	[sflag:s10] =	ssyncadd.s32 $0xFFFFC800  }
0x3e6: {  	_ =	swait.ge [sflag:s10], $0x3800  }
0x3e7: {  	[sflag:s10] =	ssyncset.done $0x0;
	s20 =	rddreg [dreg:$0x10]  }
0x3e8: {  	s22 =	simm.s32 $0x0;
	s21 =	rddreg [dreg:$0x17];
	[sflag:s10] =	ssyncadd.s32 $0xFFFFC800  }
0x3e9: {  	[hbm4b:s20+s22] =	stream.linear.scatter [tilespmem:s8], [sflag:$0x5], $0x3800, $0x38;
	[tilespmem:$0xF600] =	vst v63  }
0x3ea: {  	s3 =	simm.s32 $0x1C0;
	s22 =	simm.s32 $0x0;
	s20 =	sadd.s32 $0xC80, s21  }
.LBB2_30:
0x3eb: {  	[tilespmem:s22], [sflag:$0x9] =	stream.linear.gather [hbm4b:s21+s4], $0x70, $0x38;
	[tilespmem:$0xF600] =	vst v63  }
0x3ec: {  	s22 =	smov.u32 s3;
	s21 =	smov.u32 s20;
	p1 =	sne.s32 s3, $0x2A00  }
.Ltmp9:
0x3ed: {  	s3 =	sadd.s32 $0x1C0, s3;
	(pc) =	sbr.rel @p1 .LBB2_30-.Ltmp9, $2  }
0x3ee: {  	_ =	sdelay $0x2  }
0x3ef: {  	s20 =	sadd.s32 $0xC80, s20;
	s22 =	sshra.s32 s22, $0x2  }
.Ltmp10:
0x3f0: {  	_ = 	snop;
	(pc) =	sbr.rel .LBB2_31-.Ltmp10, $1  }
0x3f1: {  	_ =	sdelay $0x3  }
.LBB2_2:
0x3f2: {  	s21 =	rddreg [dreg:$0x12]  }
0x3f3: {  	s20 =	sadd.s32 $0xC80, s21  }
.LBB2_3:
0x3f4: {  	[tilespmem:s22], [sflag:$0x9] =	stream.linear.gather [hbm4b:s21+s4], $0x70, $0x38;
	[tilespmem:$0xF600] =	vst v63  }
0x3f5: {  	s22 =	smov.u32 s3;
	s21 =	smov.u32 s20;
	p1 =	sne.s32 s3, $0x2A00  }
.Ltmp11:
0x3f6: {  	s3 =	sadd.s32 $0x1C0, s3;
	(pc) =	sbr.rel @p1 .LBB2_3-.Ltmp11, $2  }
0x3f7: {  	_ =	sdelay $0x2  }
0x3f8: {  	s20 =	sadd.s32 $0xC80, s20;
	s22 =	sshra.s32 s22, $0x2  }
0x3f9: {  	[tilespmem:s22], [sflag:$0x9] =	stream.linear.gather [hbm4b:s21+s4], $0x70, $0x38;
	[tilespmem:$0xF600] =	vst v63  }
0x3fa: {  	_ =	swait.ge [sflag:s6], $0xAF0  }
0x3fb: {  	[sflag:s6] =	ssyncset.done $0x0  }
0x3fc: {  	s3 =	simm.s32 $0x0;
	[sflag:s6] =	ssyncadd.s32 $0xFFFFF510  }
0x3fd: {  	[tilespmem:s8], [sflag:$0x1] =	stream.indirect.gather [hbm4b:s1+s7], $0x80, s3, s7, $0xb8;
	[tilespmem:$0xF600] =	vst v63  }
0x3fe: {  	_ =	swait.ge [sflag:s10], $0x3800  }
0x3ff: {  	[sflag:s10] =	ssyncset.done $0x0  }
0x400: {  	[sflag:s10] =	ssyncadd.s32 $0xFFFFC800  }
0x401: {  	[tilespmem:s8], [sflag:$0x1] =	stream.indirect.gather.add.f32 [hbm:s1], $0x80, s7, s7, $0xb8;
	[tilespmem:$0xF600] =	vst v63  }
0x402: {  	s21 =	simm.s32 $0xE0  }
0x403: {  	[tilespmem:s8], [sflag:$0x1] =	stream.indirect.gather.add.f32 [hbm:s1], $0x80, s21, s7, $0xb8;
	[tilespmem:$0xF600] =	vst v63  }
0x404: {  	s22 =	simm.s32 $0x150  }
0x405: {  	[tilespmem:s8], [sflag:$0x1] =	stream.indirect.gather.add.f32 [hbm:s1], $0x80, s22, s7, $0xb8;
	[tilespmem:$0xF600] =	vst v63  }
0x406: {  	s20 =	simm.s32 $0x1C0  }
0x407: {  	[tilespmem:s8], [sflag:$0x1] =	stream.indirect.gather.add.f32 [hbm:s1], $0x80, s20, s7, $0xb8;
	[tilespmem:$0xF600] =	vst v63  }
0x408: {  	s21 =	simm.s32 $0x230  }
0x409: {  	[tilespmem:s8], [sflag:$0x1] =	stream.indirect.gather.add.f32 [hbm:s1], $0x80, s21, s7, $0xb8;
	[tilespmem:$0xF600] =	vst v63  }
0x40a: {  	s22 =	simm.s32 $0x2A0  }
0x40b: {  	[tilespmem:s8], [sflag:$0x1] =	stream.indirect.gather.add.f32 [hbm:s1], $0x80, s22, s7, $0xb8;
	[tilespmem:$0xF600] =	vst v63  }
0x40c: {  	s20 =	simm.s32 $0x310  }
0x40d: {  	[tilespmem:s8], [sflag:$0x1] =	stream.indirect.gather.add.f32 [hbm:s1], $0x80, s20, s7, $0xb8;
	[tilespmem:$0xF600] =	vst v63  }
0x40e: {  	s21 =	simm.s32 $0x380  }
0x40f: {  	[tilespmem:s8], [sflag:$0x1] =	stream.indirect.gather.add.f32 [hbm:s1], $0x80, s21, s7, $0xb8;
	[tilespmem:$0xF600] =	vst v63  }
0x410: {  	s22 =	simm.s32 $0x3F0  }
0x411: {  	[tilespmem:s8], [sflag:$0x1] =	stream.indirect.gather.add.f32 [hbm:s1], $0x80, s22, s7, $0xb8;
	[tilespmem:$0xF600] =	vst v63  }
0x412: {  	s20 =	simm.s32 $0x460  }
0x413: {  	[tilespmem:s8], [sflag:$0x1] =	stream.indirect.gather.add.f32 [hbm:s1], $0x80, s20, s7, $0xb8;
	[tilespmem:$0xF600] =	vst v63  }
0x414: {  	s21 =	simm.s32 $0x4D0  }
0x415: {  	[tilespmem:s8], [sflag:$0x1] =	stream.indirect.gather.add.f32 [hbm:s1], $0x80, s21, s7, $0xb8;
	[tilespmem:$0xF600] =	vst v63  }
0x416: {  	s22 =	simm.s32 $0x540  }
0x417: {  	[tilespmem:s8], [sflag:$0x1] =	stream.indirect.gather.add.f32 [hbm:s1], $0x80, s22, s7, $0xb8;
	[tilespmem:$0xF600] =	vst v63  }
0x418: {  	s20 =	simm.s32 $0x5B0  }
0x419: {  	[tilespmem:s8], [sflag:$0x1] =	stream.indirect.gather.add.f32 [hbm:s1], $0x80, s20, s7, $0xb8;
	[tilespmem:$0xF600] =	vst v63  }
0x41a: {  	s21 =	simm.s32 $0x620  }
0x41b: {  	[tilespmem:s8], [sflag:$0x1] =	stream.indirect.gather.add.f32 [hbm:s1], $0x80, s21, s7, $0xb8;
	[tilespmem:$0xF600] =	vst v63  }
0x41c: {  	_ = 	snop  }
0x41d: {  	[tilespmem:s8], [sflag:$0x1] =	stream.indirect.gather.add.f32 [hbm:s1], $0x80, s23, s7, $0xb8;
	[tilespmem:$0xF600] =	vst v63  }
0x41e: {  	_ = 	snop  }
0x41f: {  	[tilespmem:s8], [sflag:$0x1] =	stream.indirect.gather.add.f32 [hbm:s1], $0x80, s24, s7, $0xb8;
	[tilespmem:$0xF600] =	vst v63  }
0x420: {  	_ = 	snop  }
0x421: {  	[tilespmem:s8], [sflag:$0x1] =	stream.indirect.gather.add.f32 [hbm:s1], $0x80, s25, s7, $0xb8;
	[tilespmem:$0xF600] =	vst v63  }
0x422: {  	_ = 	snop  }
0x423: {  	[tilespmem:s8], [sflag:$0x1] =	stream.indirect.gather.add.f32 [hbm:s1], $0x80, s26, s7, $0xb8;
	[tilespmem:$0xF600] =	vst v63  }
0x424: {  	_ = 	snop  }
0x425: {  	[tilespmem:s8], [sflag:$0x1] =	stream.indirect.gather.add.f32 [hbm:s1], $0x80, s28, s7, $0xb8;
	[tilespmem:$0xF600] =	vst v63  }
0x426: {  	_ = 	snop  }
0x427: {  	[tilespmem:s8], [sflag:$0x1] =	stream.indirect.gather.add.f32 [hbm:s1], $0x80, s29, s7, $0xb8;
	[tilespmem:$0xF600] =	vst v63  }
0x428: {  	_ = 	snop  }
0x429: {  	[tilespmem:s8], [sflag:$0x1] =	stream.indirect.gather.add.f32 [hbm:s1], $0x80, s30, s7, $0xb8;
	[tilespmem:$0xF600] =	vst v63  }
0x42a: {  	_ = 	snop  }
0x42b: {  	[tilespmem:s8], [sflag:$0x1] =	stream.indirect.gather.add.f32 [hbm:s1], $0x80, s31, s7, $0xb8;
	[tilespmem:$0xF600] =	vst v63  }
0x42c: {  	_ = 	snop  }
0x42d: {  	[tilespmem:s8], [sflag:$0x1] =	stream.indirect.gather.add.f32 [hbm:s1], $0x80, s0, s7, $0xb8;
	[tilespmem:$0xF600] =	vst v63  }
0x42e: {  	_ = 	snop  }
0x42f: {  	[tilespmem:s8], [sflag:$0x1] =	stream.indirect.gather.add.f32 [hbm:s1], $0x80, s2, s7, $0xb8;
	[tilespmem:$0xF600] =	vst v63  }
0x430: {  	s3 =	simm.s32 $0x1C0;
	s22 =	simm.s32 $0xB00;
	s20 =	rddreg [dreg:$0x14]  }
0x431: {  	[tilespmem:s22], [sflag:$0xA] =	stream.linear.gather [hbm4b:s20+s4], $0x70, $0x38;
	[tilespmem:$0xF600] =	vst v63  }
.LBB2_5:
0x432: {  	p1 =	sne.s32 s3, $0x2A00  }
.Ltmp12:
0x433: {  	_ = 	snop;
	(pc) =	sbr.rel @p1 .LBB2_5-.Ltmp12, $4  }
0x434: {  	_ = 	snop  }
0x435: {  	s21 =	sshra.s32 s3, $0x2;
	s3 =	sadd.s32 $0x1C0, s3  }
0x436: {  	s20 =	sadd.s32 $0xC80, s20;
	s21 =	sadd.s32 $0xB00, s21  }
0x437: {  	[tilespmem:s21], [sflag:$0xA] =	stream.linear.gather [hbm4b:s20+s4], $0x70, $0x38;
	[tilespmem:$0xF600] =	vst v63  }
0x438: {  	_ =	swait.ge [sflag:s5], $0xAF0  }
0x439: {  	[sflag:s5] =	ssyncset.done $0x0  }
0x43a: {  	s3 =	simm.s32 $0xB00;
	[sflag:s5] =	ssyncadd.s32 $0xFFFFF510  }
0x43b: {  	[tilespmem:s19], [sflag:$0x2] =	stream.indirect.gather [hbm4b:s1+s7], $0x80, s3, s7, $0xb8;
	[tilespmem:$0xF600] =	vst v63  }
0x43c: {  	_ =	swait.ge [sflag:s12], $0x3800  }
0x43d: {  	[sflag:s12] =	ssyncset.done $0x0  }
0x43e: {  	s22 =	simm.s32 $0xB70;
	[sflag:s12] =	ssyncadd.s32 $0xFFFFC800  }
0x43f: {  	[tilespmem:s19], [sflag:$0x2] =	stream.indirect.gather.add.f32 [hbm:s1], $0x80, s22, s7, $0xb8;
	[tilespmem:$0xF600] =	vst v63  }
0x440: {  	s20 =	simm.s32 $0xBE0  }
0x441: {  	[tilespmem:s19], [sflag:$0x2] =	stream.indirect.gather.add.f32 [hbm:s1], $0x80, s20, s7, $0xb8;
	[tilespmem:$0xF600] =	vst v63  }
0x442: {  	s21 =	simm.s32 $0xC50  }
0x443: {  	[tilespmem:s19], [sflag:$0x2] =	stream.indirect.gather.add.f32 [hbm:s1], $0x80, s21, s7, $0xb8;
	[tilespmem:$0xF600] =	vst v63  }
0x444: {  	s22 =	simm.s32 $0xCC0  }
0x445: {  	[tilespmem:s19], [sflag:$0x2] =	stream.indirect.gather.add.f32 [hbm:s1], $0x80, s22, s7, $0xb8;
	[tilespmem:$0xF600] =	vst v63  }
0x446: {  	s20 =	simm.s32 $0xD30  }
0x447: {  	[tilespmem:s19], [sflag:$0x2] =	stream.indirect.gather.add.f32 [hbm:s1], $0x80, s20, s7, $0xb8;
	[tilespmem:$0xF600] =	vst v63  }
0x448: {  	s21 =	simm.s32 $0xDA0  }
0x449: {  	[tilespmem:s19], [sflag:$0x2] =	stream.indirect.gather.add.f32 [hbm:s1], $0x80, s21, s7, $0xb8;
	[tilespmem:$0xF600] =	vst v63  }
0x44a: {  	s22 =	simm.s32 $0xE10  }
0x44b: {  	[tilespmem:s19], [sflag:$0x2] =	stream.indirect.gather.add.f32 [hbm:s1], $0x80, s22, s7, $0xb8;
	[tilespmem:$0xF600] =	vst v63  }
0x44c: {  	s20 =	simm.s32 $0xE80  }
0x44d: {  	[tilespmem:s19], [sflag:$0x2] =	stream.indirect.gather.add.f32 [hbm:s1], $0x80, s20, s7, $0xb8;
	[tilespmem:$0xF600] =	vst v63  }
0x44e: {  	s21 =	simm.s32 $0xEF0  }
0x44f: {  	[tilespmem:s19], [sflag:$0x2] =	stream.indirect.gather.add.f32 [hbm:s1], $0x80, s21, s7, $0xb8;
	[tilespmem:$0xF600] =	vst v63  }
0x450: {  	s22 =	simm.s32 $0xF60  }
0x451: {  	[tilespmem:s19], [sflag:$0x2] =	stream.indirect.gather.add.f32 [hbm:s1], $0x80, s22, s7, $0xb8;
	[tilespmem:$0xF600] =	vst v63  }
0x452: {  	s20 =	simm.s32 $0xFD0  }
0x453: {  	[tilespmem:s19], [sflag:$0x2] =	stream.indirect.gather.add.f32 [hbm:s1], $0x80, s20, s7, $0xb8;
	[tilespmem:$0xF600] =	vst v63  }
0x454: {  	s21 =	simm.s32 $0x1040  }
0x455: {  	[tilespmem:s19], [sflag:$0x2] =	stream.indirect.gather.add.f32 [hbm:s1], $0x80, s21, s7, $0xb8;
	[tilespmem:$0xF600] =	vst v63  }
0x456: {  	s22 =	simm.s32 $0x10B0  }
0x457: {  	[tilespmem:s19], [sflag:$0x2] =	stream.indirect.gather.add.f32 [hbm:s1], $0x80, s22, s7, $0xb8;
	[tilespmem:$0xF600] =	vst v63  }
0x458: {  	s20 =	simm.s32 $0x1120  }
0x459: {  	[tilespmem:s19], [sflag:$0x2] =	stream.indirect.gather.add.f32 [hbm:s1], $0x80, s20, s7, $0xb8;
	[tilespmem:$0xF600] =	vst v63  }
0x45a: {  	s21 =	simm.s32 $0x1190  }
0x45b: {  	[tilespmem:s19], [sflag:$0x2] =	stream.indirect.gather.add.f32 [hbm:s1], $0x80, s21, s7, $0xb8;
	[tilespmem:$0xF600] =	vst v63  }
0x45c: {  	s22 =	simm.s32 $0x1200  }
0x45d: {  	[tilespmem:s19], [sflag:$0x2] =	stream.indirect.gather.add.f32 [hbm:s1], $0x80, s22, s7, $0xb8;
	[tilespmem:$0xF600] =	vst v63  }
0x45e: {  	s20 =	simm.s32 $0x1270  }
0x45f: {  	[tilespmem:s19], [sflag:$0x2] =	stream.indirect.gather.add.f32 [hbm:s1], $0x80, s20, s7, $0xb8;
	[tilespmem:$0xF600] =	vst v63  }
0x460: {  	s21 =	simm.s32 $0x12E0  }
0x461: {  	[tilespmem:s19], [sflag:$0x2] =	stream.indirect.gather.add.f32 [hbm:s1], $0x80, s21, s7, $0xb8;
	[tilespmem:$0xF600] =	vst v63  }
0x462: {  	s22 =	simm.s32 $0x1350  }
0x463: {  	[tilespmem:s19], [sflag:$0x2] =	stream.indirect.gather.add.f32 [hbm:s1], $0x80, s22, s7, $0xb8;
	[tilespmem:$0xF600] =	vst v63  }
0x464: {  	s20 =	simm.s32 $0x13C0  }
0x465: {  	[tilespmem:s19], [sflag:$0x2] =	stream.indirect.gather.add.f32 [hbm:s1], $0x80, s20, s7, $0xb8;
	[tilespmem:$0xF600] =	vst v63  }
0x466: {  	s21 =	simm.s32 $0x1430  }
0x467: {  	[tilespmem:s19], [sflag:$0x2] =	stream.indirect.gather.add.f32 [hbm:s1], $0x80, s21, s7, $0xb8;
	[tilespmem:$0xF600] =	vst v63  }
0x468: {  	s22 =	simm.s32 $0x14A0  }
0x469: {  	[tilespmem:s19], [sflag:$0x2] =	stream.indirect.gather.add.f32 [hbm:s1], $0x80, s22, s7, $0xb8;
	[tilespmem:$0xF600] =	vst v63  }
0x46a: {  	s20 =	simm.s32 $0x1510  }
0x46b: {  	[tilespmem:s19], [sflag:$0x2] =	stream.indirect.gather.add.f32 [hbm:s1], $0x80, s20, s7, $0xb8;
	[tilespmem:$0xF600] =	vst v63  }
0x46c: {  	s21 =	simm.s32 $0x1580  }
0x46d: {  	[tilespmem:s19], [sflag:$0x2] =	stream.indirect.gather.add.f32 [hbm:s1], $0x80, s21, s7, $0xb8;
	[tilespmem:$0xF600] =	vst v63  }
0x46e: {  	_ =	swait.ge [sflag:s10], $0x3800  }
0x46f: {  	[sflag:s10] =	ssyncset.done $0x0  }
0x470: {  	[sflag:s10] =	ssyncadd.s32 $0xFFFFC800  }
0x471: {  	_ =	swait.ge [sflag:s10], $0x3800  }
0x472: {  	[sflag:s10] =	ssyncset.done $0x0  }
0x473: {  	[sflag:s10] =	ssyncadd.s32 $0xFFFFC800  }
0x474: {  	_ =	swait.ge [sflag:s10], $0x3800  }
0x475: {  	[sflag:s10] =	ssyncset.done $0x0  }
0x476: {  	[sflag:s10] =	ssyncadd.s32 $0xFFFFC800  }
0x477: {  	_ =	swait.ge [sflag:s10], $0x3800  }
0x478: {  	[sflag:s10] =	ssyncset.done $0x0  }
0x479: {  	[sflag:s10] =	ssyncadd.s32 $0xFFFFC800  }
0x47a: {  	_ =	swait.ge [sflag:s10], $0x3800  }
0x47b: {  	[sflag:s10] =	ssyncset.done $0x0  }
0x47c: {  	[sflag:s10] =	ssyncadd.s32 $0xFFFFC800  }
0x47d: {  	_ =	swait.ge [sflag:s10], $0x3800  }
0x47e: {  	[sflag:s10] =	ssyncset.done $0x0  }
0x47f: {  	[sflag:s10] =	ssyncadd.s32 $0xFFFFC800  }
0x480: {  	_ =	swait.ge [sflag:s10], $0x3800  }
0x481: {  	[sflag:s10] =	ssyncset.done $0x0  }
0x482: {  	[sflag:s10] =	ssyncadd.s32 $0xFFFFC800  }
0x483: {  	_ =	swait.ge [sflag:s10], $0x3800  }
0x484: {  	[sflag:s10] =	ssyncset.done $0x0  }
0x485: {  	[sflag:s10] =	ssyncadd.s32 $0xFFFFC800  }
0x486: {  	_ =	swait.ge [sflag:s10], $0x3800  }
0x487: {  	[sflag:s10] =	ssyncset.done $0x0  }
0x488: {  	[sflag:s10] =	ssyncadd.s32 $0xFFFFC800  }
0x489: {  	_ =	swait.ge [sflag:s10], $0x3800  }
0x48a: {  	[sflag:s10] =	ssyncset.done $0x0  }
0x48b: {  	[sflag:s10] =	ssyncadd.s32 $0xFFFFC800  }
0x48c: {  	_ =	swait.ge [sflag:s10], $0x3800  }
0x48d: {  	[sflag:s10] =	ssyncset.done $0x0  }
0x48e: {  	[sflag:s10] =	ssyncadd.s32 $0xFFFFC800  }
0x48f: {  	_ =	swait.ge [sflag:s10], $0x3800  }
0x490: {  	[sflag:s10] =	ssyncset.done $0x0  }
0x491: {  	[sflag:s10] =	ssyncadd.s32 $0xFFFFC800  }
0x492: {  	_ =	swait.ge [sflag:s10], $0x3800  }
0x493: {  	[sflag:s10] =	ssyncset.done $0x0  }
0x494: {  	[sflag:s10] =	ssyncadd.s32 $0xFFFFC800  }
0x495: {  	_ =	swait.ge [sflag:s10], $0x3800  }
0x496: {  	[sflag:s10] =	ssyncset.done $0x0  }
0x497: {  	[sflag:s10] =	ssyncadd.s32 $0xFFFFC800  }
0x498: {  	_ =	swait.ge [sflag:s10], $0x3800  }
0x499: {  	[sflag:s10] =	ssyncset.done $0x0  }
0x49a: {  	[sflag:s10] =	ssyncadd.s32 $0xFFFFC800  }
0x49b: {  	_ =	swait.ge [sflag:s10], $0x3800  }
0x49c: {  	[sflag:s10] =	ssyncset.done $0x0  }
0x49d: {  	[sflag:s10] =	ssyncadd.s32 $0xFFFFC800  }
0x49e: {  	_ =	swait.ge [sflag:s10], $0x3800  }
0x49f: {  	[sflag:s10] =	ssyncset.done $0x0  }
0x4a0: {  	[sflag:s10] =	ssyncadd.s32 $0xFFFFC800  }
0x4a1: {  	_ =	swait.ge [sflag:s10], $0x3800  }
0x4a2: {  	[sflag:s10] =	ssyncset.done $0x0  }
0x4a3: {  	[sflag:s10] =	ssyncadd.s32 $0xFFFFC800  }
0x4a4: {  	_ =	swait.ge [sflag:s10], $0x3800  }
0x4a5: {  	[sflag:s10] =	ssyncset.done $0x0  }
0x4a6: {  	[sflag:s10] =	ssyncadd.s32 $0xFFFFC800  }
0x4a7: {  	_ =	swait.ge [sflag:s10], $0x3800  }
0x4a8: {  	[sflag:s10] =	ssyncset.done $0x0  }
0x4a9: {  	[sflag:s10] =	ssyncadd.s32 $0xFFFFC800  }
0x4aa: {  	_ =	swait.ge [sflag:s10], $0x3800  }
0x4ab: {  	[sflag:s10] =	ssyncset.done $0x0  }
0x4ac: {  	[sflag:s10] =	ssyncadd.s32 $0xFFFFC800  }
0x4ad: {  	_ =	swait.ge [sflag:s10], $0x3800  }
0x4ae: {  	[sflag:s10] =	ssyncset.done $0x0  }
0x4af: {  	[sflag:s10] =	ssyncadd.s32 $0xFFFFC800  }
0x4b0: {  	_ =	swait.ge [sflag:s10], $0x3800  }
0x4b1: {  	[sflag:s10] =	ssyncset.done $0x0  }
0x4b2: {  	[sflag:s10] =	ssyncadd.s32 $0xFFFFC800  }
0x4b3: {  	_ =	swait.ge [sflag:s10], $0x3800  }
0x4b4: {  	[sflag:s10] =	ssyncset.done $0x0;
	s20 =	rddreg [dreg:$0x4]  }
0x4b5: {  	s22 =	simm.s32 $0x0;
	s21 =	rddreg [dreg:$0x15];
	[sflag:s10] =	ssyncadd.s32 $0xFFFFC800  }
0x4b6: {  	[hbm4b:s20+s22] =	stream.linear.scatter [tilespmem:s8], [sflag:$0x5], $0x3800, $0x38;
	[tilespmem:$0xF600] =	vst v63  }
0x4b7: {  	s3 =	simm.s32 $0x1C0;
	s22 =	simm.s32 $0x0;
	s20 =	sadd.s32 $0xC80, s21  }
.LBB2_7:
0x4b8: {  	[tilespmem:s22], [sflag:$0x9] =	stream.linear.gather [hbm4b:s21+s4], $0x70, $0x38;
	[tilespmem:$0xF600] =	vst v63  }
0x4b9: {  	s22 =	smov.u32 s3;
	s21 =	smov.u32 s20;
	p1 =	sne.s32 s3, $0x2A00  }
.Ltmp13:
0x4ba: {  	s3 =	sadd.s32 $0x1C0, s3;
	(pc) =	sbr.rel @p1 .LBB2_7-.Ltmp13, $2  }
0x4bb: {  	_ =	sdelay $0x2  }
0x4bc: {  	s20 =	sadd.s32 $0xC80, s20;
	s22 =	sshra.s32 s22, $0x2  }
0x4bd: {  	[tilespmem:s22], [sflag:$0x9] =	stream.linear.gather [hbm4b:s21+s4], $0x70, $0x38;
	[tilespmem:$0xF600] =	vst v63  }
0x4be: {  	_ =	swait.ge [sflag:s6], $0xAF0  }
0x4bf: {  	[sflag:s6] =	ssyncset.done $0x0  }
0x4c0: {  	s3 =	simm.s32 $0x0;
	[sflag:s6] =	ssyncadd.s32 $0xFFFFF510  }
0x4c1: {  	[tilespmem:s13], [sflag:$0x3] =	stream.indirect.gather [hbm4b:s1+s7], $0x80, s3, s7, $0xb8;
	[tilespmem:$0xF600] =	vst v63  }
0x4c2: {  	_ =	swait.ge [sflag:s14], $0x3800  }
0x4c3: {  	[sflag:s14] =	ssyncset.done $0x0  }
0x4c4: {  	[sflag:s14] =	ssyncadd.s32 $0xFFFFC800  }
0x4c5: {  	[tilespmem:s13], [sflag:$0x3] =	stream.indirect.gather.add.f32 [hbm:s1], $0x80, s7, s7, $0xb8;
	[tilespmem:$0xF600] =	vst v63  }
0x4c6: {  	s20 =	simm.s32 $0xE0  }
0x4c7: {  	[tilespmem:s13], [sflag:$0x3] =	stream.indirect.gather.add.f32 [hbm:s1], $0x80, s20, s7, $0xb8;
	[tilespmem:$0xF600] =	vst v63  }
0x4c8: {  	s21 =	simm.s32 $0x150  }
0x4c9: {  	[tilespmem:s13], [sflag:$0x3] =	stream.indirect.gather.add.f32 [hbm:s1], $0x80, s21, s7, $0xb8;
	[tilespmem:$0xF600] =	vst v63  }
0x4ca: {  	s22 =	simm.s32 $0x1C0  }
0x4cb: {  	[tilespmem:s13], [sflag:$0x3] =	stream.indirect.gather.add.f32 [hbm:s1], $0x80, s22, s7, $0xb8;
	[tilespmem:$0xF600] =	vst v63  }
0x4cc: {  	s21 =	simm.s32 $0x230  }
0x4cd: {  	[tilespmem:s13], [sflag:$0x3] =	stream.indirect.gather.add.f32 [hbm:s1], $0x80, s21, s7, $0xb8;
	[tilespmem:$0xF600] =	vst v63  }
0x4ce: {  	s22 =	simm.s32 $0x2A0  }
0x4cf: {  	[tilespmem:s13], [sflag:$0x3] =	stream.indirect.gather.add.f32 [hbm:s1], $0x80, s22, s7, $0xb8;
	[tilespmem:$0xF600] =	vst v63  }
0x4d0: {  	s21 =	simm.s32 $0x310  }
0x4d1: {  	[tilespmem:s13], [sflag:$0x3] =	stream.indirect.gather.add.f32 [hbm:s1], $0x80, s21, s7, $0xb8;
	[tilespmem:$0xF600] =	vst v63  }
0x4d2: {  	s22 =	simm.s32 $0x380  }
0x4d3: {  	[tilespmem:s13], [sflag:$0x3] =	stream.indirect.gather.add.f32 [hbm:s1], $0x80, s22, s7, $0xb8;
	[tilespmem:$0xF600] =	vst v63  }
0x4d4: {  	s21 =	simm.s32 $0x3F0  }
0x4d5: {  	[tilespmem:s13], [sflag:$0x3] =	stream.indirect.gather.add.f32 [hbm:s1], $0x80, s21, s7, $0xb8;
	[tilespmem:$0xF600] =	vst v63  }
0x4d6: {  	s22 =	simm.s32 $0x460  }
0x4d7: {  	[tilespmem:s13], [sflag:$0x3] =	stream.indirect.gather.add.f32 [hbm:s1], $0x80, s22, s7, $0xb8;
	[tilespmem:$0xF600] =	vst v63  }
0x4d8: {  	s21 =	simm.s32 $0x4D0  }
0x4d9: {  	[tilespmem:s13], [sflag:$0x3] =	stream.indirect.gather.add.f32 [hbm:s1], $0x80, s21, s7, $0xb8;
	[tilespmem:$0xF600] =	vst v63  }
0x4da: {  	s22 =	simm.s32 $0x540  }
0x4db: {  	[tilespmem:s13], [sflag:$0x3] =	stream.indirect.gather.add.f32 [hbm:s1], $0x80, s22, s7, $0xb8;
	[tilespmem:$0xF600] =	vst v63  }
0x4dc: {  	s21 =	simm.s32 $0x5B0  }
0x4dd: {  	[tilespmem:s13], [sflag:$0x3] =	stream.indirect.gather.add.f32 [hbm:s1], $0x80, s21, s7, $0xb8;
	[tilespmem:$0xF600] =	vst v63  }
0x4de: {  	s22 =	simm.s32 $0x620  }
0x4df: {  	[tilespmem:s13], [sflag:$0x3] =	stream.indirect.gather.add.f32 [hbm:s1], $0x80, s22, s7, $0xb8;
	[tilespmem:$0xF600] =	vst v63  }
0x4e0: {  	_ = 	snop  }
0x4e1: {  	[tilespmem:s13], [sflag:$0x3] =	stream.indirect.gather.add.f32 [hbm:s1], $0x80, s23, s7, $0xb8;
	[tilespmem:$0xF600] =	vst v63  }
0x4e2: {  	_ = 	snop  }
0x4e3: {  	[tilespmem:s13], [sflag:$0x3] =	stream.indirect.gather.add.f32 [hbm:s1], $0x80, s24, s7, $0xb8;
	[tilespmem:$0xF600] =	vst v63  }
0x4e4: {  	_ = 	snop  }
0x4e5: {  	[tilespmem:s13], [sflag:$0x3] =	stream.indirect.gather.add.f32 [hbm:s1], $0x80, s25, s7, $0xb8;
	[tilespmem:$0xF600] =	vst v63  }
0x4e6: {  	_ = 	snop  }
0x4e7: {  	[tilespmem:s13], [sflag:$0x3] =	stream.indirect.gather.add.f32 [hbm:s1], $0x80, s26, s7, $0xb8;
	[tilespmem:$0xF600] =	vst v63  }
0x4e8: {  	_ = 	snop  }
0x4e9: {  	[tilespmem:s13], [sflag:$0x3] =	stream.indirect.gather.add.f32 [hbm:s1], $0x80, s28, s7, $0xb8;
	[tilespmem:$0xF600] =	vst v63  }
0x4ea: {  	_ = 	snop  }
0x4eb: {  	[tilespmem:s13], [sflag:$0x3] =	stream.indirect.gather.add.f32 [hbm:s1], $0x80, s29, s7, $0xb8;
	[tilespmem:$0xF600] =	vst v63  }
0x4ec: {  	_ = 	snop  }
0x4ed: {  	[tilespmem:s13], [sflag:$0x3] =	stream.indirect.gather.add.f32 [hbm:s1], $0x80, s30, s7, $0xb8;
	[tilespmem:$0xF600] =	vst v63  }
0x4ee: {  	_ = 	snop  }
0x4ef: {  	[tilespmem:s13], [sflag:$0x3] =	stream.indirect.gather.add.f32 [hbm:s1], $0x80, s31, s7, $0xb8;
	[tilespmem:$0xF600] =	vst v63  }
0x4f0: {  	_ = 	snop  }
0x4f1: {  	[tilespmem:s13], [sflag:$0x3] =	stream.indirect.gather.add.f32 [hbm:s1], $0x80, s0, s7, $0xb8;
	[tilespmem:$0xF600] =	vst v63  }
0x4f2: {  	_ = 	snop  }
0x4f3: {  	[tilespmem:s13], [sflag:$0x3] =	stream.indirect.gather.add.f32 [hbm:s1], $0x80, s2, s7, $0xb8;
	[tilespmem:$0xF600] =	vst v63  }
0x4f4: {  	_ =	swait.ge [sflag:s12], $0x3800  }
0x4f5: {  	[sflag:s12] =	ssyncset.done $0x0  }
0x4f6: {  	[sflag:s12] =	ssyncadd.s32 $0xFFFFC800  }
0x4f7: {  	_ =	swait.ge [sflag:s12], $0x3800  }
0x4f8: {  	[sflag:s12] =	ssyncset.done $0x0  }
0x4f9: {  	[sflag:s12] =	ssyncadd.s32 $0xFFFFC800  }
0x4fa: {  	_ =	swait.ge [sflag:s12], $0x3800  }
0x4fb: {  	[sflag:s12] =	ssyncset.done $0x0  }
0x4fc: {  	[sflag:s12] =	ssyncadd.s32 $0xFFFFC800  }
0x4fd: {  	_ =	swait.ge [sflag:s12], $0x3800  }
0x4fe: {  	[sflag:s12] =	ssyncset.done $0x0  }
0x4ff: {  	[sflag:s12] =	ssyncadd.s32 $0xFFFFC800  }
0x500: {  	_ =	swait.ge [sflag:s12], $0x3800  }
0x501: {  	[sflag:s12] =	ssyncset.done $0x0  }
0x502: {  	[sflag:s12] =	ssyncadd.s32 $0xFFFFC800  }
0x503: {  	_ =	swait.ge [sflag:s12], $0x3800  }
0x504: {  	[sflag:s12] =	ssyncset.done $0x0  }
0x505: {  	[sflag:s12] =	ssyncadd.s32 $0xFFFFC800  }
0x506: {  	_ =	swait.ge [sflag:s12], $0x3800  }
0x507: {  	[sflag:s12] =	ssyncset.done $0x0  }
0x508: {  	[sflag:s12] =	ssyncadd.s32 $0xFFFFC800  }
0x509: {  	_ =	swait.ge [sflag:s12], $0x3800  }
0x50a: {  	[sflag:s12] =	ssyncset.done $0x0  }
0x50b: {  	[sflag:s12] =	ssyncadd.s32 $0xFFFFC800  }
0x50c: {  	_ =	swait.ge [sflag:s12], $0x3800  }
0x50d: {  	[sflag:s12] =	ssyncset.done $0x0  }
0x50e: {  	[sflag:s12] =	ssyncadd.s32 $0xFFFFC800  }
0x50f: {  	_ =	swait.ge [sflag:s12], $0x3800  }
0x510: {  	[sflag:s12] =	ssyncset.done $0x0  }
0x511: {  	[sflag:s12] =	ssyncadd.s32 $0xFFFFC800  }
0x512: {  	_ =	swait.ge [sflag:s12], $0x3800  }
0x513: {  	[sflag:s12] =	ssyncset.done $0x0  }
0x514: {  	[sflag:s12] =	ssyncadd.s32 $0xFFFFC800  }
0x515: {  	_ =	swait.ge [sflag:s12], $0x3800  }
0x516: {  	[sflag:s12] =	ssyncset.done $0x0  }
0x517: {  	[sflag:s12] =	ssyncadd.s32 $0xFFFFC800  }
0x518: {  	_ =	swait.ge [sflag:s12], $0x3800  }
0x519: {  	[sflag:s12] =	ssyncset.done $0x0  }
0x51a: {  	[sflag:s12] =	ssyncadd.s32 $0xFFFFC800  }
0x51b: {  	_ =	swait.ge [sflag:s12], $0x3800  }
0x51c: {  	[sflag:s12] =	ssyncset.done $0x0  }
0x51d: {  	[sflag:s12] =	ssyncadd.s32 $0xFFFFC800  }
0x51e: {  	_ =	swait.ge [sflag:s12], $0x3800  }
0x51f: {  	[sflag:s12] =	ssyncset.done $0x0  }
0x520: {  	[sflag:s12] =	ssyncadd.s32 $0xFFFFC800  }
0x521: {  	_ =	swait.ge [sflag:s12], $0x3800  }
0x522: {  	[sflag:s12] =	ssyncset.done $0x0  }
0x523: {  	[sflag:s12] =	ssyncadd.s32 $0xFFFFC800  }
0x524: {  	_ =	swait.ge [sflag:s12], $0x3800  }
0x525: {  	[sflag:s12] =	ssyncset.done $0x0  }
0x526: {  	[sflag:s12] =	ssyncadd.s32 $0xFFFFC800  }
0x527: {  	_ =	swait.ge [sflag:s12], $0x3800  }
0x528: {  	[sflag:s12] =	ssyncset.done $0x0  }
0x529: {  	[sflag:s12] =	ssyncadd.s32 $0xFFFFC800  }
0x52a: {  	_ =	swait.ge [sflag:s12], $0x3800  }
0x52b: {  	[sflag:s12] =	ssyncset.done $0x0  }
0x52c: {  	[sflag:s12] =	ssyncadd.s32 $0xFFFFC800  }
0x52d: {  	_ =	swait.ge [sflag:s12], $0x3800  }
0x52e: {  	[sflag:s12] =	ssyncset.done $0x0  }
0x52f: {  	[sflag:s12] =	ssyncadd.s32 $0xFFFFC800  }
0x530: {  	_ =	swait.ge [sflag:s12], $0x3800  }
0x531: {  	[sflag:s12] =	ssyncset.done $0x0  }
0x532: {  	[sflag:s12] =	ssyncadd.s32 $0xFFFFC800  }
0x533: {  	_ =	swait.ge [sflag:s12], $0x3800  }
0x534: {  	[sflag:s12] =	ssyncset.done $0x0  }
0x535: {  	[sflag:s12] =	ssyncadd.s32 $0xFFFFC800  }
0x536: {  	_ =	swait.ge [sflag:s12], $0x3800  }
0x537: {  	[sflag:s12] =	ssyncset.done $0x0  }
0x538: {  	[sflag:s12] =	ssyncadd.s32 $0xFFFFC800  }
0x539: {  	_ =	swait.ge [sflag:s12], $0x3800  }
0x53a: {  	[sflag:s12] =	ssyncset.done $0x0  }
0x53b: {  	s21 =	rddreg [dreg:$0x5];
	[sflag:s12] =	ssyncadd.s32 $0xFFFFC800  }
0x53c: {  	[hbm4b:s21+s3] =	stream.linear.scatter [tilespmem:s19], [sflag:$0x6], $0x3800, $0x38;
	[tilespmem:$0xF600] =	vst v63  }
0x53d: {  	s22 =	simm.s32 $0xB00;
	s20 =	rddreg [dreg:$0x16];
	s3 =	simm.s32 $0x1C0  }
0x53e: {  	[tilespmem:s22], [sflag:$0xA] =	stream.linear.gather [hbm4b:s20+s4], $0x70, $0x38;
	[tilespmem:$0xF600] =	vst v63  }
.LBB2_9:
0x53f: {  	p1 =	sne.s32 s3, $0x2A00  }
.Ltmp14:
0x540: {  	_ = 	snop;
	(pc) =	sbr.rel @p1 .LBB2_9-.Ltmp14, $4  }
0x541: {  	_ = 	snop  }
0x542: {  	s21 =	sshra.s32 s3, $0x2;
	s3 =	sadd.s32 $0x1C0, s3  }
0x543: {  	s20 =	sadd.s32 $0xC80, s20;
	s21 =	sadd.s32 $0xB00, s21  }
0x544: {  	[tilespmem:s21], [sflag:$0xA] =	stream.linear.gather [hbm4b:s20+s4], $0x70, $0x38;
	[tilespmem:$0xF600] =	vst v63  }
0x545: {  	_ =	swait.ge [sflag:s5], $0xAF0  }
0x546: {  	[sflag:s5] =	ssyncset.done $0x0  }
0x547: {  	s3 =	simm.s32 $0xB00;
	[sflag:s5] =	ssyncadd.s32 $0xFFFFF510  }
0x548: {  	[tilespmem:s15], [sflag:$0x4] =	stream.indirect.gather [hbm4b:s1+s7], $0x80, s3, s7, $0xb8;
	[tilespmem:$0xF600] =	vst v63  }
0x549: {  	_ =	swait.ge [sflag:s17], $0x3800  }
0x54a: {  	[sflag:s17] =	ssyncset.done $0x0  }
0x54b: {  	s22 =	simm.s32 $0xB70;
	[sflag:s17] =	ssyncadd.s32 $0xFFFFC800  }
0x54c: {  	[tilespmem:s15], [sflag:$0x4] =	stream.indirect.gather.add.f32 [hbm:s1], $0x80, s22, s7, $0xb8;
	[tilespmem:$0xF600] =	vst v63  }
0x54d: {  	s20 =	simm.s32 $0xBE0  }
0x54e: {  	[tilespmem:s15], [sflag:$0x4] =	stream.indirect.gather.add.f32 [hbm:s1], $0x80, s20, s7, $0xb8;
	[tilespmem:$0xF600] =	vst v63  }
0x54f: {  	s21 =	simm.s32 $0xC50  }
0x550: {  	[tilespmem:s15], [sflag:$0x4] =	stream.indirect.gather.add.f32 [hbm:s1], $0x80, s21, s7, $0xb8;
	[tilespmem:$0xF600] =	vst v63  }
0x551: {  	s22 =	simm.s32 $0xCC0  }
0x552: {  	[tilespmem:s15], [sflag:$0x4] =	stream.indirect.gather.add.f32 [hbm:s1], $0x80, s22, s7, $0xb8;
	[tilespmem:$0xF600] =	vst v63  }
0x553: {  	s20 =	simm.s32 $0xD30  }
0x554: {  	[tilespmem:s15], [sflag:$0x4] =	stream.indirect.gather.add.f32 [hbm:s1], $0x80, s20, s7, $0xb8;
	[tilespmem:$0xF600] =	vst v63  }
0x555: {  	s21 =	simm.s32 $0xDA0  }
0x556: {  	[tilespmem:s15], [sflag:$0x4] =	stream.indirect.gather.add.f32 [hbm:s1], $0x80, s21, s7, $0xb8;
	[tilespmem:$0xF600] =	vst v63  }
0x557: {  	s22 =	simm.s32 $0xE10  }
0x558: {  	[tilespmem:s15], [sflag:$0x4] =	stream.indirect.gather.add.f32 [hbm:s1], $0x80, s22, s7, $0xb8;
	[tilespmem:$0xF600] =	vst v63  }
0x559: {  	s20 =	simm.s32 $0xE80  }
0x55a: {  	[tilespmem:s15], [sflag:$0x4] =	stream.indirect.gather.add.f32 [hbm:s1], $0x80, s20, s7, $0xb8;
	[tilespmem:$0xF600] =	vst v63  }
0x55b: {  	s21 =	simm.s32 $0xEF0  }
0x55c: {  	[tilespmem:s15], [sflag:$0x4] =	stream.indirect.gather.add.f32 [hbm:s1], $0x80, s21, s7, $0xb8;
	[tilespmem:$0xF600] =	vst v63  }
0x55d: {  	s22 =	simm.s32 $0xF60  }
0x55e: {  	[tilespmem:s15], [sflag:$0x4] =	stream.indirect.gather.add.f32 [hbm:s1], $0x80, s22, s7, $0xb8;
	[tilespmem:$0xF600] =	vst v63  }
0x55f: {  	s20 =	simm.s32 $0xFD0  }
0x560: {  	[tilespmem:s15], [sflag:$0x4] =	stream.indirect.gather.add.f32 [hbm:s1], $0x80, s20, s7, $0xb8;
	[tilespmem:$0xF600] =	vst v63  }
0x561: {  	s21 =	simm.s32 $0x1040  }
0x562: {  	[tilespmem:s15], [sflag:$0x4] =	stream.indirect.gather.add.f32 [hbm:s1], $0x80, s21, s7, $0xb8;
	[tilespmem:$0xF600] =	vst v63  }
0x563: {  	s22 =	simm.s32 $0x10B0  }
0x564: {  	[tilespmem:s15], [sflag:$0x4] =	stream.indirect.gather.add.f32 [hbm:s1], $0x80, s22, s7, $0xb8;
	[tilespmem:$0xF600] =	vst v63  }
0x565: {  	s20 =	simm.s32 $0x1120  }
0x566: {  	[tilespmem:s15], [sflag:$0x4] =	stream.indirect.gather.add.f32 [hbm:s1], $0x80, s20, s7, $0xb8;
	[tilespmem:$0xF600] =	vst v63  }
0x567: {  	s21 =	simm.s32 $0x1190  }
0x568: {  	[tilespmem:s15], [sflag:$0x4] =	stream.indirect.gather.add.f32 [hbm:s1], $0x80, s21, s7, $0xb8;
	[tilespmem:$0xF600] =	vst v63  }
0x569: {  	s22 =	simm.s32 $0x1200  }
0x56a: {  	[tilespmem:s15], [sflag:$0x4] =	stream.indirect.gather.add.f32 [hbm:s1], $0x80, s22, s7, $0xb8;
	[tilespmem:$0xF600] =	vst v63  }
0x56b: {  	s20 =	simm.s32 $0x1270  }
0x56c: {  	[tilespmem:s15], [sflag:$0x4] =	stream.indirect.gather.add.f32 [hbm:s1], $0x80, s20, s7, $0xb8;
	[tilespmem:$0xF600] =	vst v63  }
0x56d: {  	s21 =	simm.s32 $0x12E0  }
0x56e: {  	[tilespmem:s15], [sflag:$0x4] =	stream.indirect.gather.add.f32 [hbm:s1], $0x80, s21, s7, $0xb8;
	[tilespmem:$0xF600] =	vst v63  }
0x56f: {  	s22 =	simm.s32 $0x1350  }
0x570: {  	[tilespmem:s15], [sflag:$0x4] =	stream.indirect.gather.add.f32 [hbm:s1], $0x80, s22, s7, $0xb8;
	[tilespmem:$0xF600] =	vst v63  }
0x571: {  	s20 =	simm.s32 $0x13C0  }
0x572: {  	[tilespmem:s15], [sflag:$0x4] =	stream.indirect.gather.add.f32 [hbm:s1], $0x80, s20, s7, $0xb8;
	[tilespmem:$0xF600] =	vst v63  }
0x573: {  	s21 =	simm.s32 $0x1430  }
0x574: {  	[tilespmem:s15], [sflag:$0x4] =	stream.indirect.gather.add.f32 [hbm:s1], $0x80, s21, s7, $0xb8;
	[tilespmem:$0xF600] =	vst v63  }
0x575: {  	s22 =	simm.s32 $0x14A0  }
0x576: {  	[tilespmem:s15], [sflag:$0x4] =	stream.indirect.gather.add.f32 [hbm:s1], $0x80, s22, s7, $0xb8;
	[tilespmem:$0xF600] =	vst v63  }
0x577: {  	s20 =	simm.s32 $0x1510  }
0x578: {  	[tilespmem:s15], [sflag:$0x4] =	stream.indirect.gather.add.f32 [hbm:s1], $0x80, s20, s7, $0xb8;
	[tilespmem:$0xF600] =	vst v63  }
0x579: {  	s21 =	simm.s32 $0x1580  }
0x57a: {  	[tilespmem:s15], [sflag:$0x4] =	stream.indirect.gather.add.f32 [hbm:s1], $0x80, s21, s7, $0xb8;
	[tilespmem:$0xF600] =	vst v63  }
0x57b: {  	_ =	swait.ge [sflag:s14], $0x3800  }
0x57c: {  	[sflag:s14] =	ssyncset.done $0x0  }
0x57d: {  	[sflag:s14] =	ssyncadd.s32 $0xFFFFC800  }
0x57e: {  	_ =	swait.ge [sflag:s14], $0x3800  }
0x57f: {  	[sflag:s14] =	ssyncset.done $0x0  }
0x580: {  	[sflag:s14] =	ssyncadd.s32 $0xFFFFC800  }
0x581: {  	_ =	swait.ge [sflag:s14], $0x3800  }
0x582: {  	[sflag:s14] =	ssyncset.done $0x0  }
0x583: {  	[sflag:s14] =	ssyncadd.s32 $0xFFFFC800  }
0x584: {  	_ =	swait.ge [sflag:s14], $0x3800  }
0x585: {  	[sflag:s14] =	ssyncset.done $0x0  }
0x586: {  	[sflag:s14] =	ssyncadd.s32 $0xFFFFC800  }
0x587: {  	_ =	swait.ge [sflag:s14], $0x3800  }
0x588: {  	[sflag:s14] =	ssyncset.done $0x0  }
0x589: {  	[sflag:s14] =	ssyncadd.s32 $0xFFFFC800  }
0x58a: {  	_ =	swait.ge [sflag:s14], $0x3800  }
0x58b: {  	[sflag:s14] =	ssyncset.done $0x0  }
0x58c: {  	[sflag:s14] =	ssyncadd.s32 $0xFFFFC800  }
0x58d: {  	_ =	swait.ge [sflag:s14], $0x3800  }
0x58e: {  	[sflag:s14] =	ssyncset.done $0x0  }
0x58f: {  	[sflag:s14] =	ssyncadd.s32 $0xFFFFC800  }
0x590: {  	_ =	swait.ge [sflag:s14], $0x3800  }
0x591: {  	[sflag:s14] =	ssyncset.done $0x0  }
0x592: {  	[sflag:s14] =	ssyncadd.s32 $0xFFFFC800  }
0x593: {  	_ =	swait.ge [sflag:s14], $0x3800  }
0x594: {  	[sflag:s14] =	ssyncset.done $0x0  }
0x595: {  	[sflag:s14] =	ssyncadd.s32 $0xFFFFC800  }
0x596: {  	_ =	swait.ge [sflag:s14], $0x3800  }
0x597: {  	[sflag:s14] =	ssyncset.done $0x0  }
0x598: {  	[sflag:s14] =	ssyncadd.s32 $0xFFFFC800  }
0x599: {  	_ =	swait.ge [sflag:s14], $0x3800  }
0x59a: {  	[sflag:s14] =	ssyncset.done $0x0  }
0x59b: {  	[sflag:s14] =	ssyncadd.s32 $0xFFFFC800  }
0x59c: {  	_ =	swait.ge [sflag:s14], $0x3800  }
0x59d: {  	[sflag:s14] =	ssyncset.done $0x0  }
0x59e: {  	[sflag:s14] =	ssyncadd.s32 $0xFFFFC800  }
0x59f: {  	_ =	swait.ge [sflag:s14], $0x3800  }
0x5a0: {  	[sflag:s14] =	ssyncset.done $0x0  }
0x5a1: {  	[sflag:s14] =	ssyncadd.s32 $0xFFFFC800  }
0x5a2: {  	_ =	swait.ge [sflag:s14], $0x3800  }
0x5a3: {  	[sflag:s14] =	ssyncset.done $0x0  }
0x5a4: {  	[sflag:s14] =	ssyncadd.s32 $0xFFFFC800  }
0x5a5: {  	_ =	swait.ge [sflag:s14], $0x3800  }
0x5a6: {  	[sflag:s14] =	ssyncset.done $0x0  }
0x5a7: {  	[sflag:s14] =	ssyncadd.s32 $0xFFFFC800  }
0x5a8: {  	_ =	swait.ge [sflag:s14], $0x3800  }
0x5a9: {  	[sflag:s14] =	ssyncset.done $0x0  }
0x5aa: {  	[sflag:s14] =	ssyncadd.s32 $0xFFFFC800  }
0x5ab: {  	_ =	swait.ge [sflag:s14], $0x3800  }
0x5ac: {  	[sflag:s14] =	ssyncset.done $0x0  }
0x5ad: {  	[sflag:s14] =	ssyncadd.s32 $0xFFFFC800  }
0x5ae: {  	_ =	swait.ge [sflag:s14], $0x3800  }
0x5af: {  	[sflag:s14] =	ssyncset.done $0x0  }
0x5b0: {  	[sflag:s14] =	ssyncadd.s32 $0xFFFFC800  }
0x5b1: {  	_ =	swait.ge [sflag:s14], $0x3800  }
0x5b2: {  	[sflag:s14] =	ssyncset.done $0x0  }
0x5b3: {  	[sflag:s14] =	ssyncadd.s32 $0xFFFFC800  }
0x5b4: {  	_ =	swait.ge [sflag:s14], $0x3800  }
0x5b5: {  	[sflag:s14] =	ssyncset.done $0x0  }
0x5b6: {  	[sflag:s14] =	ssyncadd.s32 $0xFFFFC800  }
0x5b7: {  	_ =	swait.ge [sflag:s14], $0x3800  }
0x5b8: {  	[sflag:s14] =	ssyncset.done $0x0  }
0x5b9: {  	[sflag:s14] =	ssyncadd.s32 $0xFFFFC800  }
0x5ba: {  	_ =	swait.ge [sflag:s14], $0x3800  }
0x5bb: {  	[sflag:s14] =	ssyncset.done $0x0  }
0x5bc: {  	[sflag:s14] =	ssyncadd.s32 $0xFFFFC800  }
0x5bd: {  	_ =	swait.ge [sflag:s14], $0x3800  }
0x5be: {  	[sflag:s14] =	ssyncset.done $0x0  }
0x5bf: {  	[sflag:s14] =	ssyncadd.s32 $0xFFFFC800  }
0x5c0: {  	_ =	swait.ge [sflag:s14], $0x3800  }
0x5c1: {  	[sflag:s14] =	ssyncset.done $0x0;
	s20 =	rddreg [dreg:$0x6]  }
0x5c2: {  	s22 =	simm.s32 $0x0;
	s21 =	rddreg [dreg:$0x18];
	[sflag:s14] =	ssyncadd.s32 $0xFFFFC800  }
0x5c3: {  	[hbm4b:s20+s22] =	stream.linear.scatter [tilespmem:s13], [sflag:$0x7], $0x3800, $0x38;
	[tilespmem:$0xF600] =	vst v63  }
0x5c4: {  	s3 =	simm.s32 $0x1C0;
	s22 =	simm.s32 $0x0;
	s20 =	sadd.s32 $0xC80, s21  }
.LBB2_11:
0x5c5: {  	[tilespmem:s22], [sflag:$0x9] =	stream.linear.gather [hbm4b:s21+s4], $0x70, $0x38;
	[tilespmem:$0xF600] =	vst v63  }
0x5c6: {  	s22 =	smov.u32 s3;
	s21 =	smov.u32 s20;
	p1 =	sne.s32 s3, $0x2A00  }
.Ltmp15:
0x5c7: {  	s3 =	sadd.s32 $0x1C0, s3;
	(pc) =	sbr.rel @p1 .LBB2_11-.Ltmp15, $2  }
0x5c8: {  	_ =	sdelay $0x2  }
0x5c9: {  	s20 =	sadd.s32 $0xC80, s20;
	s22 =	sshra.s32 s22, $0x2  }
0x5ca: {  	[tilespmem:s22], [sflag:$0x9] =	stream.linear.gather [hbm4b:s21+s4], $0x70, $0x38;
	[tilespmem:$0xF600] =	vst v63  }
0x5cb: {  	_ =	swait.ge [sflag:s6], $0xAF0  }
0x5cc: {  	[sflag:s6] =	ssyncset.done $0x0  }
0x5cd: {  	[sflag:s6] =	ssyncadd.s32 $0xFFFFF510  }
0x5ce: {  	_ =	swait.ge [sflag:s9], $0x3800  }
0x5cf: {  	[sflag:s9] =	ssyncset.done $0x0  }
0x5d0: {  	s3 =	simm.s32 $0x0;
	[sflag:s9] =	ssyncadd.s32 $0xFFFFC800  }
0x5d1: {  	[tilespmem:s8], [sflag:$0x1] =	stream.indirect.gather [hbm4b:s1+s7], $0x80, s3, s7, $0xb8;
	[tilespmem:$0xF600] =	vst v63  }
0x5d2: {  	_ =	swait.ge [sflag:s10], $0x3800  }
0x5d3: {  	[sflag:s10] =	ssyncset.done $0x0  }
0x5d4: {  	[sflag:s10] =	ssyncadd.s32 $0xFFFFC800  }
0x5d5: {  	[tilespmem:s8], [sflag:$0x1] =	stream.indirect.gather.add.f32 [hbm:s1], $0x80, s7, s7, $0xb8;
	[tilespmem:$0xF600] =	vst v63  }
0x5d6: {  	s20 =	simm.s32 $0xE0  }
0x5d7: {  	[tilespmem:s8], [sflag:$0x1] =	stream.indirect.gather.add.f32 [hbm:s1], $0x80, s20, s7, $0xb8;
	[tilespmem:$0xF600] =	vst v63  }
0x5d8: {  	s21 =	simm.s32 $0x150  }
0x5d9: {  	[tilespmem:s8], [sflag:$0x1] =	stream.indirect.gather.add.f32 [hbm:s1], $0x80, s21, s7, $0xb8;
	[tilespmem:$0xF600] =	vst v63  }
0x5da: {  	s22 =	simm.s32 $0x1C0  }
0x5db: {  	[tilespmem:s8], [sflag:$0x1] =	stream.indirect.gather.add.f32 [hbm:s1], $0x80, s22, s7, $0xb8;
	[tilespmem:$0xF600] =	vst v63  }
0x5dc: {  	s21 =	simm.s32 $0x230  }
0x5dd: {  	[tilespmem:s8], [sflag:$0x1] =	stream.indirect.gather.add.f32 [hbm:s1], $0x80, s21, s7, $0xb8;
	[tilespmem:$0xF600] =	vst v63  }
0x5de: {  	s22 =	simm.s32 $0x2A0  }
0x5df: {  	[tilespmem:s8], [sflag:$0x1] =	stream.indirect.gather.add.f32 [hbm:s1], $0x80, s22, s7, $0xb8;
	[tilespmem:$0xF600] =	vst v63  }
0x5e0: {  	s21 =	simm.s32 $0x310  }
0x5e1: {  	[tilespmem:s8], [sflag:$0x1] =	stream.indirect.gather.add.f32 [hbm:s1], $0x80, s21, s7, $0xb8;
	[tilespmem:$0xF600] =	vst v63  }
0x5e2: {  	s22 =	simm.s32 $0x380  }
0x5e3: {  	[tilespmem:s8], [sflag:$0x1] =	stream.indirect.gather.add.f32 [hbm:s1], $0x80, s22, s7, $0xb8;
	[tilespmem:$0xF600] =	vst v63  }
0x5e4: {  	s21 =	simm.s32 $0x3F0  }
0x5e5: {  	[tilespmem:s8], [sflag:$0x1] =	stream.indirect.gather.add.f32 [hbm:s1], $0x80, s21, s7, $0xb8;
	[tilespmem:$0xF600] =	vst v63  }
0x5e6: {  	s22 =	simm.s32 $0x460  }
0x5e7: {  	[tilespmem:s8], [sflag:$0x1] =	stream.indirect.gather.add.f32 [hbm:s1], $0x80, s22, s7, $0xb8;
	[tilespmem:$0xF600] =	vst v63  }
0x5e8: {  	s21 =	simm.s32 $0x4D0  }
0x5e9: {  	[tilespmem:s8], [sflag:$0x1] =	stream.indirect.gather.add.f32 [hbm:s1], $0x80, s21, s7, $0xb8;
	[tilespmem:$0xF600] =	vst v63  }
0x5ea: {  	s22 =	simm.s32 $0x540  }
0x5eb: {  	[tilespmem:s8], [sflag:$0x1] =	stream.indirect.gather.add.f32 [hbm:s1], $0x80, s22, s7, $0xb8;
	[tilespmem:$0xF600] =	vst v63  }
0x5ec: {  	s21 =	simm.s32 $0x5B0  }
0x5ed: {  	[tilespmem:s8], [sflag:$0x1] =	stream.indirect.gather.add.f32 [hbm:s1], $0x80, s21, s7, $0xb8;
	[tilespmem:$0xF600] =	vst v63  }
0x5ee: {  	s22 =	simm.s32 $0x620  }
0x5ef: {  	[tilespmem:s8], [sflag:$0x1] =	stream.indirect.gather.add.f32 [hbm:s1], $0x80, s22, s7, $0xb8;
	[tilespmem:$0xF600] =	vst v63  }
0x5f0: {  	_ = 	snop  }
0x5f1: {  	[tilespmem:s8], [sflag:$0x1] =	stream.indirect.gather.add.f32 [hbm:s1], $0x80, s23, s7, $0xb8;
	[tilespmem:$0xF600] =	vst v63  }
0x5f2: {  	_ = 	snop  }
0x5f3: {  	[tilespmem:s8], [sflag:$0x1] =	stream.indirect.gather.add.f32 [hbm:s1], $0x80, s24, s7, $0xb8;
	[tilespmem:$0xF600] =	vst v63  }
0x5f4: {  	_ = 	snop  }
0x5f5: {  	[tilespmem:s8], [sflag:$0x1] =	stream.indirect.gather.add.f32 [hbm:s1], $0x80, s25, s7, $0xb8;
	[tilespmem:$0xF600] =	vst v63  }
0x5f6: {  	_ = 	snop  }
0x5f7: {  	[tilespmem:s8], [sflag:$0x1] =	stream.indirect.gather.add.f32 [hbm:s1], $0x80, s26, s7, $0xb8;
	[tilespmem:$0xF600] =	vst v63  }
0x5f8: {  	_ = 	snop  }
0x5f9: {  	[tilespmem:s8], [sflag:$0x1] =	stream.indirect.gather.add.f32 [hbm:s1], $0x80, s28, s7, $0xb8;
	[tilespmem:$0xF600] =	vst v63  }
0x5fa: {  	_ = 	snop  }
0x5fb: {  	[tilespmem:s8], [sflag:$0x1] =	stream.indirect.gather.add.f32 [hbm:s1], $0x80, s29, s7, $0xb8;
	[tilespmem:$0xF600] =	vst v63  }
0x5fc: {  	_ = 	snop  }
0x5fd: {  	[tilespmem:s8], [sflag:$0x1] =	stream.indirect.gather.add.f32 [hbm:s1], $0x80, s30, s7, $0xb8;
	[tilespmem:$0xF600] =	vst v63  }
0x5fe: {  	_ = 	snop  }
0x5ff: {  	[tilespmem:s8], [sflag:$0x1] =	stream.indirect.gather.add.f32 [hbm:s1], $0x80, s31, s7, $0xb8;
	[tilespmem:$0xF600] =	vst v63  }
0x600: {  	_ = 	snop  }
0x601: {  	[tilespmem:s8], [sflag:$0x1] =	stream.indirect.gather.add.f32 [hbm:s1], $0x80, s0, s7, $0xb8;
	[tilespmem:$0xF600] =	vst v63  }
0x602: {  	_ = 	snop  }
0x603: {  	[tilespmem:s8], [sflag:$0x1] =	stream.indirect.gather.add.f32 [hbm:s1], $0x80, s2, s7, $0xb8;
	[tilespmem:$0xF600] =	vst v63  }
0x604: {  	_ =	swait.ge [sflag:s17], $0x3800  }
0x605: {  	[sflag:s17] =	ssyncset.done $0x0  }
0x606: {  	[sflag:s17] =	ssyncadd.s32 $0xFFFFC800  }
0x607: {  	_ =	swait.ge [sflag:s17], $0x3800  }
0x608: {  	[sflag:s17] =	ssyncset.done $0x0  }
0x609: {  	[sflag:s17] =	ssyncadd.s32 $0xFFFFC800  }
0x60a: {  	_ =	swait.ge [sflag:s17], $0x3800  }
0x60b: {  	[sflag:s17] =	ssyncset.done $0x0  }
0x60c: {  	[sflag:s17] =	ssyncadd.s32 $0xFFFFC800  }
0x60d: {  	_ =	swait.ge [sflag:s17], $0x3800  }
0x60e: {  	[sflag:s17] =	ssyncset.done $0x0  }
0x60f: {  	[sflag:s17] =	ssyncadd.s32 $0xFFFFC800  }
0x610: {  	_ =	swait.ge [sflag:s17], $0x3800  }
0x611: {  	[sflag:s17] =	ssyncset.done $0x0  }
0x612: {  	[sflag:s17] =	ssyncadd.s32 $0xFFFFC800  }
0x613: {  	_ =	swait.ge [sflag:s17], $0x3800  }
0x614: {  	[sflag:s17] =	ssyncset.done $0x0  }
0x615: {  	[sflag:s17] =	ssyncadd.s32 $0xFFFFC800  }
0x616: {  	_ =	swait.ge [sflag:s17], $0x3800  }
0x617: {  	[sflag:s17] =	ssyncset.done $0x0  }
0x618: {  	[sflag:s17] =	ssyncadd.s32 $0xFFFFC800  }
0x619: {  	_ =	swait.ge [sflag:s17], $0x3800  }
0x61a: {  	[sflag:s17] =	ssyncset.done $0x0  }
0x61b: {  	[sflag:s17] =	ssyncadd.s32 $0xFFFFC800  }
0x61c: {  	_ =	swait.ge [sflag:s17], $0x3800  }
0x61d: {  	[sflag:s17] =	ssyncset.done $0x0  }
0x61e: {  	[sflag:s17] =	ssyncadd.s32 $0xFFFFC800  }
0x61f: {  	_ =	swait.ge [sflag:s17], $0x3800  }
0x620: {  	[sflag:s17] =	ssyncset.done $0x0  }
0x621: {  	[sflag:s17] =	ssyncadd.s32 $0xFFFFC800  }
0x622: {  	_ =	swait.ge [sflag:s17], $0x3800  }
0x623: {  	[sflag:s17] =	ssyncset.done $0x0  }
0x624: {  	[sflag:s17] =	ssyncadd.s32 $0xFFFFC800  }
0x625: {  	_ =	swait.ge [sflag:s17], $0x3800  }
0x626: {  	[sflag:s17] =	ssyncset.done $0x0  }
0x627: {  	[sflag:s17] =	ssyncadd.s32 $0xFFFFC800  }
0x628: {  	_ =	swait.ge [sflag:s17], $0x3800  }
0x629: {  	[sflag:s17] =	ssyncset.done $0x0  }
0x62a: {  	[sflag:s17] =	ssyncadd.s32 $0xFFFFC800  }
0x62b: {  	_ =	swait.ge [sflag:s17], $0x3800  }
0x62c: {  	[sflag:s17] =	ssyncset.done $0x0  }
0x62d: {  	[sflag:s17] =	ssyncadd.s32 $0xFFFFC800  }
0x62e: {  	_ =	swait.ge [sflag:s17], $0x3800  }
0x62f: {  	[sflag:s17] =	ssyncset.done $0x0  }
0x630: {  	[sflag:s17] =	ssyncadd.s32 $0xFFFFC800  }
0x631: {  	_ =	swait.ge [sflag:s17], $0x3800  }
0x632: {  	[sflag:s17] =	ssyncset.done $0x0  }
0x633: {  	[sflag:s17] =	ssyncadd.s32 $0xFFFFC800  }
0x634: {  	_ =	swait.ge [sflag:s17], $0x3800  }
0x635: {  	[sflag:s17] =	ssyncset.done $0x0  }
0x636: {  	[sflag:s17] =	ssyncadd.s32 $0xFFFFC800  }
0x637: {  	_ =	swait.ge [sflag:s17], $0x3800  }
0x638: {  	[sflag:s17] =	ssyncset.done $0x0  }
0x639: {  	[sflag:s17] =	ssyncadd.s32 $0xFFFFC800  }
0x63a: {  	_ =	swait.ge [sflag:s17], $0x3800  }
0x63b: {  	[sflag:s17] =	ssyncset.done $0x0  }
0x63c: {  	[sflag:s17] =	ssyncadd.s32 $0xFFFFC800  }
0x63d: {  	_ =	swait.ge [sflag:s17], $0x3800  }
0x63e: {  	[sflag:s17] =	ssyncset.done $0x0  }
0x63f: {  	[sflag:s17] =	ssyncadd.s32 $0xFFFFC800  }
0x640: {  	_ =	swait.ge [sflag:s17], $0x3800  }
0x641: {  	[sflag:s17] =	ssyncset.done $0x0  }
0x642: {  	[sflag:s17] =	ssyncadd.s32 $0xFFFFC800  }
0x643: {  	_ =	swait.ge [sflag:s17], $0x3800  }
0x644: {  	[sflag:s17] =	ssyncset.done $0x0  }
0x645: {  	[sflag:s17] =	ssyncadd.s32 $0xFFFFC800  }
0x646: {  	_ =	swait.ge [sflag:s17], $0x3800  }
0x647: {  	[sflag:s17] =	ssyncset.done $0x0  }
0x648: {  	[sflag:s17] =	ssyncadd.s32 $0xFFFFC800  }
0x649: {  	_ =	swait.ge [sflag:s17], $0x3800  }
0x64a: {  	[sflag:s17] =	ssyncset.done $0x0  }
0x64b: {  	s21 =	rddreg [dreg:$0x7];
	[sflag:s17] =	ssyncadd.s32 $0xFFFFC800  }
0x64c: {  	[hbm4b:s21+s3] =	stream.linear.scatter [tilespmem:s15], [sflag:$0x8], $0x3800, $0x38;
	[tilespmem:$0xF600] =	vst v63  }
0x64d: {  	s22 =	simm.s32 $0xB00;
	s20 =	rddreg [dreg:$0x19];
	s3 =	simm.s32 $0x1C0  }
0x64e: {  	[tilespmem:s22], [sflag:$0xA] =	stream.linear.gather [hbm4b:s20+s4], $0x70, $0x38;
	[tilespmem:$0xF600] =	vst v63  }
.LBB2_13:
0x64f: {  	p1 =	sne.s32 s3, $0x2A00  }
.Ltmp16:
0x650: {  	_ = 	snop;
	(pc) =	sbr.rel @p1 .LBB2_13-.Ltmp16, $4  }
0x651: {  	_ = 	snop  }
0x652: {  	s21 =	sshra.s32 s3, $0x2;
	s3 =	sadd.s32 $0x1C0, s3  }
0x653: {  	s20 =	sadd.s32 $0xC80, s20;
	s21 =	sadd.s32 $0xB00, s21  }
0x654: {  	[tilespmem:s21], [sflag:$0xA] =	stream.linear.gather [hbm4b:s20+s4], $0x70, $0x38;
	[tilespmem:$0xF600] =	vst v63  }
0x655: {  	_ =	swait.ge [sflag:s5], $0xAF0  }
0x656: {  	[sflag:s5] =	ssyncset.done $0x0  }
0x657: {  	[sflag:s5] =	ssyncadd.s32 $0xFFFFF510  }
0x658: {  	_ =	swait.ge [sflag:s11], $0x3800  }
0x659: {  	[sflag:s11] =	ssyncset.done $0x0  }
0x65a: {  	s3 =	simm.s32 $0xB00;
	[sflag:s11] =	ssyncadd.s32 $0xFFFFC800  }
0x65b: {  	[tilespmem:s19], [sflag:$0x2] =	stream.indirect.gather [hbm4b:s1+s7], $0x80, s3, s7, $0xb8;
	[tilespmem:$0xF600] =	vst v63  }
0x65c: {  	_ =	swait.ge [sflag:s12], $0x3800  }
0x65d: {  	[sflag:s12] =	ssyncset.done $0x0  }
0x65e: {  	s22 =	simm.s32 $0xB70;
	[sflag:s12] =	ssyncadd.s32 $0xFFFFC800  }
0x65f: {  	[tilespmem:s19], [sflag:$0x2] =	stream.indirect.gather.add.f32 [hbm:s1], $0x80, s22, s7, $0xb8;
	[tilespmem:$0xF600] =	vst v63  }
0x660: {  	s20 =	simm.s32 $0xBE0  }
0x661: {  	[tilespmem:s19], [sflag:$0x2] =	stream.indirect.gather.add.f32 [hbm:s1], $0x80, s20, s7, $0xb8;
	[tilespmem:$0xF600] =	vst v63  }
0x662: {  	s21 =	simm.s32 $0xC50  }
0x663: {  	[tilespmem:s19], [sflag:$0x2] =	stream.indirect.gather.add.f32 [hbm:s1], $0x80, s21, s7, $0xb8;
	[tilespmem:$0xF600] =	vst v63  }
0x664: {  	s22 =	simm.s32 $0xCC0  }
0x665: {  	[tilespmem:s19], [sflag:$0x2] =	stream.indirect.gather.add.f32 [hbm:s1], $0x80, s22, s7, $0xb8;
	[tilespmem:$0xF600] =	vst v63  }
0x666: {  	s20 =	simm.s32 $0xD30  }
0x667: {  	[tilespmem:s19], [sflag:$0x2] =	stream.indirect.gather.add.f32 [hbm:s1], $0x80, s20, s7, $0xb8;
	[tilespmem:$0xF600] =	vst v63  }
0x668: {  	s21 =	simm.s32 $0xDA0  }
0x669: {  	[tilespmem:s19], [sflag:$0x2] =	stream.indirect.gather.add.f32 [hbm:s1], $0x80, s21, s7, $0xb8;
	[tilespmem:$0xF600] =	vst v63  }
0x66a: {  	s22 =	simm.s32 $0xE10  }
0x66b: {  	[tilespmem:s19], [sflag:$0x2] =	stream.indirect.gather.add.f32 [hbm:s1], $0x80, s22, s7, $0xb8;
	[tilespmem:$0xF600] =	vst v63  }
0x66c: {  	s20 =	simm.s32 $0xE80  }
0x66d: {  	[tilespmem:s19], [sflag:$0x2] =	stream.indirect.gather.add.f32 [hbm:s1], $0x80, s20, s7, $0xb8;
	[tilespmem:$0xF600] =	vst v63  }
0x66e: {  	s21 =	simm.s32 $0xEF0  }
0x66f: {  	[tilespmem:s19], [sflag:$0x2] =	stream.indirect.gather.add.f32 [hbm:s1], $0x80, s21, s7, $0xb8;
	[tilespmem:$0xF600] =	vst v63  }
0x670: {  	s22 =	simm.s32 $0xF60  }
0x671: {  	[tilespmem:s19], [sflag:$0x2] =	stream.indirect.gather.add.f32 [hbm:s1], $0x80, s22, s7, $0xb8;
	[tilespmem:$0xF600] =	vst v63  }
0x672: {  	s20 =	simm.s32 $0xFD0  }
0x673: {  	[tilespmem:s19], [sflag:$0x2] =	stream.indirect.gather.add.f32 [hbm:s1], $0x80, s20, s7, $0xb8;
	[tilespmem:$0xF600] =	vst v63  }
0x674: {  	s21 =	simm.s32 $0x1040  }
0x675: {  	[tilespmem:s19], [sflag:$0x2] =	stream.indirect.gather.add.f32 [hbm:s1], $0x80, s21, s7, $0xb8;
	[tilespmem:$0xF600] =	vst v63  }
0x676: {  	s22 =	simm.s32 $0x10B0  }
0x677: {  	[tilespmem:s19], [sflag:$0x2] =	stream.indirect.gather.add.f32 [hbm:s1], $0x80, s22, s7, $0xb8;
	[tilespmem:$0xF600] =	vst v63  }
0x678: {  	s20 =	simm.s32 $0x1120  }
0x679: {  	[tilespmem:s19], [sflag:$0x2] =	stream.indirect.gather.add.f32 [hbm:s1], $0x80, s20, s7, $0xb8;
	[tilespmem:$0xF600] =	vst v63  }
0x67a: {  	s21 =	simm.s32 $0x1190  }
0x67b: {  	[tilespmem:s19], [sflag:$0x2] =	stream.indirect.gather.add.f32 [hbm:s1], $0x80, s21, s7, $0xb8;
	[tilespmem:$0xF600] =	vst v63  }
0x67c: {  	s22 =	simm.s32 $0x1200  }
0x67d: {  	[tilespmem:s19], [sflag:$0x2] =	stream.indirect.gather.add.f32 [hbm:s1], $0x80, s22, s7, $0xb8;
	[tilespmem:$0xF600] =	vst v63  }
0x67e: {  	s20 =	simm.s32 $0x1270  }
0x67f: {  	[tilespmem:s19], [sflag:$0x2] =	stream.indirect.gather.add.f32 [hbm:s1], $0x80, s20, s7, $0xb8;
	[tilespmem:$0xF600] =	vst v63  }
0x680: {  	s21 =	simm.s32 $0x12E0  }
0x681: {  	[tilespmem:s19], [sflag:$0x2] =	stream.indirect.gather.add.f32 [hbm:s1], $0x80, s21, s7, $0xb8;
	[tilespmem:$0xF600] =	vst v63  }
0x682: {  	s22 =	simm.s32 $0x1350  }
0x683: {  	[tilespmem:s19], [sflag:$0x2] =	stream.indirect.gather.add.f32 [hbm:s1], $0x80, s22, s7, $0xb8;
	[tilespmem:$0xF600] =	vst v63  }
0x684: {  	s20 =	simm.s32 $0x13C0  }
0x685: {  	[tilespmem:s19], [sflag:$0x2] =	stream.indirect.gather.add.f32 [hbm:s1], $0x80, s20, s7, $0xb8;
	[tilespmem:$0xF600] =	vst v63  }
0x686: {  	s21 =	simm.s32 $0x1430  }
0x687: {  	[tilespmem:s19], [sflag:$0x2] =	stream.indirect.gather.add.f32 [hbm:s1], $0x80, s21, s7, $0xb8;
	[tilespmem:$0xF600] =	vst v63  }
0x688: {  	s22 =	simm.s32 $0x14A0  }
0x689: {  	[tilespmem:s19], [sflag:$0x2] =	stream.indirect.gather.add.f32 [hbm:s1], $0x80, s22, s7, $0xb8;
	[tilespmem:$0xF600] =	vst v63  }
0x68a: {  	s20 =	simm.s32 $0x1510  }
0x68b: {  	[tilespmem:s19], [sflag:$0x2] =	stream.indirect.gather.add.f32 [hbm:s1], $0x80, s20, s7, $0xb8;
	[tilespmem:$0xF600] =	vst v63  }
0x68c: {  	s21 =	simm.s32 $0x1580  }
0x68d: {  	[tilespmem:s19], [sflag:$0x2] =	stream.indirect.gather.add.f32 [hbm:s1], $0x80, s21, s7, $0xb8;
	[tilespmem:$0xF600] =	vst v63  }
0x68e: {  	_ =	swait.ge [sflag:s10], $0x3800  }
0x68f: {  	[sflag:s10] =	ssyncset.done $0x0  }
0x690: {  	[sflag:s10] =	ssyncadd.s32 $0xFFFFC800  }
0x691: {  	_ =	swait.ge [sflag:s10], $0x3800  }
0x692: {  	[sflag:s10] =	ssyncset.done $0x0  }
0x693: {  	[sflag:s10] =	ssyncadd.s32 $0xFFFFC800  }
0x694: {  	_ =	swait.ge [sflag:s10], $0x3800  }
0x695: {  	[sflag:s10] =	ssyncset.done $0x0  }
0x696: {  	[sflag:s10] =	ssyncadd.s32 $0xFFFFC800  }
0x697: {  	_ =	swait.ge [sflag:s10], $0x3800  }
0x698: {  	[sflag:s10] =	ssyncset.done $0x0  }
0x699: {  	[sflag:s10] =	ssyncadd.s32 $0xFFFFC800  }
0x69a: {  	_ =	swait.ge [sflag:s10], $0x3800  }
0x69b: {  	[sflag:s10] =	ssyncset.done $0x0  }
0x69c: {  	[sflag:s10] =	ssyncadd.s32 $0xFFFFC800  }
0x69d: {  	_ =	swait.ge [sflag:s10], $0x3800  }
0x69e: {  	[sflag:s10] =	ssyncset.done $0x0  }
0x69f: {  	[sflag:s10] =	ssyncadd.s32 $0xFFFFC800  }
0x6a0: {  	_ =	swait.ge [sflag:s10], $0x3800  }
0x6a1: {  	[sflag:s10] =	ssyncset.done $0x0  }
0x6a2: {  	[sflag:s10] =	ssyncadd.s32 $0xFFFFC800  }
0x6a3: {  	_ =	swait.ge [sflag:s10], $0x3800  }
0x6a4: {  	[sflag:s10] =	ssyncset.done $0x0  }
0x6a5: {  	[sflag:s10] =	ssyncadd.s32 $0xFFFFC800  }
0x6a6: {  	_ =	swait.ge [sflag:s10], $0x3800  }
0x6a7: {  	[sflag:s10] =	ssyncset.done $0x0  }
0x6a8: {  	[sflag:s10] =	ssyncadd.s32 $0xFFFFC800  }
0x6a9: {  	_ =	swait.ge [sflag:s10], $0x3800  }
0x6aa: {  	[sflag:s10] =	ssyncset.done $0x0  }
0x6ab: {  	[sflag:s10] =	ssyncadd.s32 $0xFFFFC800  }
0x6ac: {  	_ =	swait.ge [sflag:s10], $0x3800  }
0x6ad: {  	[sflag:s10] =	ssyncset.done $0x0  }
0x6ae: {  	[sflag:s10] =	ssyncadd.s32 $0xFFFFC800  }
0x6af: {  	_ =	swait.ge [sflag:s10], $0x3800  }
0x6b0: {  	[sflag:s10] =	ssyncset.done $0x0  }
0x6b1: {  	[sflag:s10] =	ssyncadd.s32 $0xFFFFC800  }
0x6b2: {  	_ =	swait.ge [sflag:s10], $0x3800  }
0x6b3: {  	[sflag:s10] =	ssyncset.done $0x0  }
0x6b4: {  	[sflag:s10] =	ssyncadd.s32 $0xFFFFC800  }
0x6b5: {  	_ =	swait.ge [sflag:s10], $0x3800  }
0x6b6: {  	[sflag:s10] =	ssyncset.done $0x0  }
0x6b7: {  	[sflag:s10] =	ssyncadd.s32 $0xFFFFC800  }
0x6b8: {  	_ =	swait.ge [sflag:s10], $0x3800  }
0x6b9: {  	[sflag:s10] =	ssyncset.done $0x0  }
0x6ba: {  	[sflag:s10] =	ssyncadd.s32 $0xFFFFC800  }
0x6bb: {  	_ =	swait.ge [sflag:s10], $0x3800  }
0x6bc: {  	[sflag:s10] =	ssyncset.done $0x0  }
0x6bd: {  	[sflag:s10] =	ssyncadd.s32 $0xFFFFC800  }
0x6be: {  	_ =	swait.ge [sflag:s10], $0x3800  }
0x6bf: {  	[sflag:s10] =	ssyncset.done $0x0  }
0x6c0: {  	[sflag:s10] =	ssyncadd.s32 $0xFFFFC800  }
0x6c1: {  	_ =	swait.ge [sflag:s10], $0x3800  }
0x6c2: {  	[sflag:s10] =	ssyncset.done $0x0  }
0x6c3: {  	[sflag:s10] =	ssyncadd.s32 $0xFFFFC800  }
0x6c4: {  	_ =	swait.ge [sflag:s10], $0x3800  }
0x6c5: {  	[sflag:s10] =	ssyncset.done $0x0  }
0x6c6: {  	[sflag:s10] =	ssyncadd.s32 $0xFFFFC800  }
0x6c7: {  	_ =	swait.ge [sflag:s10], $0x3800  }
0x6c8: {  	[sflag:s10] =	ssyncset.done $0x0  }
0x6c9: {  	[sflag:s10] =	ssyncadd.s32 $0xFFFFC800  }
0x6ca: {  	_ =	swait.ge [sflag:s10], $0x3800  }
0x6cb: {  	[sflag:s10] =	ssyncset.done $0x0  }
0x6cc: {  	[sflag:s10] =	ssyncadd.s32 $0xFFFFC800  }
0x6cd: {  	_ =	swait.ge [sflag:s10], $0x3800  }
0x6ce: {  	[sflag:s10] =	ssyncset.done $0x0  }
0x6cf: {  	[sflag:s10] =	ssyncadd.s32 $0xFFFFC800  }
0x6d0: {  	_ =	swait.ge [sflag:s10], $0x3800  }
0x6d1: {  	[sflag:s10] =	ssyncset.done $0x0  }
0x6d2: {  	[sflag:s10] =	ssyncadd.s32 $0xFFFFC800  }
0x6d3: {  	_ =	swait.ge [sflag:s10], $0x3800  }
0x6d4: {  	[sflag:s10] =	ssyncset.done $0x0;
	s20 =	rddreg [dreg:$0x9]  }
0x6d5: {  	s22 =	simm.s32 $0x0;
	s21 =	rddreg [dreg:$0x1a];
	[sflag:s10] =	ssyncadd.s32 $0xFFFFC800  }
0x6d6: {  	[hbm4b:s20+s22] =	stream.linear.scatter [tilespmem:s8], [sflag:$0x5], $0x3800, $0x38;
	[tilespmem:$0xF600] =	vst v63  }
0x6d7: {  	s3 =	simm.s32 $0x1C0;
	s22 =	simm.s32 $0x0;
	s20 =	sadd.s32 $0xC80, s21  }
.LBB2_15:
0x6d8: {  	[tilespmem:s22], [sflag:$0x9] =	stream.linear.gather [hbm4b:s21+s4], $0x70, $0x38;
	[tilespmem:$0xF600] =	vst v63  }
0x6d9: {  	s22 =	smov.u32 s3;
	s21 =	smov.u32 s20;
	p1 =	seq.s32 s3, $0x2A00  }
.Ltmp17:
0x6da: {  	s3 =	sadd.s32 $0x1C0, s3;
	(pc) =	sbr.rel @!p1 .LBB2_15-.Ltmp17, $2  }
0x6db: {  	_ =	sdelay $0x2  }
0x6dc: {  	s20 =	sadd.s32 $0xC80, s20;
	s22 =	sshra.s32 s22, $0x2  }
.Ltmp18:
0x6dd: {  	(pc) =	sbr.rel .LBB2_32-.Ltmp18, $4  }
0x6de: {  	_ = 	snop  }
0x6df: {  	[tilespmem:s22], [sflag:$0x9] =	stream.linear.gather [hbm4b:s21+s4], $0x70, $0x38;
	[tilespmem:$0xF600] =	vst v63  }
0x6e0: {  	s20 =	rddreg [dreg:$0x8]  }
0x6e1: {  	s3 =	rddreg [dreg:$0xa]  }
.LBB2_33:
0x6e2: {  	_ =	sfence.sel $0x180000  }
0x6e3: {  	[bflag:$0x0] =	sbarrier.arrive $0xFFFF  }
0x6e4: {  	_ =	strace $0x90000047  }
0x6e5: {  	s0 =	stileid.u32;
	[bflag:$0x2] =	sbarrier.arrive $0xFFFF  }
0x6e6: {  	p0 =	sne.s32 s0, $0x0;
	s0 =	rddreg [dreg:$0x3]  }
0x6e7: {  	s0 =	sadd.s32 @!p0 $0x100000, s0  }
0x6e8: {  	[sflag:s0] =	ssyncadd.tile.s32 @!p0 $0x1;
	_ =	shalt  }
.Lfunc_end2:
_tile_overlayer_lowered:
.L_overlay_start_2:
0x6e9: {  	(tag) =	ssettag $0x2  }
0x6ea: {  	s0 =	rddreg [dreg:$0x0];
	s2 =	stileid.u32  }
0x6eb: {  	s1 =	rddreg [dreg:$0x1];
	p0 =	sne.s32 s2, $0x0  }
0x6ec: {  	s3 =	rddreg [dreg:$0x2];
	[bflag:$0x3] =	sbarrier.arrive $0xFFFF;
	s2 =	simm.s32 @!p0 $0x1C0B  }
0x6ed: {  	[timem:s3], [sflag:s2] =	dma.local @!p0 [hbm:s0], s1  }
0x6ee: {  	s0 =	simm.s32 @!p0 $0xB  }
0x6ef: {  	_ =	swait.ge @!p0 [sflag:s0], s1  }
0x6f0: {  	s1 =	ssub.s32 @!p0 $0x0, s1;
	[sflag:s0] =	ssyncset.done @!p0 $0x0  }
0x6f1: {  	[sflag:s0] =	ssyncadd.s32 @!p0 s1  }
0x6f2: {  	[bflag:$0x3] =	sbarrier.arrive $0xFFFF  }
0x6f3: {  	_ =	shalt  }

</sc_bundles>
